<compile_context>
chip_gen: v7x
topology: tpu7x:2x2x1
jax: 0.10.2.dev20260603
libtpu: 0.0.44.dev20260713+nightly
codegen_flags: <defaults>
</compile_context>

<pallas_src>
import functools

import jax
import jax.numpy as jnp
from jax import lax
from jax.experimental import pallas as pl
from jax.experimental.pallas import tpu as pltpu
from jax.experimental.pallas import tpu_sc as plsc

HIDDEN_DIM = 512
BATCH = 16384
LANES = 16

_info = plsc.get_sparse_core_info()
NC, NS = _info.num_cores, _info.num_subcores
NW = NC * NS
B_PER_W = BATCH // NW

QROWS = 2
NQPAT = 2 ** QROWS
NGRP = B_PER_W // LANES
N_Q = B_PER_W // QROWS

NCOL = 4
CW = HIDDEN_DIM // NCOL
JH = CW // LANES


def _perm(x, idx):
    return lax.gather(
        x, idx.reshape(LANES, 1),
        lax.GatherDimensionNumbers(
            offset_dims=(), collapsed_slice_dims=(0,), start_index_map=(0,)),
        (1,), mode=lax.GatherScatterMode.PROMISE_IN_BOUNDS)


def _mesh_kernel():
    mesh = plsc.VectorSubcoreMesh(core_axis_name="c", subcore_axis_name="s")

    @functools.partial(
        pl.kernel,
        mesh=mesh,
        out_type=jax.ShapeDtypeStruct((BATCH, HIDDEN_DIM), jnp.float32),
        scratch_types=[
            pltpu.VMEM((B_PER_W,), jnp.int32),
            pltpu.VMEM((2, HIDDEN_DIM), jnp.float32),
            pltpu.VMEM((NQPAT, QROWS, HIDDEN_DIM), jnp.float32),
            pltpu.SemaphoreType.DMA,
            pltpu.SemaphoreType.DMA,
            pltpu.SemaphoreType.DMA,
        ],
    )
    def body(table_hbm, idx_hbm, out_hbm, idx_v, tab_v, pairs,
             sem, semi, semt):
        wid = lax.axis_index("s") * NC + lax.axis_index("c")
        base = wid * B_PER_W
        cp_idx = pltpu.async_copy(idx_hbm.at[wid], idx_v, semi)
        cp_tab = pltpu.async_copy(table_hbm, tab_v, semt)

        lane = lax.iota(jnp.int32, LANES)
        wvec = 2 >> jnp.bitwise_and(lane, 1)

        cp_tab.wait()
        for h in range(NCOL):
            c0 = h * CW
            w0 = [tab_v[0, pl.ds(c0 + j * LANES, LANES)] for j in range(JH)]
            w1 = [tab_v[1, pl.ds(c0 + j * LANES, LANES)] for j in range(JH)]
            for q in range(NQPAT):
                for rr in range(QROWS):
                    src = w1 if (q >> (QROWS - 1 - rr)) & 1 else w0
                    for j in range(JH):
                        pairs[q, rr, pl.ds(c0 + j * LANES, LANES)] = src[j]

        cp_idx.wait()

        def issue_body(t, _):
            v = idx_v[pl.ds(t * LANES, LANES)]
            s = v * wvec
            s = s + _perm(s, jnp.bitwise_xor(lane, 1))
            row0 = base + t * LANES
            for i in range(LANES // QROWS):
                pltpu.async_copy(
                    pairs.at[s[QROWS * i]],
                    out_hbm.at[pl.ds(row0 + i * QROWS, QROWS)], sem)
            return 0

        lax.fori_loop(0, NGRP, issue_body, 0)

        def drain_body(t, _):
            pltpu.make_async_copy(
                pairs.at[0], out_hbm.at[pl.ds(base, QROWS)], sem).wait()
            return 0

        lax.fori_loop(0, N_Q, drain_body, 0)

    return body


_sc_lookup = _mesh_kernel()


@jax.jit
def kernel(domain_ids, embed_weight):
    ids = domain_ids.astype(jnp.int32).reshape(NW, B_PER_W)
    return _sc_lookup(embed_weight, ids)

# --- scband reference (transcript-rebuilt; emitter-appended) ---
"""Pipeline reference for scband-domain-embedding-6794638262580 (READ-ONLY COPY).

The authoritative reference and input builder live on the scoring server;
editing this copy changes nothing except your own understanding.
"""

import jax, jax.numpy as jnp
import numpy as np

HIDDEN_DIM = 512
BATCH = 16384

def setup_inputs(seed: int = 0) -> dict:
    key = jax.random.key(seed)
    k1, k2 = jax.random.split(key)
    domain_ids = jax.random.randint(k1, (BATCH,), 0, 2, dtype=jnp.int64 if jax.config.jax_enable_x64 else jnp.int32)
    # nn.Embedding default init: N(0, 1)
    embed_weight = jax.random.normal(k2, (2, HIDDEN_DIM), dtype=jnp.float32)
    return {"domain_ids": domain_ids, "embed_weight": embed_weight}

def reference(domain_ids, embed_weight):
    # nn.Embedding lookup -> row gather
    return jnp.take(embed_weight, domain_ids, axis=0)

if __name__ == "__main__":
    import jax
    _d = setup_inputs()
    print(jax.jit(kernel)(*tuple(_d.values())))

</pallas_src>

<mosaic_0001>
#map = affine_map<(d0, d1) -> (0, 0)>
module attributes {stable_mosaic.version = 14 : i64} {
  func.func @body(%arg0: i32, %arg1: i32, %arg2: memref<2x512xf32, #tpu.memory_space<hbm>>, %arg3: memref<32x512xi32, #tpu.memory_space<hbm>>, %arg4: memref<16384x512xf32, #tpu.memory_space<hbm>>, %arg5: memref<512xi32, #tpu.memory_space<vmem>>, %arg6: memref<2x512xf32, #tpu.memory_space<vmem>>, %arg7: memref<4x2x512xf32, #tpu.memory_space<vmem>>, %arg8: memref<!tpu.dma_semaphore, #tpu.memory_space<semaphore_mem>>, %arg9: memref<!tpu.dma_semaphore, #tpu.memory_space<semaphore_mem>>, %arg10: memref<!tpu.dma_semaphore, #tpu.memory_space<semaphore_mem>>) attributes {dimension_semantics = [#tpu.dimension_semantics<core_parallel>, #tpu.dimension_semantics<subcore_parallel>], iteration_bounds = array<i64: 2, 16>, scalar_prefetch = 0 : i64, scratch_operands = 6 : i64, tpu.core_type = #tpu.core_type<sc_vector_subcore>, window_params = [{transform_indices = #map}, {transform_indices = #map}, {transform_indices = #map}]} {
    %mul3A = arith.constant 2 : i32
    %mul3A_0 = arith.muli %arg1, %mul3A : i32
    %add3A = arith.addi %mul3A_0, %arg0 : i32
    %mul3A_1 = arith.constant 512 : i32
    %mul3A_2 = arith.muli %add3A, %mul3A_1 : i32
    %dma_start3A = arith.constant 0 : i32
    %dma_start3A_3 = tpu.memref_slice %arg3[%add3A, %dma_start3A] : memref<32x512xi32, #tpu.memory_space<hbm>> -> memref<1x512xi32, #tpu.memory_space<hbm>>
    %dma_start3A_4 = tpu.memref_squeeze %dma_start3A_3 : memref<1x512xi32, #tpu.memory_space<hbm>> -> memref<512xi32, #tpu.memory_space<hbm>>
    %dma_start3A_5 = arith.constant 0 : i32
    %dma_start3A_6 = tpu.memref_slice %arg3[%add3A, %dma_start3A_5] : memref<32x512xi32, #tpu.memory_space<hbm>> -> memref<1x512xi32, #tpu.memory_space<hbm>>
    %dma_start3A_7 = tpu.memref_squeeze %dma_start3A_6 : memref<1x512xi32, #tpu.memory_space<hbm>> -> memref<512xi32, #tpu.memory_space<hbm>>
    tpu.enqueue_dma source(%dma_start3A_7 : memref<512xi32, #tpu.memory_space<hbm>>) target(%arg5 : memref<512xi32, #tpu.memory_space<vmem>>) target_semaphore(%arg9 : memref<!tpu.dma_semaphore, #tpu.memory_space<semaphore_mem>>)
    tpu.enqueue_dma source(%arg2 : memref<2x512xf32, #tpu.memory_space<hbm>>) target(%arg6 : memref<2x512xf32, #tpu.memory_space<vmem>>) target_semaphore(%arg10 : memref<!tpu.dma_semaphore, #tpu.memory_space<semaphore_mem>>)
    %iota3A = tpu.iota {dimensions = array<i32: 0>} : vector<16xi32>
    %and3A = arith.constant 1 : i32
    %and3A_8 = vector.broadcast %and3A : i32 to vector<16xi32>
    %and3A_9 = arith.andi %iota3A, %and3A_8 : vector<16xi32>
    %shift_right_arithmetic3A = arith.constant 2 : i32
    %shift_right_arithmetic3A_10 = vector.broadcast %shift_right_arithmetic3A : i32 to vector<16xi32>
    %shift_right_arithmetic3A_11 = arith.shrsi %shift_right_arithmetic3A_10, %and3A_9 : vector<16xi32>
    tpu.wait_dma2 semaphore(%arg10 : memref<!tpu.dma_semaphore, #tpu.memory_space<semaphore_mem>>) src(%arg2 : memref<2x512xf32, #tpu.memory_space<hbm>>) dst(%arg6 : memref<2x512xf32, #tpu.memory_space<vmem>>)
    %get3A = arith.constant 0 : i32
    %get3A_12 = arith.index_cast %get3A : i32 to index
    %get3A_13 = arith.constant 0 : index
    %get3A_14 = tpu.vector_load %arg6[%get3A_12, %get3A_13] {strides = array<i32>} : memref<2x512xf32, #tpu.memory_space<vmem>>, vector<1x16xf32>,
    %get3A_15 = vector.shape_cast %get3A_14 : vector<1x16xf32> to vector<16xf32>
    %get3A_16 = arith.constant 0 : i32
    %get3A_17 = arith.index_cast %get3A_16 : i32 to index
    %get3A_18 = arith.constant 16 : index
    %get3A_19 = tpu.vector_load %arg6[%get3A_17, %get3A_18] {strides = array<i32>} : memref<2x512xf32, #tpu.memory_space<vmem>>, vector<1x16xf32>,
    %get3A_20 = vector.shape_cast %get3A_19 : vector<1x16xf32> to vector<16xf32>
    %get3A_21 = arith.constant 0 : i32
    %get3A_22 = arith.index_cast %get3A_21 : i32 to index
    %get3A_23 = arith.constant 32 : index
    %get3A_24 = tpu.vector_load %arg6[%get3A_22, %get3A_23] {strides = array<i32>} : memref<2x512xf32, #tpu.memory_space<vmem>>, vector<1x16xf32>,
    %get3A_25 = vector.shape_cast %get3A_24 : vector<1x16xf32> to vector<16xf32>
    %get3A_26 = arith.constant 0 : i32
    %get3A_27 = arith.index_cast %get3A_26 : i32 to index
    %get3A_28 = arith.constant 48 : index
    %get3A_29 = tpu.vector_load %arg6[%get3A_27, %get3A_28] {strides = array<i32>} : memref<2x512xf32, #tpu.memory_space<vmem>>, vector<1x16xf32>,
    %get3A_30 = vector.shape_cast %get3A_29 : vector<1x16xf32> to vector<16xf32>
    %get3A_31 = arith.constant 0 : i32
    %get3A_32 = arith.index_cast %get3A_31 : i32 to index
    %get3A_33 = arith.constant 64 : index
    %get3A_34 = tpu.vector_load %arg6[%get3A_32, %get3A_33] {strides = array<i32>} : memref<2x512xf32, #tpu.memory_space<vmem>>, vector<1x16xf32>,
    %get3A_35 = vector.shape_cast %get3A_34 : vector<1x16xf32> to vector<16xf32>
    %get3A_36 = arith.constant 0 : i32
    %get3A_37 = arith.index_cast %get3A_36 : i32 to index
    %get3A_38 = arith.constant 80 : index
    %get3A_39 = tpu.vector_load %arg6[%get3A_37, %get3A_38] {strides = array<i32>} : memref<2x512xf32, #tpu.memory_space<vmem>>, vector<1x16xf32>,
    %get3A_40 = vector.shape_cast %get3A_39 : vector<1x16xf32> to vector<16xf32>
    %get3A_41 = arith.constant 0 : i32
    %get3A_42 = arith.index_cast %get3A_41 : i32 to index
    %get3A_43 = arith.constant 96 : index
    %get3A_44 = tpu.vector_load %arg6[%get3A_42, %get3A_43] {strides = array<i32>} : memref<2x512xf32, #tpu.memory_space<vmem>>, vector<1x16xf32>,
    %get3A_45 = vector.shape_cast %get3A_44 : vector<1x16xf32> to vector<16xf32>
    %get3A_46 = arith.constant 0 : i32
    %get3A_47 = arith.index_cast %get3A_46 : i32 to index
    %get3A_48 = arith.constant 112 : index
    %get3A_49 = tpu.vector_load %arg6[%get3A_47, %get3A_48] {strides = array<i32>} : memref<2x512xf32, #tpu.memory_space<vmem>>, vector<1x16xf32>,
    %get3A_50 = vector.shape_cast %get3A_49 : vector<1x16xf32> to vector<16xf32>
    %get3A_51 = arith.constant 1 : i32
    %get3A_52 = arith.index_cast %get3A_51 : i32 to index
    %get3A_53 = arith.constant 0 : index
    %get3A_54 = tpu.vector_load %arg6[%get3A_52, %get3A_53] {strides = array<i32>} : memref<2x512xf32, #tpu.memory_space<vmem>>, vector<1x16xf32>,
    %get3A_55 = vector.shape_cast %get3A_54 : vector<1x16xf32> to vector<16xf32>
    %get3A_56 = arith.constant 1 : i32
    %get3A_57 = arith.index_cast %get3A_56 : i32 to index
    %get3A_58 = arith.constant 16 : index
    %get3A_59 = tpu.vector_load %arg6[%get3A_57, %get3A_58] {strides = array<i32>} : memref<2x512xf32, #tpu.memory_space<vmem>>, vector<1x16xf32>,
    %get3A_60 = vector.shape_cast %get3A_59 : vector<1x16xf32> to vector<16xf32>
    %get3A_61 = arith.constant 1 : i32
    %get3A_62 = arith.index_cast %get3A_61 : i32 to index
    %get3A_63 = arith.constant 32 : index
    %get3A_64 = tpu.vector_load %arg6[%get3A_62, %get3A_63] {strides = array<i32>} : memref<2x512xf32, #tpu.memory_space<vmem>>, vector<1x16xf32>,
    %get3A_65 = vector.shape_cast %get3A_64 : vector<1x16xf32> to vector<16xf32>
    %get3A_66 = arith.constant 1 : i32
    %get3A_67 = arith.index_cast %get3A_66 : i32 to index
    %get3A_68 = arith.constant 48 : index
    %get3A_69 = tpu.vector_load %arg6[%get3A_67, %get3A_68] {strides = array<i32>} : memref<2x512xf32, #tpu.memory_space<vmem>>, vector<1x16xf32>,
    %get3A_70 = vector.shape_cast %get3A_69 : vector<1x16xf32> to vector<16xf32>
    %get3A_71 = arith.constant 1 : i32
    %get3A_72 = arith.index_cast %get3A_71 : i32 to index
    %get3A_73 = arith.constant 64 : index
    %get3A_74 = tpu.vector_load %arg6[%get3A_72, %get3A_73] {strides = array<i32>} : memref<2x512xf32, #tpu.memory_space<vmem>>, vector<1x16xf32>,
    %get3A_75 = vector.shape_cast %get3A_74 : vector<1x16xf32> to vector<16xf32>
    %get3A_76 = arith.constant 1 : i32
    %get3A_77 = arith.index_cast %get3A_76 : i32 to index
    %get3A_78 = arith.constant 80 : index
    %get3A_79 = tpu.vector_load %arg6[%get3A_77, %get3A_78] {strides = array<i32>} : memref<2x512xf32, #tpu.memory_space<vmem>>, vector<1x16xf32>,
    %get3A_80 = vector.shape_cast %get3A_79 : vector<1x16xf32> to vector<16xf32>
    %get3A_81 = arith.constant 1 : i32
    %get3A_82 = arith.index_cast %get3A_81 : i32 to index
    %get3A_83 = arith.constant 96 : index
    %get3A_84 = tpu.vector_load %arg6[%get3A_82, %get3A_83] {strides = array<i32>} : memref<2x512xf32, #tpu.memory_space<vmem>>, vector<1x16xf32>,
    %get3A_85 = vector.shape_cast %get3A_84 : vector<1x16xf32> to vector<16xf32>
    %get3A_86 = arith.constant 1 : i32
    %get3A_87 = arith.index_cast %get3A_86 : i32 to index
    %get3A_88 = arith.constant 112 : index
    %get3A_89 = tpu.vector_load %arg6[%get3A_87, %get3A_88] {strides = array<i32>} : memref<2x512xf32, #tpu.memory_space<vmem>>, vector<1x16xf32>,
    %get3A_90 = vector.shape_cast %get3A_89 : vector<1x16xf32> to vector<16xf32>
    %swap3A = arith.constant 0 : i32
    %swap3A_91 = arith.constant 0 : i32
    %swap3A_92 = arith.index_cast %swap3A : i32 to index
    %swap3A_93 = arith.index_cast %swap3A_91 : i32 to index
    %swap3A_94 = arith.constant 0 : index
    %swap3A_95 = tpu.vector_load %arg7[%swap3A_92, %swap3A_93, %swap3A_94] {strides = array<i32>} : memref<4x2x512xf32, #tpu.memory_space<vmem>>, vector<1x1x16xf32>,
    %swap3A_96 = vector.shape_cast %swap3A_95 : vector<1x1x16xf32> to vector<16xf32>
    %swap3A_97 = vector.shape_cast %get3A_15 : vector<16xf32> to vector<1x1x16xf32>
    tpu.vector_store %arg7[%swap3A_92, %swap3A_93, %swap3A_94], %swap3A_97 {strides = array<i32>} : memref<4x2x512xf32, #tpu.memory_space<vmem>>, vector<1x1x16xf32>,
    %swap3A_98 = arith.constant 0 : i32
    %swap3A_99 = arith.constant 0 : i32
    %swap3A_100 = arith.index_cast %swap3A_98 : i32 to index
    %swap3A_101 = arith.index_cast %swap3A_99 : i32 to index
    %swap3A_102 = arith.constant 16 : index
    %swap3A_103 = tpu.vector_load %arg7[%swap3A_100, %swap3A_101, %swap3A_102] {strides = array<i32>} : memref<4x2x512xf32, #tpu.memory_space<vmem>>, vector<1x1x16xf32>,
    %swap3A_104 = vector.shape_cast %swap3A_103 : vector<1x1x16xf32> to vector<16xf32>
    %swap3A_105 = vector.shape_cast %get3A_20 : vector<16xf32> to vector<1x1x16xf32>
    tpu.vector_store %arg7[%swap3A_100, %swap3A_101, %swap3A_102], %swap3A_105 {strides = array<i32>} : memref<4x2x512xf32, #tpu.memory_space<vmem>>, vector<1x1x16xf32>,
    %swap3A_106 = arith.constant 0 : i32
    %swap3A_107 = arith.constant 0 : i32
    %swap3A_108 = arith.index_cast %swap3A_106 : i32 to index
    %swap3A_109 = arith.index_cast %swap3A_107 : i32 to index
    %swap3A_110 = arith.constant 32 : index
    %swap3A_111 = tpu.vector_load %arg7[%swap3A_108, %swap3A_109, %swap3A_110] {strides = array<i32>} : memref<4x2x512xf32, #tpu.memory_space<vmem>>, vector<1x1x16xf32>,
    %swap3A_112 = vector.shape_cast %swap3A_111 : vector<1x1x16xf32> to vector<16xf32>
    %swap3A_113 = vector.shape_cast %get3A_25 : vector<16xf32> to vector<1x1x16xf32>
    tpu.vector_store %arg7[%swap3A_108, %swap3A_109, %swap3A_110], %swap3A_113 {strides = array<i32>} : memref<4x2x512xf32, #tpu.memory_space<vmem>>, vector<1x1x16xf32>,
    %swap3A_114 = arith.constant 0 : i32
    %swap3A_115 = arith.constant 0 : i32
    %swap3A_116 = arith.index_cast %swap3A_114 : i32 to index
    %swap3A_117 = arith.index_cast %swap3A_115 : i32 to index
    %swap3A_118 = arith.constant 48 : index
    %swap3A_119 = tpu.vector_load %arg7[%swap3A_116, %swap3A_117, %swap3A_118] {strides = array<i32>} : memref<4x2x512xf32, #tpu.memory_space<vmem>>, vector<1x1x16xf32>,
    %swap3A_120 = vector.shape_cast %swap3A_119 : vector<1x1x16xf32> to vector<16xf32>
    %swap3A_121 = vector.shape_cast %get3A_30 : vector<16xf32> to vector<1x1x16xf32>
    tpu.vector_store %arg7[%swap3A_116, %swap3A_117, %swap3A_118], %swap3A_121 {strides = array<i32>} : memref<4x2x512xf32, #tpu.memory_space<vmem>>, vector<1x1x16xf32>,
    %swap3A_122 = arith.constant 0 : i32
    %swap3A_123 = arith.constant 0 : i32
    %swap3A_124 = arith.index_cast %swap3A_122 : i32 to index
    %swap3A_125 = arith.index_cast %swap3A_123 : i32 to index
    %swap3A_126 = arith.constant 64 : index
    %swap3A_127 = tpu.vector_load %arg7[%swap3A_124, %swap3A_125, %swap3A_126] {strides = array<i32>} : memref<4x2x512xf32, #tpu.memory_space<vmem>>, vector<1x1x16xf32>,
    %swap3A_128 = vector.shape_cast %swap3A_127 : vector<1x1x16xf32> to vector<16xf32>
    %swap3A_129 = vector.shape_cast %get3A_35 : vector<16xf32> to vector<1x1x16xf32>
    tpu.vector_store %arg7[%swap3A_124, %swap3A_125, %swap3A_126], %swap3A_129 {strides = array<i32>} : memref<4x2x512xf32, #tpu.memory_space<vmem>>, vector<1x1x16xf32>,
    %swap3A_130 = arith.constant 0 : i32
    %swap3A_131 = arith.constant 0 : i32
    %swap3A_132 = arith.index_cast %swap3A_130 : i32 to index
    %swap3A_133 = arith.index_cast %swap3A_131 : i32 to index
    %swap3A_134 = arith.constant 80 : index
    %swap3A_135 = tpu.vector_load %arg7[%swap3A_132, %swap3A_133, %swap3A_134] {strides = array<i32>} : memref<4x2x512xf32, #tpu.memory_space<vmem>>, vector<1x1x16xf32>,
    %swap3A_136 = vector.shape_cast %swap3A_135 : vector<1x1x16xf32> to vector<16xf32>
    %swap3A_137 = vector.shape_cast %get3A_40 : vector<16xf32> to vector<1x1x16xf32>
    tpu.vector_store %arg7[%swap3A_132, %swap3A_133, %swap3A_134], %swap3A_137 {strides = array<i32>} : memref<4x2x512xf32, #tpu.memory_space<vmem>>, vector<1x1x16xf32>,
    %swap3A_138 = arith.constant 0 : i32
    %swap3A_139 = arith.constant 0 : i32
    %swap3A_140 = arith.index_cast %swap3A_138 : i32 to index
    %swap3A_141 = arith.index_cast %swap3A_139 : i32 to index
    %swap3A_142 = arith.constant 96 : index
    %swap3A_143 = tpu.vector_load %arg7[%swap3A_140, %swap3A_141, %swap3A_142] {strides = array<i32>} : memref<4x2x512xf32, #tpu.memory_space<vmem>>, vector<1x1x16xf32>,
    %swap3A_144 = vector.shape_cast %swap3A_143 : vector<1x1x16xf32> to vector<16xf32>
    %swap3A_145 = vector.shape_cast %get3A_45 : vector<16xf32> to vector<1x1x16xf32>
    tpu.vector_store %arg7[%swap3A_140, %swap3A_141, %swap3A_142], %swap3A_145 {strides = array<i32>} : memref<4x2x512xf32, #tpu.memory_space<vmem>>, vector<1x1x16xf32>,
    %swap3A_146 = arith.constant 0 : i32
    %swap3A_147 = arith.constant 0 : i32
    %swap3A_148 = arith.index_cast %swap3A_146 : i32 to index
    %swap3A_149 = arith.index_cast %swap3A_147 : i32 to index
    %swap3A_150 = arith.constant 112 : index
    %swap3A_151 = tpu.vector_load %arg7[%swap3A_148, %swap3A_149, %swap3A_150] {strides = array<i32>} : memref<4x2x512xf32, #tpu.memory_space<vmem>>, vector<1x1x16xf32>,
    %swap3A_152 = vector.shape_cast %swap3A_151 : vector<1x1x16xf32> to vector<16xf32>
    %swap3A_153 = vector.shape_cast %get3A_50 : vector<16xf32> to vector<1x1x16xf32>
    tpu.vector_store %arg7[%swap3A_148, %swap3A_149, %swap3A_150], %swap3A_153 {strides = array<i32>} : memref<4x2x512xf32, #tpu.memory_space<vmem>>, vector<1x1x16xf32>,
    %swap3A_154 = arith.constant 0 : i32
    %swap3A_155 = arith.constant 1 : i32
    %swap3A_156 = arith.index_cast %swap3A_154 : i32 to index
    %swap3A_157 = arith.index_cast %swap3A_155 : i32 to index
    %swap3A_158 = arith.constant 0 : index
    %swap3A_159 = tpu.vector_load %arg7[%swap3A_156, %swap3A_157, %swap3A_158] {strides = array<i32>} : memref<4x2x512xf32, #tpu.memory_space<vmem>>, vector<1x1x16xf32>,
    %swap3A_160 = vector.shape_cast %swap3A_159 : vector<1x1x16xf32> to vector<16xf32>
    %swap3A_161 = vector.shape_cast %get3A_15 : vector<16xf32> to vector<1x1x16xf32>
    tpu.vector_store %arg7[%swap3A_156, %swap3A_157, %swap3A_158], %swap3A_161 {strides = array<i32>} : memref<4x2x512xf32, #tpu.memory_space<vmem>>, vector<1x1x16xf32>,
    %swap3A_162 = arith.constant 0 : i32
    %swap3A_163 = arith.constant 1 : i32
    %swap3A_164 = arith.index_cast %swap3A_162 : i32 to index
    %swap3A_165 = arith.index_cast %swap3A_163 : i32 to index
    %swap3A_166 = arith.constant 16 : index
    %swap3A_167 = tpu.vector_load %arg7[%swap3A_164, %swap3A_165, %swap3A_166] {strides = array<i32>} : memref<4x2x512xf32, #tpu.memory_space<vmem>>, vector<1x1x16xf32>,
    %swap3A_168 = vector.shape_cast %swap3A_167 : vector<1x1x16xf32> to vector<16xf32>
    %swap3A_169 = vector.shape_cast %get3A_20 : vector<16xf32> to vector<1x1x16xf32>
    tpu.vector_store %arg7[%swap3A_164, %swap3A_165, %swap3A_166], %swap3A_169 {strides = array<i32>} : memref<4x2x512xf32, #tpu.memory_space<vmem>>, vector<1x1x16xf32>,
    %swap3A_170 = arith.constant 0 : i32
    %swap3A_171 = arith.constant 1 : i32
    %swap3A_172 = arith.index_cast %swap3A_170 : i32 to index
    %swap3A_173 = arith.index_cast %swap3A_171 : i32 to index
    %swap3A_174 = arith.constant 32 : index
    %swap3A_175 = tpu.vector_load %arg7[%swap3A_172, %swap3A_173, %swap3A_174] {strides = array<i32>} : memref<4x2x512xf32, #tpu.memory_space<vmem>>, vector<1x1x16xf32>,
    %swap3A_176 = vector.shape_cast %swap3A_175 : vector<1x1x16xf32> to vector<16xf32>
    %swap3A_177 = vector.shape_cast %get3A_25 : vector<16xf32> to vector<1x1x16xf32>
    tpu.vector_store %arg7[%swap3A_172, %swap3A_173, %swap3A_174], %swap3A_177 {strides = array<i32>} : memref<4x2x512xf32, #tpu.memory_space<vmem>>, vector<1x1x16xf32>,
    %swap3A_178 = arith.constant 0 : i32
    %swap3A_179 = arith.constant 1 : i32
    %swap3A_180 = arith.index_cast %swap3A_178 : i32 to index
    %swap3A_181 = arith.index_cast %swap3A_179 : i32 to index
    %swap3A_182 = arith.constant 48 : index
    %swap3A_183 = tpu.vector_load %arg7[%swap3A_180, %swap3A_181, %swap3A_182] {strides = array<i32>} : memref<4x2x512xf32, #tpu.memory_space<vmem>>, vector<1x1x16xf32>,
    %swap3A_184 = vector.shape_cast %swap3A_183 : vector<1x1x16xf32> to vector<16xf32>
    %swap3A_185 = vector.shape_cast %get3A_30 : vector<16xf32> to vector<1x1x16xf32>
    tpu.vector_store %arg7[%swap3A_180, %swap3A_181, %swap3A_182], %swap3A_185 {strides = array<i32>} : memref<4x2x512xf32, #tpu.memory_space<vmem>>, vector<1x1x16xf32>,
    %swap3A_186 = arith.constant 0 : i32
    %swap3A_187 = arith.constant 1 : i32
    %swap3A_188 = arith.index_cast %swap3A_186 : i32 to index
    %swap3A_189 = arith.index_cast %swap3A_187 : i32 to index
    %swap3A_190 = arith.constant 64 : index
    %swap3A_191 = tpu.vector_load %arg7[%swap3A_188, %swap3A_189, %swap3A_190] {strides = array<i32>} : memref<4x2x512xf32, #tpu.memory_space<vmem>>, vector<1x1x16xf32>,
    %swap3A_192 = vector.shape_cast %swap3A_191 : vector<1x1x16xf32> to vector<16xf32>
    %swap3A_193 = vector.shape_cast %get3A_35 : vector<16xf32> to vector<1x1x16xf32>
    tpu.vector_store %arg7[%swap3A_188, %swap3A_189, %swap3A_190], %swap3A_193 {strides = array<i32>} : memref<4x2x512xf32, #tpu.memory_space<vmem>>, vector<1x1x16xf32>,
    %swap3A_194 = arith.constant 0 : i32
    %swap3A_195 = arith.constant 1 : i32
    %swap3A_196 = arith.index_cast %swap3A_194 : i32 to index
    %swap3A_197 = arith.index_cast %swap3A_195 : i32 to index
    %swap3A_198 = arith.constant 80 : index
    %swap3A_199 = tpu.vector_load %arg7[%swap3A_196, %swap3A_197, %swap3A_198] {strides = array<i32>} : memref<4x2x512xf32, #tpu.memory_space<vmem>>, vector<1x1x16xf32>,
    %swap3A_200 = vector.shape_cast %swap3A_199 : vector<1x1x16xf32> to vector<16xf32>
    %swap3A_201 = vector.shape_cast %get3A_40 : vector<16xf32> to vector<1x1x16xf32>
    tpu.vector_store %arg7[%swap3A_196, %swap3A_197, %swap3A_198], %swap3A_201 {strides = array<i32>} : memref<4x2x512xf32, #tpu.memory_space<vmem>>, vector<1x1x16xf32>,
    %swap3A_202 = arith.constant 0 : i32
    %swap3A_203 = arith.constant 1 : i32
    %swap3A_204 = arith.index_cast %swap3A_202 : i32 to index
    %swap3A_205 = arith.index_cast %swap3A_203 : i32 to index
    %swap3A_206 = arith.constant 96 : index
    %swap3A_207 = tpu.vector_load %arg7[%swap3A_204, %swap3A_205, %swap3A_206] {strides = array<i32>} : memref<4x2x512xf32, #tpu.memory_space<vmem>>, vector<1x1x16xf32>,
    %swap3A_208 = vector.shape_cast %swap3A_207 : vector<1x1x16xf32> to vector<16xf32>
    %swap3A_209 = vector.shape_cast %get3A_45 : vector<16xf32> to vector<1x1x16xf32>
    tpu.vector_store %arg7[%swap3A_204, %swap3A_205, %swap3A_206], %swap3A_209 {strides = array<i32>} : memref<4x2x512xf32, #tpu.memory_space<vmem>>, vector<1x1x16xf32>,
    %swap3A_210 = arith.constant 0 : i32
    %swap3A_211 = arith.constant 1 : i32
    %swap3A_212 = arith.index_cast %swap3A_210 : i32 to index
    %swap3A_213 = arith.index_cast %swap3A_211 : i32 to index
    %swap3A_214 = arith.constant 112 : index
    %swap3A_215 = tpu.vector_load %arg7[%swap3A_212, %swap3A_213, %swap3A_214] {strides = array<i32>} : memref<4x2x512xf32, #tpu.memory_space<vmem>>, vector<1x1x16xf32>,
    %swap3A_216 = vector.shape_cast %swap3A_215 : vector<1x1x16xf32> to vector<16xf32>
    %swap3A_217 = vector.shape_cast %get3A_50 : vector<16xf32> to vector<1x1x16xf32>
    tpu.vector_store %arg7[%swap3A_212, %swap3A_213, %swap3A_214], %swap3A_217 {strides = array<i32>} : memref<4x2x512xf32, #tpu.memory_space<vmem>>, vector<1x1x16xf32>,
    %swap3A_218 = arith.constant 1 : i32
    %swap3A_219 = arith.constant 0 : i32
    %swap3A_220 = arith.index_cast %swap3A_218 : i32 to index
    %swap3A_221 = arith.index_cast %swap3A_219 : i32 to index
    %swap3A_222 = arith.constant 0 : index
    %swap3A_223 = tpu.vector_load %arg7[%swap3A_220, %swap3A_221, %swap3A_222] {strides = array<i32>} : memref<4x2x512xf32, #tpu.memory_space<vmem>>, vector<1x1x16xf32>,
    %swap3A_224 = vector.shape_cast %swap3A_223 : vector<1x1x16xf32> to vector<16xf32>
    %swap3A_225 = vector.shape_cast %get3A_15 : vector<16xf32> to vector<1x1x16xf32>
    tpu.vector_store %arg7[%swap3A_220, %swap3A_221, %swap3A_222], %swap3A_225 {strides = array<i32>} : memref<4x2x512xf32, #tpu.memory_space<vmem>>, vector<1x1x16xf32>,
    %swap3A_226 = arith.constant 1 : i32
    %swap3A_227 = arith.constant 0 : i32
    %swap3A_228 = arith.index_cast %swap3A_226 : i32 to index
    %swap3A_229 = arith.index_cast %swap3A_227 : i32 to index
    %swap3A_230 = arith.constant 16 : index
    %swap3A_231 = tpu.vector_load %arg7[%swap3A_228, %swap3A_229, %swap3A_230] {strides = array<i32>} : memref<4x2x512xf32, #tpu.memory_space<vmem>>, vector<1x1x16xf32>,
    %swap3A_232 = vector.shape_cast %swap3A_231 : vector<1x1x16xf32> to vector<16xf32>
    %swap3A_233 = vector.shape_cast %get3A_20 : vector<16xf32> to vector<1x1x16xf32>
    tpu.vector_store %arg7[%swap3A_228, %swap3A_229, %swap3A_230], %swap3A_233 {strides = array<i32>} : memref<4x2x512xf32, #tpu.memory_space<vmem>>, vector<1x1x16xf32>,
    %swap3A_234 = arith.constant 1 : i32
    %swap3A_235 = arith.constant 0 : i32
    %swap3A_236 = arith.index_cast %swap3A_234 : i32 to index
    %swap3A_237 = arith.index_cast %swap3A_235 : i32 to index
    %swap3A_238 = arith.constant 32 : index
    %swap3A_239 = tpu.vector_load %arg7[%swap3A_236, %swap3A_237, %swap3A_238] {strides = array<i32>} : memref<4x2x512xf32, #tpu.memory_space<vmem>>, vector<1x1x16xf32>,
    %swap3A_240 = vector.shape_cast %swap3A_239 : vector<1x1x16xf32> to vector<16xf32>
    %swap3A_241 = vector.shape_cast %get3A_25 : vector<16xf32> to vector<1x1x16xf32>
    tpu.vector_store %arg7[%swap3A_236, %swap3A_237, %swap3A_238], %swap3A_241 {strides = array<i32>} : memref<4x2x512xf32, #tpu.memory_space<vmem>>, vector<1x1x16xf32>,
    %swap3A_242 = arith.constant 1 : i32
    %swap3A_243 = arith.constant 0 : i32
    %swap3A_244 = arith.index_cast %swap3A_242 : i32 to index
    %swap3A_245 = arith.index_cast %swap3A_243 : i32 to index
    %swap3A_246 = arith.constant 48 : index
    %swap3A_247 = tpu.vector_load %arg7[%swap3A_244, %swap3A_245, %swap3A_246] {strides = array<i32>} : memref<4x2x512xf32, #tpu.memory_space<vmem>>, vector<1x1x16xf32>,
    %swap3A_248 = vector.shape_cast %swap3A_247 : vector<1x1x16xf32> to vector<16xf32>
    %swap3A_249 = vector.shape_cast %get3A_30 : vector<16xf32> to vector<1x1x16xf32>
    tpu.vector_store %arg7[%swap3A_244, %swap3A_245, %swap3A_246], %swap3A_249 {strides = array<i32>} : memref<4x2x512xf32, #tpu.memory_space<vmem>>, vector<1x1x16xf32>,
    %swap3A_250 = arith.constant 1 : i32
    %swap3A_251 = arith.constant 0 : i32
    %swap3A_252 = arith.index_cast %swap3A_250 : i32 to index
    %swap3A_253 = arith.index_cast %swap3A_251 : i32 to index
    %swap3A_254 = arith.constant 64 : index
    %swap3A_255 = tpu.vector_load %arg7[%swap3A_252, %swap3A_253, %swap3A_254] {strides = array<i32>} : memref<4x2x512xf32, #tpu.memory_space<vmem>>, vector<1x1x16xf32>,
    %swap3A_256 = vector.shape_cast %swap3A_255 : vector<1x1x16xf32> to vector<16xf32>
    %swap3A_257 = vector.shape_cast %get3A_35 : vector<16xf32> to vector<1x1x16xf32>
    tpu.vector_store %arg7[%swap3A_252, %swap3A_253, %swap3A_254], %swap3A_257 {strides = array<i32>} : memref<4x2x512xf32, #tpu.memory_space<vmem>>, vector<1x1x16xf32>,
    %swap3A_258 = arith.constant 1 : i32
    %swap3A_259 = arith.constant 0 : i32
    %swap3A_260 = arith.index_cast %swap3A_258 : i32 to index
    %swap3A_261 = arith.index_cast %swap3A_259 : i32 to index
    %swap3A_262 = arith.constant 80 : index
    %swap3A_263 = tpu.vector_load %arg7[%swap3A_260, %swap3A_261, %swap3A_262] {strides = array<i32>} : memref<4x2x512xf32, #tpu.memory_space<vmem>>, vector<1x1x16xf32>,
    %swap3A_264 = vector.shape_cast %swap3A_263 : vector<1x1x16xf32> to vector<16xf32>
    %swap3A_265 = vector.shape_cast %get3A_40 : vector<16xf32> to vector<1x1x16xf32>
    tpu.vector_store %arg7[%swap3A_260, %swap3A_261, %swap3A_262], %swap3A_265 {strides = array<i32>} : memref<4x2x512xf32, #tpu.memory_space<vmem>>, vector<1x1x16xf32>,
    %swap3A_266 = arith.constant 1 : i32
    %swap3A_267 = arith.constant 0 : i32
    %swap3A_268 = arith.index_cast %swap3A_266 : i32 to index
    %swap3A_269 = arith.index_cast %swap3A_267 : i32 to index
    %swap3A_270 = arith.constant 96 : index
    %swap3A_271 = tpu.vector_load %arg7[%swap3A_268, %swap3A_269, %swap3A_270] {strides = array<i32>} : memref<4x2x512xf32, #tpu.memory_space<vmem>>, vector<1x1x16xf32>,
    %swap3A_272 = vector.shape_cast %swap3A_271 : vector<1x1x16xf32> to vector<16xf32>
    %swap3A_273 = vector.shape_cast %get3A_45 : vector<16xf32> to vector<1x1x16xf32>
    tpu.vector_store %arg7[%swap3A_268, %swap3A_269, %swap3A_270], %swap3A_273 {strides = array<i32>} : memref<4x2x512xf32, #tpu.memory_space<vmem>>, vector<1x1x16xf32>,
    %swap3A_274 = arith.constant 1 : i32
    %swap3A_275 = arith.constant 0 : i32
    %swap3A_276 = arith.index_cast %swap3A_274 : i32 to index
    %swap3A_277 = arith.index_cast %swap3A_275 : i32 to index
    %swap3A_278 = arith.constant 112 : index
    %swap3A_279 = tpu.vector_load %arg7[%swap3A_276, %swap3A_277, %swap3A_278] {strides = array<i32>} : memref<4x2x512xf32, #tpu.memory_space<vmem>>, vector<1x1x16xf32>,
    %swap3A_280 = vector.shape_cast %swap3A_279 : vector<1x1x16xf32> to vector<16xf32>
    %swap3A_281 = vector.shape_cast %get3A_50 : vector<16xf32> to vector<1x1x16xf32>
    tpu.vector_store %arg7[%swap3A_276, %swap3A_277, %swap3A_278], %swap3A_281 {strides = array<i32>} : memref<4x2x512xf32, #tpu.memory_space<vmem>>, vector<1x1x16xf32>,
    %swap3A_282 = arith.constant 1 : i32
    %swap3A_283 = arith.constant 1 : i32
    %swap3A_284 = arith.index_cast %swap3A_282 : i32 to index
    %swap3A_285 = arith.index_cast %swap3A_283 : i32 to index
    %swap3A_286 = arith.constant 0 : index
    %swap3A_287 = tpu.vector_load %arg7[%swap3A_284, %swap3A_285, %swap3A_286] {strides = array<i32>} : memref<4x2x512xf32, #tpu.memory_space<vmem>>, vector<1x1x16xf32>,
    %swap3A_288 = vector.shape_cast %swap3A_287 : vector<1x1x16xf32> to vector<16xf32>
    %swap3A_289 = vector.shape_cast %get3A_55 : vector<16xf32> to vector<1x1x16xf32>
    tpu.vector_store %arg7[%swap3A_284, %swap3A_285, %swap3A_286], %swap3A_289 {strides = array<i32>} : memref<4x2x512xf32, #tpu.memory_space<vmem>>, vector<1x1x16xf32>,
    %swap3A_290 = arith.constant 1 : i32
    %swap3A_291 = arith.constant 1 : i32
    %swap3A_292 = arith.index_cast %swap3A_290 : i32 to index
    %swap3A_293 = arith.index_cast %swap3A_291 : i32 to index
    %swap3A_294 = arith.constant 16 : index
    %swap3A_295 = tpu.vector_load %arg7[%swap3A_292, %swap3A_293, %swap3A_294] {strides = array<i32>} : memref<4x2x512xf32, #tpu.memory_space<vmem>>, vector<1x1x16xf32>,
    %swap3A_296 = vector.shape_cast %swap3A_295 : vector<1x1x16xf32> to vector<16xf32>
    %swap3A_297 = vector.shape_cast %get3A_60 : vector<16xf32> to vector<1x1x16xf32>
    tpu.vector_store %arg7[%swap3A_292, %swap3A_293, %swap3A_294], %swap3A_297 {strides = array<i32>} : memref<4x2x512xf32, #tpu.memory_space<vmem>>, vector<1x1x16xf32>,
    %swap3A_298 = arith.constant 1 : i32
    %swap3A_299 = arith.constant 1 : i32
    %swap3A_300 = arith.index_cast %swap3A_298 : i32 to index
    %swap3A_301 = arith.index_cast %swap3A_299 : i32 to index
    %swap3A_302 = arith.constant 32 : index
    %swap3A_303 = tpu.vector_load %arg7[%swap3A_300, %swap3A_301, %swap3A_302] {strides = array<i32>} : memref<4x2x512xf32, #tpu.memory_space<vmem>>, vector<1x1x16xf32>,
    %swap3A_304 = vector.shape_cast %swap3A_303 : vector<1x1x16xf32> to vector<16xf32>
    %swap3A_305 = vector.shape_cast %get3A_65 : vector<16xf32> to vector<1x1x16xf32>
    tpu.vector_store %arg7[%swap3A_300, %swap3A_301, %swap3A_302], %swap3A_305 {strides = array<i32>} : memref<4x2x512xf32, #tpu.memory_space<vmem>>, vector<1x1x16xf32>,
    %swap3A_306 = arith.constant 1 : i32
    %swap3A_307 = arith.constant 1 : i32
    %swap3A_308 = arith.index_cast %swap3A_306 : i32 to index
    %swap3A_309 = arith.index_cast %swap3A_307 : i32 to index
    %swap3A_310 = arith.constant 48 : index
    %swap3A_311 = tpu.vector_load %arg7[%swap3A_308, %swap3A_309, %swap3A_310] {strides = array<i32>} : memref<4x2x512xf32, #tpu.memory_space<vmem>>, vector<1x1x16xf32>,
    %swap3A_312 = vector.shape_cast %swap3A_311 : vector<1x1x16xf32> to vector<16xf32>
    %swap3A_313 = vector.shape_cast %get3A_70 : vector<16xf32> to vector<1x1x16xf32>
    tpu.vector_store %arg7[%swap3A_308, %swap3A_309, %swap3A_310], %swap3A_313 {strides = array<i32>} : memref<4x2x512xf32, #tpu.memory_space<vmem>>, vector<1x1x16xf32>,
    %swap3A_314 = arith.constant 1 : i32
    %swap3A_315 = arith.constant 1 : i32
    %swap3A_316 = arith.index_cast %swap3A_314 : i32 to index
    %swap3A_317 = arith.index_cast %swap3A_315 : i32 to index
    %swap3A_318 = arith.constant 64 : index
    %swap3A_319 = tpu.vector_load %arg7[%swap3A_316, %swap3A_317, %swap3A_318] {strides = array<i32>} : memref<4x2x512xf32, #tpu.memory_space<vmem>>, vector<1x1x16xf32>,
    %swap3A_320 = vector.shape_cast %swap3A_319 : vector<1x1x16xf32> to vector<16xf32>
    %swap3A_321 = vector.shape_cast %get3A_75 : vector<16xf32> to vector<1x1x16xf32>
    tpu.vector_store %arg7[%swap3A_316, %swap3A_317, %swap3A_318], %swap3A_321 {strides = array<i32>} : memref<4x2x512xf32, #tpu.memory_space<vmem>>, vector<1x1x16xf32>,
    %swap3A_322 = arith.constant 1 : i32
    %swap3A_323 = arith.constant 1 : i32
    %swap3A_324 = arith.index_cast %swap3A_322 : i32 to index
    %swap3A_325 = arith.index_cast %swap3A_323 : i32 to index
    %swap3A_326 = arith.constant 80 : index
    %swap3A_327 = tpu.vector_load %arg7[%swap3A_324, %swap3A_325, %swap3A_326] {strides = array<i32>} : memref<4x2x512xf32, #tpu.memory_space<vmem>>, vector<1x1x16xf32>,
    %swap3A_328 = vector.shape_cast %swap3A_327 : vector<1x1x16xf32> to vector<16xf32>
    %swap3A_329 = vector.shape_cast %get3A_80 : vector<16xf32> to vector<1x1x16xf32>
    tpu.vector_store %arg7[%swap3A_324, %swap3A_325, %swap3A_326], %swap3A_329 {strides = array<i32>} : memref<4x2x512xf32, #tpu.memory_space<vmem>>, vector<1x1x16xf32>,
    %swap3A_330 = arith.constant 1 : i32
    %swap3A_331 = arith.constant 1 : i32
    %swap3A_332 = arith.index_cast %swap3A_330 : i32 to index
    %swap3A_333 = arith.index_cast %swap3A_331 : i32 to index
    %swap3A_334 = arith.constant 96 : index
    %swap3A_335 = tpu.vector_load %arg7[%swap3A_332, %swap3A_333, %swap3A_334] {strides = array<i32>} : memref<4x2x512xf32, #tpu.memory_space<vmem>>, vector<1x1x16xf32>,
    %swap3A_336 = vector.shape_cast %swap3A_335 : vector<1x1x16xf32> to vector<16xf32>
    %swap3A_337 = vector.shape_cast %get3A_85 : vector<16xf32> to vector<1x1x16xf32>
    tpu.vector_store %arg7[%swap3A_332, %swap3A_333, %swap3A_334], %swap3A_337 {strides = array<i32>} : memref<4x2x512xf32, #tpu.memory_space<vmem>>, vector<1x1x16xf32>,
    %swap3A_338 = arith.constant 1 : i32
    %swap3A_339 = arith.constant 1 : i32
    %swap3A_340 = arith.index_cast %swap3A_338 : i32 to index
    %swap3A_341 = arith.index_cast %swap3A_339 : i32 to index
    %swap3A_342 = arith.constant 112 : index
    %swap3A_343 = tpu.vector_load %arg7[%swap3A_340, %swap3A_341, %swap3A_342] {strides = array<i32>} : memref<4x2x512xf32, #tpu.memory_space<vmem>>, vector<1x1x16xf32>,
    %swap3A_344 = vector.shape_cast %swap3A_343 : vector<1x1x16xf32> to vector<16xf32>
    %swap3A_345 = vector.shape_cast %get3A_90 : vector<16xf32> to vector<1x1x16xf32>
    tpu.vector_store %arg7[%swap3A_340, %swap3A_341, %swap3A_342], %swap3A_345 {strides = array<i32>} : memref<4x2x512xf32, #tpu.memory_space<vmem>>, vector<1x1x16xf32>,
    %swap3A_346 = arith.constant 2 : i32
    %swap3A_347 = arith.constant 0 : i32
    %swap3A_348 = arith.index_cast %swap3A_346 : i32 to index
    %swap3A_349 = arith.index_cast %swap3A_347 : i32 to index
    %swap3A_350 = arith.constant 0 : index
    %swap3A_351 = tpu.vector_load %arg7[%swap3A_348, %swap3A_349, %swap3A_350] {strides = array<i32>} : memref<4x2x512xf32, #tpu.memory_space<vmem>>, vector<1x1x16xf32>,
    %swap3A_352 = vector.shape_cast %swap3A_351 : vector<1x1x16xf32> to vector<16xf32>
    %swap3A_353 = vector.shape_cast %get3A_55 : vector<16xf32> to vector<1x1x16xf32>
    tpu.vector_store %arg7[%swap3A_348, %swap3A_349, %swap3A_350], %swap3A_353 {strides = array<i32>} : memref<4x2x512xf32, #tpu.memory_space<vmem>>, vector<1x1x16xf32>,
    %swap3A_354 = arith.constant 2 : i32
    %swap3A_355 = arith.constant 0 : i32
    %swap3A_356 = arith.index_cast %swap3A_354 : i32 to index
    %swap3A_357 = arith.index_cast %swap3A_355 : i32 to index
    %swap3A_358 = arith.constant 16 : index
    %swap3A_359 = tpu.vector_load %arg7[%swap3A_356, %swap3A_357, %swap3A_358] {strides = array<i32>} : memref<4x2x512xf32, #tpu.memory_space<vmem>>, vector<1x1x16xf32>,
    %swap3A_360 = vector.shape_cast %swap3A_359 : vector<1x1x16xf32> to vector<16xf32>
    %swap3A_361 = vector.shape_cast %get3A_60 : vector<16xf32> to vector<1x1x16xf32>
    tpu.vector_store %arg7[%swap3A_356, %swap3A_357, %swap3A_358], %swap3A_361 {strides = array<i32>} : memref<4x2x512xf32, #tpu.memory_space<vmem>>, vector<1x1x16xf32>,
    %swap3A_362 = arith.constant 2 : i32
    %swap3A_363 = arith.constant 0 : i32
    %swap3A_364 = arith.index_cast %swap3A_362 : i32 to index
    %swap3A_365 = arith.index_cast %swap3A_363 : i32 to index
    %swap3A_366 = arith.constant 32 : index
    %swap3A_367 = tpu.vector_load %arg7[%swap3A_364, %swap3A_365, %swap3A_366] {strides = array<i32>} : memref<4x2x512xf32, #tpu.memory_space<vmem>>, vector<1x1x16xf32>,
    %swap3A_368 = vector.shape_cast %swap3A_367 : vector<1x1x16xf32> to vector<16xf32>
    %swap3A_369 = vector.shape_cast %get3A_65 : vector<16xf32> to vector<1x1x16xf32>
    tpu.vector_store %arg7[%swap3A_364, %swap3A_365, %swap3A_366], %swap3A_369 {strides = array<i32>} : memref<4x2x512xf32, #tpu.memory_space<vmem>>, vector<1x1x16xf32>,
    %swap3A_370 = arith.constant 2 : i32
    %swap3A_371 = arith.constant 0 : i32
    %swap3A_372 = arith.index_cast %swap3A_370 : i32 to index
    %swap3A_373 = arith.index_cast %swap3A_371 : i32 to index
    %swap3A_374 = arith.constant 48 : index
    %swap3A_375 = tpu.vector_load %arg7[%swap3A_372, %swap3A_373, %swap3A_374] {strides = array<i32>} : memref<4x2x512xf32, #tpu.memory_space<vmem>>, vector<1x1x16xf32>,
    %swap3A_376 = vector.shape_cast %swap3A_375 : vector<1x1x16xf32> to vector<16xf32>
    %swap3A_377 = vector.shape_cast %get3A_70 : vector<16xf32> to vector<1x1x16xf32>
    tpu.vector_store %arg7[%swap3A_372, %swap3A_373, %swap3A_374], %swap3A_377 {strides = array<i32>} : memref<4x2x512xf32, #tpu.memory_space<vmem>>, vector<1x1x16xf32>,
    %swap3A_378 = arith.constant 2 : i32
    %swap3A_379 = arith.constant 0 : i32
    %swap3A_380 = arith.index_cast %swap3A_378 : i32 to index
    %swap3A_381 = arith.index_cast %swap3A_379 : i32 to index
    %swap3A_382 = arith.constant 64 : index
    %swap3A_383 = tpu.vector_load %arg7[%swap3A_380, %swap3A_381, %swap3A_382] {strides = array<i32>} : memref<4x2x512xf32, #tpu.memory_space<vmem>>, vector<1x1x16xf32>,
    %swap3A_384 = vector.shape_cast %swap3A_383 : vector<1x1x16xf32> to vector<16xf32>
    %swap3A_385 = vector.shape_cast %get3A_75 : vector<16xf32> to vector<1x1x16xf32>
    tpu.vector_store %arg7[%swap3A_380, %swap3A_381, %swap3A_382], %swap3A_385 {strides = array<i32>} : memref<4x2x512xf32, #tpu.memory_space<vmem>>, vector<1x1x16xf32>,
    %swap3A_386 = arith.constant 2 : i32
    %swap3A_387 = arith.constant 0 : i32
    %swap3A_388 = arith.index_cast %swap3A_386 : i32 to index
    %swap3A_389 = arith.index_cast %swap3A_387 : i32 to index
    %swap3A_390 = arith.constant 80 : index
    %swap3A_391 = tpu.vector_load %arg7[%swap3A_388, %swap3A_389, %swap3A_390] {strides = array<i32>} : memref<4x2x512xf32, #tpu.memory_space<vmem>>, vector<1x1x16xf32>,
    %swap3A_392 = vector.shape_cast %swap3A_391 : vector<1x1x16xf32> to vector<16xf32>
    %swap3A_393 = vector.shape_cast %get3A_80 : vector<16xf32> to vector<1x1x16xf32>
    tpu.vector_store %arg7[%swap3A_388, %swap3A_389, %swap3A_390], %swap3A_393 {strides = array<i32>} : memref<4x2x512xf32, #tpu.memory_space<vmem>>, vector<1x1x16xf32>,
    %swap3A_394 = arith.constant 2 : i32
    %swap3A_395 = arith.constant 0 : i32
    %swap3A_396 = arith.index_cast %swap3A_394 : i32 to index
    %swap3A_397 = arith.index_cast %swap3A_395 : i32 to index
    %swap3A_398 = arith.constant 96 : index
    %swap3A_399 = tpu.vector_load %arg7[%swap3A_396, %swap3A_397, %swap3A_398] {strides = array<i32>} : memref<4x2x512xf32, #tpu.memory_space<vmem>>, vector<1x1x16xf32>,
    %swap3A_400 = vector.shape_cast %swap3A_399 : vector<1x1x16xf32> to vector<16xf32>
    %swap3A_401 = vector.shape_cast %get3A_85 : vector<16xf32> to vector<1x1x16xf32>
    tpu.vector_store %arg7[%swap3A_396, %swap3A_397, %swap3A_398], %swap3A_401 {strides = array<i32>} : memref<4x2x512xf32, #tpu.memory_space<vmem>>, vector<1x1x16xf32>,
    %swap3A_402 = arith.constant 2 : i32
    %swap3A_403 = arith.constant 0 : i32
    %swap3A_404 = arith.index_cast %swap3A_402 : i32 to index
    %swap3A_405 = arith.index_cast %swap3A_403 : i32 to index
    %swap3A_406 = arith.constant 112 : index
    %swap3A_407 = tpu.vector_load %arg7[%swap3A_404, %swap3A_405, %swap3A_406] {strides = array<i32>} : memref<4x2x512xf32, #tpu.memory_space<vmem>>, vector<1x1x16xf32>,
    %swap3A_408 = vector.shape_cast %swap3A_407 : vector<1x1x16xf32> to vector<16xf32>
    %swap3A_409 = vector.shape_cast %get3A_90 : vector<16xf32> to vector<1x1x16xf32>
    tpu.vector_store %arg7[%swap3A_404, %swap3A_405, %swap3A_406], %swap3A_409 {strides = array<i32>} : memref<4x2x512xf32, #tpu.memory_space<vmem>>, vector<1x1x16xf32>,
    %swap3A_410 = arith.constant 2 : i32
    %swap3A_411 = arith.constant 1 : i32
    %swap3A_412 = arith.index_cast %swap3A_410 : i32 to index
    %swap3A_413 = arith.index_cast %swap3A_411 : i32 to index
    %swap3A_414 = arith.constant 0 : index
    %swap3A_415 = tpu.vector_load %arg7[%swap3A_412, %swap3A_413, %swap3A_414] {strides = array<i32>} : memref<4x2x512xf32, #tpu.memory_space<vmem>>, vector<1x1x16xf32>,
    %swap3A_416 = vector.shape_cast %swap3A_415 : vector<1x1x16xf32> to vector<16xf32>
    %swap3A_417 = vector.shape_cast %get3A_15 : vector<16xf32> to vector<1x1x16xf32>
    tpu.vector_store %arg7[%swap3A_412, %swap3A_413, %swap3A_414], %swap3A_417 {strides = array<i32>} : memref<4x2x512xf32, #tpu.memory_space<vmem>>, vector<1x1x16xf32>,
    %swap3A_418 = arith.constant 2 : i32
    %swap3A_419 = arith.constant 1 : i32
    %swap3A_420 = arith.index_cast %swap3A_418 : i32 to index
    %swap3A_421 = arith.index_cast %swap3A_419 : i32 to index
    %swap3A_422 = arith.constant 16 : index
    %swap3A_423 = tpu.vector_load %arg7[%swap3A_420, %swap3A_421, %swap3A_422] {strides = array<i32>} : memref<4x2x512xf32, #tpu.memory_space<vmem>>, vector<1x1x16xf32>,
    %swap3A_424 = vector.shape_cast %swap3A_423 : vector<1x1x16xf32> to vector<16xf32>
    %swap3A_425 = vector.shape_cast %get3A_20 : vector<16xf32> to vector<1x1x16xf32>
    tpu.vector_store %arg7[%swap3A_420, %swap3A_421, %swap3A_422], %swap3A_425 {strides = array<i32>} : memref<4x2x512xf32, #tpu.memory_space<vmem>>, vector<1x1x16xf32>,
    %swap3A_426 = arith.constant 2 : i32
    %swap3A_427 = arith.constant 1 : i32
    %swap3A_428 = arith.index_cast %swap3A_426 : i32 to index
    %swap3A_429 = arith.index_cast %swap3A_427 : i32 to index
    %swap3A_430 = arith.constant 32 : index
    %swap3A_431 = tpu.vector_load %arg7[%swap3A_428, %swap3A_429, %swap3A_430] {strides = array<i32>} : memref<4x2x512xf32, #tpu.memory_space<vmem>>, vector<1x1x16xf32>,
    %swap3A_432 = vector.shape_cast %swap3A_431 : vector<1x1x16xf32> to vector<16xf32>
    %swap3A_433 = vector.shape_cast %get3A_25 : vector<16xf32> to vector<1x1x16xf32>
    tpu.vector_store %arg7[%swap3A_428, %swap3A_429, %swap3A_430], %swap3A_433 {strides = array<i32>} : memref<4x2x512xf32, #tpu.memory_space<vmem>>, vector<1x1x16xf32>,
    %swap3A_434 = arith.constant 2 : i32
    %swap3A_435 = arith.constant 1 : i32
    %swap3A_436 = arith.index_cast %swap3A_434 : i32 to index
    %swap3A_437 = arith.index_cast %swap3A_435 : i32 to index
    %swap3A_438 = arith.constant 48 : index
    %swap3A_439 = tpu.vector_load %arg7[%swap3A_436, %swap3A_437, %swap3A_438] {strides = array<i32>} : memref<4x2x512xf32, #tpu.memory_space<vmem>>, vector<1x1x16xf32>,
    %swap3A_440 = vector.shape_cast %swap3A_439 : vector<1x1x16xf32> to vector<16xf32>
    %swap3A_441 = vector.shape_cast %get3A_30 : vector<16xf32> to vector<1x1x16xf32>
    tpu.vector_store %arg7[%swap3A_436, %swap3A_437, %swap3A_438], %swap3A_441 {strides = array<i32>} : memref<4x2x512xf32, #tpu.memory_space<vmem>>, vector<1x1x16xf32>,
    %swap3A_442 = arith.constant 2 : i32
    %swap3A_443 = arith.constant 1 : i32
    %swap3A_444 = arith.index_cast %swap3A_442 : i32 to index
    %swap3A_445 = arith.index_cast %swap3A_443 : i32 to index
    %swap3A_446 = arith.constant 64 : index
    %swap3A_447 = tpu.vector_load %arg7[%swap3A_444, %swap3A_445, %swap3A_446] {strides = array<i32>} : memref<4x2x512xf32, #tpu.memory_space<vmem>>, vector<1x1x16xf32>,
    %swap3A_448 = vector.shape_cast %swap3A_447 : vector<1x1x16xf32> to vector<16xf32>
    %swap3A_449 = vector.shape_cast %get3A_35 : vector<16xf32> to vector<1x1x16xf32>
    tpu.vector_store %arg7[%swap3A_444, %swap3A_445, %swap3A_446], %swap3A_449 {strides = array<i32>} : memref<4x2x512xf32, #tpu.memory_space<vmem>>, vector<1x1x16xf32>,
    %swap3A_450 = arith.constant 2 : i32
    %swap3A_451 = arith.constant 1 : i32
    %swap3A_452 = arith.index_cast %swap3A_450 : i32 to index
    %swap3A_453 = arith.index_cast %swap3A_451 : i32 to index
    %swap3A_454 = arith.constant 80 : index
    %swap3A_455 = tpu.vector_load %arg7[%swap3A_452, %swap3A_453, %swap3A_454] {strides = array<i32>} : memref<4x2x512xf32, #tpu.memory_space<vmem>>, vector<1x1x16xf32>,
    %swap3A_456 = vector.shape_cast %swap3A_455 : vector<1x1x16xf32> to vector<16xf32>
    %swap3A_457 = vector.shape_cast %get3A_40 : vector<16xf32> to vector<1x1x16xf32>
    tpu.vector_store %arg7[%swap3A_452, %swap3A_453, %swap3A_454], %swap3A_457 {strides = array<i32>} : memref<4x2x512xf32, #tpu.memory_space<vmem>>, vector<1x1x16xf32>,
    %swap3A_458 = arith.constant 2 : i32
    %swap3A_459 = arith.constant 1 : i32
    %swap3A_460 = arith.index_cast %swap3A_458 : i32 to index
    %swap3A_461 = arith.index_cast %swap3A_459 : i32 to index
    %swap3A_462 = arith.constant 96 : index
    %swap3A_463 = tpu.vector_load %arg7[%swap3A_460, %swap3A_461, %swap3A_462] {strides = array<i32>} : memref<4x2x512xf32, #tpu.memory_space<vmem>>, vector<1x1x16xf32>,
    %swap3A_464 = vector.shape_cast %swap3A_463 : vector<1x1x16xf32> to vector<16xf32>
    %swap3A_465 = vector.shape_cast %get3A_45 : vector<16xf32> to vector<1x1x16xf32>
    tpu.vector_store %arg7[%swap3A_460, %swap3A_461, %swap3A_462], %swap3A_465 {strides = array<i32>} : memref<4x2x512xf32, #tpu.memory_space<vmem>>, vector<1x1x16xf32>,
    %swap3A_466 = arith.constant 2 : i32
    %swap3A_467 = arith.constant 1 : i32
    %swap3A_468 = arith.index_cast %swap3A_466 : i32 to index
    %swap3A_469 = arith.index_cast %swap3A_467 : i32 to index
    %swap3A_470 = arith.constant 112 : index
    %swap3A_471 = tpu.vector_load %arg7[%swap3A_468, %swap3A_469, %swap3A_470] {strides = array<i32>} : memref<4x2x512xf32, #tpu.memory_space<vmem>>, vector<1x1x16xf32>,
    %swap3A_472 = vector.shape_cast %swap3A_471 : vector<1x1x16xf32> to vector<16xf32>
    %swap3A_473 = vector.shape_cast %get3A_50 : vector<16xf32> to vector<1x1x16xf32>
    tpu.vector_store %arg7[%swap3A_468, %swap3A_469, %swap3A_470], %swap3A_473 {strides = array<i32>} : memref<4x2x512xf32, #tpu.memory_space<vmem>>, vector<1x1x16xf32>,
    %swap3A_474 = arith.constant 3 : i32
    %swap3A_475 = arith.constant 0 : i32
    %swap3A_476 = arith.index_cast %swap3A_474 : i32 to index
    %swap3A_477 = arith.index_cast %swap3A_475 : i32 to index
    %swap3A_478 = arith.constant 0 : index
    %swap3A_479 = tpu.vector_load %arg7[%swap3A_476, %swap3A_477, %swap3A_478] {strides = array<i32>} : memref<4x2x512xf32, #tpu.memory_space<vmem>>, vector<1x1x16xf32>,
    %swap3A_480 = vector.shape_cast %swap3A_479 : vector<1x1x16xf32> to vector<16xf32>
    %swap3A_481 = vector.shape_cast %get3A_55 : vector<16xf32> to vector<1x1x16xf32>
    tpu.vector_store %arg7[%swap3A_476, %swap3A_477, %swap3A_478], %swap3A_481 {strides = array<i32>} : memref<4x2x512xf32, #tpu.memory_space<vmem>>, vector<1x1x16xf32>,
    %swap3A_482 = arith.constant 3 : i32
    %swap3A_483 = arith.constant 0 : i32
    %swap3A_484 = arith.index_cast %swap3A_482 : i32 to index
    %swap3A_485 = arith.index_cast %swap3A_483 : i32 to index
    %swap3A_486 = arith.constant 16 : index
    %swap3A_487 = tpu.vector_load %arg7[%swap3A_484, %swap3A_485, %swap3A_486] {strides = array<i32>} : memref<4x2x512xf32, #tpu.memory_space<vmem>>, vector<1x1x16xf32>,
    %swap3A_488 = vector.shape_cast %swap3A_487 : vector<1x1x16xf32> to vector<16xf32>
    %swap3A_489 = vector.shape_cast %get3A_60 : vector<16xf32> to vector<1x1x16xf32>
    tpu.vector_store %arg7[%swap3A_484, %swap3A_485, %swap3A_486], %swap3A_489 {strides = array<i32>} : memref<4x2x512xf32, #tpu.memory_space<vmem>>, vector<1x1x16xf32>,
    %swap3A_490 = arith.constant 3 : i32
    %swap3A_491 = arith.constant 0 : i32
    %swap3A_492 = arith.index_cast %swap3A_490 : i32 to index
    %swap3A_493 = arith.index_cast %swap3A_491 : i32 to index
    %swap3A_494 = arith.constant 32 : index
    %swap3A_495 = tpu.vector_load %arg7[%swap3A_492, %swap3A_493, %swap3A_494] {strides = array<i32>} : memref<4x2x512xf32, #tpu.memory_space<vmem>>, vector<1x1x16xf32>,
    %swap3A_496 = vector.shape_cast %swap3A_495 : vector<1x1x16xf32> to vector<16xf32>
    %swap3A_497 = vector.shape_cast %get3A_65 : vector<16xf32> to vector<1x1x16xf32>
    tpu.vector_store %arg7[%swap3A_492, %swap3A_493, %swap3A_494], %swap3A_497 {strides = array<i32>} : memref<4x2x512xf32, #tpu.memory_space<vmem>>, vector<1x1x16xf32>,
    %swap3A_498 = arith.constant 3 : i32
    %swap3A_499 = arith.constant 0 : i32
    %swap3A_500 = arith.index_cast %swap3A_498 : i32 to index
    %swap3A_501 = arith.index_cast %swap3A_499 : i32 to index
    %swap3A_502 = arith.constant 48 : index
    %swap3A_503 = tpu.vector_load %arg7[%swap3A_500, %swap3A_501, %swap3A_502] {strides = array<i32>} : memref<4x2x512xf32, #tpu.memory_space<vmem>>, vector<1x1x16xf32>,
    %swap3A_504 = vector.shape_cast %swap3A_503 : vector<1x1x16xf32> to vector<16xf32>
    %swap3A_505 = vector.shape_cast %get3A_70 : vector<16xf32> to vector<1x1x16xf32>
    tpu.vector_store %arg7[%swap3A_500, %swap3A_501, %swap3A_502], %swap3A_505 {strides = array<i32>} : memref<4x2x512xf32, #tpu.memory_space<vmem>>, vector<1x1x16xf32>,
    %swap3A_506 = arith.constant 3 : i32
    %swap3A_507 = arith.constant 0 : i32
    %swap3A_508 = arith.index_cast %swap3A_506 : i32 to index
    %swap3A_509 = arith.index_cast %swap3A_507 : i32 to index
    %swap3A_510 = arith.constant 64 : index
    %swap3A_511 = tpu.vector_load %arg7[%swap3A_508, %swap3A_509, %swap3A_510] {strides = array<i32>} : memref<4x2x512xf32, #tpu.memory_space<vmem>>, vector<1x1x16xf32>,
    %swap3A_512 = vector.shape_cast %swap3A_511 : vector<1x1x16xf32> to vector<16xf32>
    %swap3A_513 = vector.shape_cast %get3A_75 : vector<16xf32> to vector<1x1x16xf32>
    tpu.vector_store %arg7[%swap3A_508, %swap3A_509, %swap3A_510], %swap3A_513 {strides = array<i32>} : memref<4x2x512xf32, #tpu.memory_space<vmem>>, vector<1x1x16xf32>,
    %swap3A_514 = arith.constant 3 : i32
    %swap3A_515 = arith.constant 0 : i32
    %swap3A_516 = arith.index_cast %swap3A_514 : i32 to index
    %swap3A_517 = arith.index_cast %swap3A_515 : i32 to index
    %swap3A_518 = arith.constant 80 : index
    %swap3A_519 = tpu.vector_load %arg7[%swap3A_516, %swap3A_517, %swap3A_518] {strides = array<i32>} : memref<4x2x512xf32, #tpu.memory_space<vmem>>, vector<1x1x16xf32>,
    %swap3A_520 = vector.shape_cast %swap3A_519 : vector<1x1x16xf32> to vector<16xf32>
    %swap3A_521 = vector.shape_cast %get3A_80 : vector<16xf32> to vector<1x1x16xf32>
    tpu.vector_store %arg7[%swap3A_516, %swap3A_517, %swap3A_518], %swap3A_521 {strides = array<i32>} : memref<4x2x512xf32, #tpu.memory_space<vmem>>, vector<1x1x16xf32>,
    %swap3A_522 = arith.constant 3 : i32
    %swap3A_523 = arith.constant 0 : i32
    %swap3A_524 = arith.index_cast %swap3A_522 : i32 to index
    %swap3A_525 = arith.index_cast %swap3A_523 : i32 to index
    %swap3A_526 = arith.constant 96 : index
    %swap3A_527 = tpu.vector_load %arg7[%swap3A_524, %swap3A_525, %swap3A_526] {strides = array<i32>} : memref<4x2x512xf32, #tpu.memory_space<vmem>>, vector<1x1x16xf32>,
    %swap3A_528 = vector.shape_cast %swap3A_527 : vector<1x1x16xf32> to vector<16xf32>
    %swap3A_529 = vector.shape_cast %get3A_85 : vector<16xf32> to vector<1x1x16xf32>
    tpu.vector_store %arg7[%swap3A_524, %swap3A_525, %swap3A_526], %swap3A_529 {strides = array<i32>} : memref<4x2x512xf32, #tpu.memory_space<vmem>>, vector<1x1x16xf32>,
    %swap3A_530 = arith.constant 3 : i32
    %swap3A_531 = arith.constant 0 : i32
    %swap3A_532 = arith.index_cast %swap3A_530 : i32 to index
    %swap3A_533 = arith.index_cast %swap3A_531 : i32 to index
    %swap3A_534 = arith.constant 112 : index
    %swap3A_535 = tpu.vector_load %arg7[%swap3A_532, %swap3A_533, %swap3A_534] {strides = array<i32>} : memref<4x2x512xf32, #tpu.memory_space<vmem>>, vector<1x1x16xf32>,
    %swap3A_536 = vector.shape_cast %swap3A_535 : vector<1x1x16xf32> to vector<16xf32>
    %swap3A_537 = vector.shape_cast %get3A_90 : vector<16xf32> to vector<1x1x16xf32>
    tpu.vector_store %arg7[%swap3A_532, %swap3A_533, %swap3A_534], %swap3A_537 {strides = array<i32>} : memref<4x2x512xf32, #tpu.memory_space<vmem>>, vector<1x1x16xf32>,
    %swap3A_538 = arith.constant 3 : i32
    %swap3A_539 = arith.constant 1 : i32
    %swap3A_540 = arith.index_cast %swap3A_538 : i32 to index
    %swap3A_541 = arith.index_cast %swap3A_539 : i32 to index
    %swap3A_542 = arith.constant 0 : index
    %swap3A_543 = tpu.vector_load %arg7[%swap3A_540, %swap3A_541, %swap3A_542] {strides = array<i32>} : memref<4x2x512xf32, #tpu.memory_space<vmem>>, vector<1x1x16xf32>,
    %swap3A_544 = vector.shape_cast %swap3A_543 : vector<1x1x16xf32> to vector<16xf32>
    %swap3A_545 = vector.shape_cast %get3A_55 : vector<16xf32> to vector<1x1x16xf32>
    tpu.vector_store %arg7[%swap3A_540, %swap3A_541, %swap3A_542], %swap3A_545 {strides = array<i32>} : memref<4x2x512xf32, #tpu.memory_space<vmem>>, vector<1x1x16xf32>,
    %swap3A_546 = arith.constant 3 : i32
    %swap3A_547 = arith.constant 1 : i32
    %swap3A_548 = arith.index_cast %swap3A_546 : i32 to index
    %swap3A_549 = arith.index_cast %swap3A_547 : i32 to index
    %swap3A_550 = arith.constant 16 : index
    %swap3A_551 = tpu.vector_load %arg7[%swap3A_548, %swap3A_549, %swap3A_550] {strides = array<i32>} : memref<4x2x512xf32, #tpu.memory_space<vmem>>, vector<1x1x16xf32>,
    %swap3A_552 = vector.shape_cast %swap3A_551 : vector<1x1x16xf32> to vector<16xf32>
    %swap3A_553 = vector.shape_cast %get3A_60 : vector<16xf32> to vector<1x1x16xf32>
    tpu.vector_store %arg7[%swap3A_548, %swap3A_549, %swap3A_550], %swap3A_553 {strides = array<i32>} : memref<4x2x512xf32, #tpu.memory_space<vmem>>, vector<1x1x16xf32>,
    %swap3A_554 = arith.constant 3 : i32
    %swap3A_555 = arith.constant 1 : i32
    %swap3A_556 = arith.index_cast %swap3A_554 : i32 to index
    %swap3A_557 = arith.index_cast %swap3A_555 : i32 to index
    %swap3A_558 = arith.constant 32 : index
    %swap3A_559 = tpu.vector_load %arg7[%swap3A_556, %swap3A_557, %swap3A_558] {strides = array<i32>} : memref<4x2x512xf32, #tpu.memory_space<vmem>>, vector<1x1x16xf32>,
    %swap3A_560 = vector.shape_cast %swap3A_559 : vector<1x1x16xf32> to vector<16xf32>
    %swap3A_561 = vector.shape_cast %get3A_65 : vector<16xf32> to vector<1x1x16xf32>
    tpu.vector_store %arg7[%swap3A_556, %swap3A_557, %swap3A_558], %swap3A_561 {strides = array<i32>} : memref<4x2x512xf32, #tpu.memory_space<vmem>>, vector<1x1x16xf32>,
    %swap3A_562 = arith.constant 3 : i32
    %swap3A_563 = arith.constant 1 : i32
    %swap3A_564 = arith.index_cast %swap3A_562 : i32 to index
    %swap3A_565 = arith.index_cast %swap3A_563 : i32 to index
    %swap3A_566 = arith.constant 48 : index
    %swap3A_567 = tpu.vector_load %arg7[%swap3A_564, %swap3A_565, %swap3A_566] {strides = array<i32>} : memref<4x2x512xf32, #tpu.memory_space<vmem>>, vector<1x1x16xf32>,
    %swap3A_568 = vector.shape_cast %swap3A_567 : vector<1x1x16xf32> to vector<16xf32>
    %swap3A_569 = vector.shape_cast %get3A_70 : vector<16xf32> to vector<1x1x16xf32>
    tpu.vector_store %arg7[%swap3A_564, %swap3A_565, %swap3A_566], %swap3A_569 {strides = array<i32>} : memref<4x2x512xf32, #tpu.memory_space<vmem>>, vector<1x1x16xf32>,
    %swap3A_570 = arith.constant 3 : i32
    %swap3A_571 = arith.constant 1 : i32
    %swap3A_572 = arith.index_cast %swap3A_570 : i32 to index
    %swap3A_573 = arith.index_cast %swap3A_571 : i32 to index
    %swap3A_574 = arith.constant 64 : index
    %swap3A_575 = tpu.vector_load %arg7[%swap3A_572, %swap3A_573, %swap3A_574] {strides = array<i32>} : memref<4x2x512xf32, #tpu.memory_space<vmem>>, vector<1x1x16xf32>,
    %swap3A_576 = vector.shape_cast %swap3A_575 : vector<1x1x16xf32> to vector<16xf32>
    %swap3A_577 = vector.shape_cast %get3A_75 : vector<16xf32> to vector<1x1x16xf32>
    tpu.vector_store %arg7[%swap3A_572, %swap3A_573, %swap3A_574], %swap3A_577 {strides = array<i32>} : memref<4x2x512xf32, #tpu.memory_space<vmem>>, vector<1x1x16xf32>,
    %swap3A_578 = arith.constant 3 : i32
    %swap3A_579 = arith.constant 1 : i32
    %swap3A_580 = arith.index_cast %swap3A_578 : i32 to index
    %swap3A_581 = arith.index_cast %swap3A_579 : i32 to index
    %swap3A_582 = arith.constant 80 : index
    %swap3A_583 = tpu.vector_load %arg7[%swap3A_580, %swap3A_581, %swap3A_582] {strides = array<i32>} : memref<4x2x512xf32, #tpu.memory_space<vmem>>, vector<1x1x16xf32>,
    %swap3A_584 = vector.shape_cast %swap3A_583 : vector<1x1x16xf32> to vector<16xf32>
    %swap3A_585 = vector.shape_cast %get3A_80 : vector<16xf32> to vector<1x1x16xf32>
    tpu.vector_store %arg7[%swap3A_580, %swap3A_581, %swap3A_582], %swap3A_585 {strides = array<i32>} : memref<4x2x512xf32, #tpu.memory_space<vmem>>, vector<1x1x16xf32>,
    %swap3A_586 = arith.constant 3 : i32
    %swap3A_587 = arith.constant 1 : i32
    %swap3A_588 = arith.index_cast %swap3A_586 : i32 to index
    %swap3A_589 = arith.index_cast %swap3A_587 : i32 to index
    %swap3A_590 = arith.constant 96 : index
    %swap3A_591 = tpu.vector_load %arg7[%swap3A_588, %swap3A_589, %swap3A_590] {strides = array<i32>} : memref<4x2x512xf32, #tpu.memory_space<vmem>>, vector<1x1x16xf32>,
    %swap3A_592 = vector.shape_cast %swap3A_591 : vector<1x1x16xf32> to vector<16xf32>
    %swap3A_593 = vector.shape_cast %get3A_85 : vector<16xf32> to vector<1x1x16xf32>
    tpu.vector_store %arg7[%swap3A_588, %swap3A_589, %swap3A_590], %swap3A_593 {strides = array<i32>} : memref<4x2x512xf32, #tpu.memory_space<vmem>>, vector<1x1x16xf32>,
    %swap3A_594 = arith.constant 3 : i32
    %swap3A_595 = arith.constant 1 : i32
    %swap3A_596 = arith.index_cast %swap3A_594 : i32 to index
    %swap3A_597 = arith.index_cast %swap3A_595 : i32 to index
    %swap3A_598 = arith.constant 112 : index
    %swap3A_599 = tpu.vector_load %arg7[%swap3A_596, %swap3A_597, %swap3A_598] {strides = array<i32>} : memref<4x2x512xf32, #tpu.memory_space<vmem>>, vector<1x1x16xf32>,
    %swap3A_600 = vector.shape_cast %swap3A_599 : vector<1x1x16xf32> to vector<16xf32>
    %swap3A_601 = vector.shape_cast %get3A_90 : vector<16xf32> to vector<1x1x16xf32>
    tpu.vector_store %arg7[%swap3A_596, %swap3A_597, %swap3A_598], %swap3A_601 {strides = array<i32>} : memref<4x2x512xf32, #tpu.memory_space<vmem>>, vector<1x1x16xf32>,
    %get3A_602 = arith.constant 0 : i32
    %get3A_603 = arith.index_cast %get3A_602 : i32 to index
    %get3A_604 = arith.constant 128 : index
    %get3A_605 = tpu.vector_load %arg6[%get3A_603, %get3A_604] {strides = array<i32>} : memref<2x512xf32, #tpu.memory_space<vmem>>, vector<1x16xf32>,
    %get3A_606 = vector.shape_cast %get3A_605 : vector<1x16xf32> to vector<16xf32>
    %get3A_607 = arith.constant 0 : i32
    %get3A_608 = arith.index_cast %get3A_607 : i32 to index
    %get3A_609 = arith.constant 144 : index
    %get3A_610 = tpu.vector_load %arg6[%get3A_608, %get3A_609] {strides = array<i32>} : memref<2x512xf32, #tpu.memory_space<vmem>>, vector<1x16xf32>,
    %get3A_611 = vector.shape_cast %get3A_610 : vector<1x16xf32> to vector<16xf32>
    %get3A_612 = arith.constant 0 : i32
    %get3A_613 = arith.index_cast %get3A_612 : i32 to index
    %get3A_614 = arith.constant 160 : index
    %get3A_615 = tpu.vector_load %arg6[%get3A_613, %get3A_614] {strides = array<i32>} : memref<2x512xf32, #tpu.memory_space<vmem>>, vector<1x16xf32>,
    %get3A_616 = vector.shape_cast %get3A_615 : vector<1x16xf32> to vector<16xf32>
    %get3A_617 = arith.constant 0 : i32
    %get3A_618 = arith.index_cast %get3A_617 : i32 to index
    %get3A_619 = arith.constant 176 : index
    %get3A_620 = tpu.vector_load %arg6[%get3A_618, %get3A_619] {strides = array<i32>} : memref<2x512xf32, #tpu.memory_space<vmem>>, vector<1x16xf32>,
    %get3A_621 = vector.shape_cast %get3A_620 : vector<1x16xf32> to vector<16xf32>
    %get3A_622 = arith.constant 0 : i32
    %get3A_623 = arith.index_cast %get3A_622 : i32 to index
    %get3A_624 = arith.constant 192 : index
    %get3A_625 = tpu.vector_load %arg6[%get3A_623, %get3A_624] {strides = array<i32>} : memref<2x512xf32, #tpu.memory_space<vmem>>, vector<1x16xf32>,
    %get3A_626 = vector.shape_cast %get3A_625 : vector<1x16xf32> to vector<16xf32>
    %get3A_627 = arith.constant 0 : i32
    %get3A_628 = arith.index_cast %get3A_627 : i32 to index
    %get3A_629 = arith.constant 208 : index
    %get3A_630 = tpu.vector_load %arg6[%get3A_628, %get3A_629] {strides = array<i32>} : memref<2x512xf32, #tpu.memory_space<vmem>>, vector<1x16xf32>,
    %get3A_631 = vector.shape_cast %get3A_630 : vector<1x16xf32> to vector<16xf32>
    %get3A_632 = arith.constant 0 : i32
    %get3A_633 = arith.index_cast %get3A_632 : i32 to index
    %get3A_634 = arith.constant 224 : index
    %get3A_635 = tpu.vector_load %arg6[%get3A_633, %get3A_634] {strides = array<i32>} : memref<2x512xf32, #tpu.memory_space<vmem>>, vector<1x16xf32>,
    %get3A_636 = vector.shape_cast %get3A_635 : vector<1x16xf32> to vector<16xf32>
    %get3A_637 = arith.constant 0 : i32
    %get3A_638 = arith.index_cast %get3A_637 : i32 to index
    %get3A_639 = arith.constant 240 : index
    %get3A_640 = tpu.vector_load %arg6[%get3A_638, %get3A_639] {strides = array<i32>} : memref<2x512xf32, #tpu.memory_space<vmem>>, vector<1x16xf32>,
    %get3A_641 = vector.shape_cast %get3A_640 : vector<1x16xf32> to vector<16xf32>
    %get3A_642 = arith.constant 1 : i32
    %get3A_643 = arith.index_cast %get3A_642 : i32 to index
    %get3A_644 = arith.constant 128 : index
    %get3A_645 = tpu.vector_load %arg6[%get3A_643, %get3A_644] {strides = array<i32>} : memref<2x512xf32, #tpu.memory_space<vmem>>, vector<1x16xf32>,
    %get3A_646 = vector.shape_cast %get3A_645 : vector<1x16xf32> to vector<16xf32>
    %get3A_647 = arith.constant 1 : i32
    %get3A_648 = arith.index_cast %get3A_647 : i32 to index
    %get3A_649 = arith.constant 144 : index
    %get3A_650 = tpu.vector_load %arg6[%get3A_648, %get3A_649] {strides = array<i32>} : memref<2x512xf32, #tpu.memory_space<vmem>>, vector<1x16xf32>,
    %get3A_651 = vector.shape_cast %get3A_650 : vector<1x16xf32> to vector<16xf32>
    %get3A_652 = arith.constant 1 : i32
    %get3A_653 = arith.index_cast %get3A_652 : i32 to index
    %get3A_654 = arith.constant 160 : index
    %get3A_655 = tpu.vector_load %arg6[%get3A_653, %get3A_654] {strides = array<i32>} : memref<2x512xf32, #tpu.memory_space<vmem>>, vector<1x16xf32>,
    %get3A_656 = vector.shape_cast %get3A_655 : vector<1x16xf32> to vector<16xf32>
    %get3A_657 = arith.constant 1 : i32
    %get3A_658 = arith.index_cast %get3A_657 : i32 to index
    %get3A_659 = arith.constant 176 : index
    %get3A_660 = tpu.vector_load %arg6[%get3A_658, %get3A_659] {strides = array<i32>} : memref<2x512xf32, #tpu.memory_space<vmem>>, vector<1x16xf32>,
    %get3A_661 = vector.shape_cast %get3A_660 : vector<1x16xf32> to vector<16xf32>
    %get3A_662 = arith.constant 1 : i32
    %get3A_663 = arith.index_cast %get3A_662 : i32 to index
    %get3A_664 = arith.constant 192 : index
    %get3A_665 = tpu.vector_load %arg6[%get3A_663, %get3A_664] {strides = array<i32>} : memref<2x512xf32, #tpu.memory_space<vmem>>, vector<1x16xf32>,
    %get3A_666 = vector.shape_cast %get3A_665 : vector<1x16xf32> to vector<16xf32>
    %get3A_667 = arith.constant 1 : i32
    %get3A_668 = arith.index_cast %get3A_667 : i32 to index
    %get3A_669 = arith.constant 208 : index
    %get3A_670 = tpu.vector_load %arg6[%get3A_668, %get3A_669] {strides = array<i32>} : memref<2x512xf32, #tpu.memory_space<vmem>>, vector<1x16xf32>,
    %get3A_671 = vector.shape_cast %get3A_670 : vector<1x16xf32> to vector<16xf32>
    %get3A_672 = arith.constant 1 : i32
    %get3A_673 = arith.index_cast %get3A_672 : i32 to index
    %get3A_674 = arith.constant 224 : index
    %get3A_675 = tpu.vector_load %arg6[%get3A_673, %get3A_674] {strides = array<i32>} : memref<2x512xf32, #tpu.memory_space<vmem>>, vector<1x16xf32>,
    %get3A_676 = vector.shape_cast %get3A_675 : vector<1x16xf32> to vector<16xf32>
    %get3A_677 = arith.constant 1 : i32
    %get3A_678 = arith.index_cast %get3A_677 : i32 to index
    %get3A_679 = arith.constant 240 : index
    %get3A_680 = tpu.vector_load %arg6[%get3A_678, %get3A_679] {strides = array<i32>} : memref<2x512xf32, #tpu.memory_space<vmem>>, vector<1x16xf32>,
    %get3A_681 = vector.shape_cast %get3A_680 : vector<1x16xf32> to vector<16xf32>
    %swap3A_682 = arith.constant 0 : i32
    %swap3A_683 = arith.constant 0 : i32
    %swap3A_684 = arith.index_cast %swap3A_682 : i32 to index
    %swap3A_685 = arith.index_cast %swap3A_683 : i32 to index
    %swap3A_686 = arith.constant 128 : index
    %swap3A_687 = tpu.vector_load %arg7[%swap3A_684, %swap3A_685, %swap3A_686] {strides = array<i32>} : memref<4x2x512xf32, #tpu.memory_space<vmem>>, vector<1x1x16xf32>,
    %swap3A_688 = vector.shape_cast %swap3A_687 : vector<1x1x16xf32> to vector<16xf32>
    %swap3A_689 = vector.shape_cast %get3A_606 : vector<16xf32> to vector<1x1x16xf32>
    tpu.vector_store %arg7[%swap3A_684, %swap3A_685, %swap3A_686], %swap3A_689 {strides = array<i32>} : memref<4x2x512xf32, #tpu.memory_space<vmem>>, vector<1x1x16xf32>,
    %swap3A_690 = arith.constant 0 : i32
    %swap3A_691 = arith.constant 0 : i32
    %swap3A_692 = arith.index_cast %swap3A_690 : i32 to index
    %swap3A_693 = arith.index_cast %swap3A_691 : i32 to index
    %swap3A_694 = arith.constant 144 : index
    %swap3A_695 = tpu.vector_load %arg7[%swap3A_692, %swap3A_693, %swap3A_694] {strides = array<i32>} : memref<4x2x512xf32, #tpu.memory_space<vmem>>, vector<1x1x16xf32>,
    %swap3A_696 = vector.shape_cast %swap3A_695 : vector<1x1x16xf32> to vector<16xf32>
    %swap3A_697 = vector.shape_cast %get3A_611 : vector<16xf32> to vector<1x1x16xf32>
    tpu.vector_store %arg7[%swap3A_692, %swap3A_693, %swap3A_694], %swap3A_697 {strides = array<i32>} : memref<4x2x512xf32, #tpu.memory_space<vmem>>, vector<1x1x16xf32>,
    %swap3A_698 = arith.constant 0 : i32
    %swap3A_699 = arith.constant 0 : i32
    %swap3A_700 = arith.index_cast %swap3A_698 : i32 to index
    %swap3A_701 = arith.index_cast %swap3A_699 : i32 to index
    %swap3A_702 = arith.constant 160 : index
    %swap3A_703 = tpu.vector_load %arg7[%swap3A_700, %swap3A_701, %swap3A_702] {strides = array<i32>} : memref<4x2x512xf32, #tpu.memory_space<vmem>>, vector<1x1x16xf32>,
    %swap3A_704 = vector.shape_cast %swap3A_703 : vector<1x1x16xf32> to vector<16xf32>
    %swap3A_705 = vector.shape_cast %get3A_616 : vector<16xf32> to vector<1x1x16xf32>
    tpu.vector_store %arg7[%swap3A_700, %swap3A_701, %swap3A_702], %swap3A_705 {strides = array<i32>} : memref<4x2x512xf32, #tpu.memory_space<vmem>>, vector<1x1x16xf32>,
    %swap3A_706 = arith.constant 0 : i32
    %swap3A_707 = arith.constant 0 : i32
    %swap3A_708 = arith.index_cast %swap3A_706 : i32 to index
    %swap3A_709 = arith.index_cast %swap3A_707 : i32 to index
    %swap3A_710 = arith.constant 176 : index
    %swap3A_711 = tpu.vector_load %arg7[%swap3A_708, %swap3A_709, %swap3A_710] {strides = array<i32>} : memref<4x2x512xf32, #tpu.memory_space<vmem>>, vector<1x1x16xf32>,
    %swap3A_712 = vector.shape_cast %swap3A_711 : vector<1x1x16xf32> to vector<16xf32>
    %swap3A_713 = vector.shape_cast %get3A_621 : vector<16xf32> to vector<1x1x16xf32>
    tpu.vector_store %arg7[%swap3A_708, %swap3A_709, %swap3A_710], %swap3A_713 {strides = array<i32>} : memref<4x2x512xf32, #tpu.memory_space<vmem>>, vector<1x1x16xf32>,
    %swap3A_714 = arith.constant 0 : i32
    %swap3A_715 = arith.constant 0 : i32
    %swap3A_716 = arith.index_cast %swap3A_714 : i32 to index
    %swap3A_717 = arith.index_cast %swap3A_715 : i32 to index
    %swap3A_718 = arith.constant 192 : index
    %swap3A_719 = tpu.vector_load %arg7[%swap3A_716, %swap3A_717, %swap3A_718] {strides = array<i32>} : memref<4x2x512xf32, #tpu.memory_space<vmem>>, vector<1x1x16xf32>,
    %swap3A_720 = vector.shape_cast %swap3A_719 : vector<1x1x16xf32> to vector<16xf32>
    %swap3A_721 = vector.shape_cast %get3A_626 : vector<16xf32> to vector<1x1x16xf32>
    tpu.vector_store %arg7[%swap3A_716, %swap3A_717, %swap3A_718], %swap3A_721 {strides = array<i32>} : memref<4x2x512xf32, #tpu.memory_space<vmem>>, vector<1x1x16xf32>,
    %swap3A_722 = arith.constant 0 : i32
    %swap3A_723 = arith.constant 0 : i32
    %swap3A_724 = arith.index_cast %swap3A_722 : i32 to index
    %swap3A_725 = arith.index_cast %swap3A_723 : i32 to index
    %swap3A_726 = arith.constant 208 : index
    %swap3A_727 = tpu.vector_load %arg7[%swap3A_724, %swap3A_725, %swap3A_726] {strides = array<i32>} : memref<4x2x512xf32, #tpu.memory_space<vmem>>, vector<1x1x16xf32>,
    %swap3A_728 = vector.shape_cast %swap3A_727 : vector<1x1x16xf32> to vector<16xf32>
    %swap3A_729 = vector.shape_cast %get3A_631 : vector<16xf32> to vector<1x1x16xf32>
    tpu.vector_store %arg7[%swap3A_724, %swap3A_725, %swap3A_726], %swap3A_729 {strides = array<i32>} : memref<4x2x512xf32, #tpu.memory_space<vmem>>, vector<1x1x16xf32>,
    %swap3A_730 = arith.constant 0 : i32
    %swap3A_731 = arith.constant 0 : i32
    %swap3A_732 = arith.index_cast %swap3A_730 : i32 to index
    %swap3A_733 = arith.index_cast %swap3A_731 : i32 to index
    %swap3A_734 = arith.constant 224 : index
    %swap3A_735 = tpu.vector_load %arg7[%swap3A_732, %swap3A_733, %swap3A_734] {strides = array<i32>} : memref<4x2x512xf32, #tpu.memory_space<vmem>>, vector<1x1x16xf32>,
    %swap3A_736 = vector.shape_cast %swap3A_735 : vector<1x1x16xf32> to vector<16xf32>
    %swap3A_737 = vector.shape_cast %get3A_636 : vector<16xf32> to vector<1x1x16xf32>
    tpu.vector_store %arg7[%swap3A_732, %swap3A_733, %swap3A_734], %swap3A_737 {strides = array<i32>} : memref<4x2x512xf32, #tpu.memory_space<vmem>>, vector<1x1x16xf32>,
    %swap3A_738 = arith.constant 0 : i32
    %swap3A_739 = arith.constant 0 : i32
    %swap3A_740 = arith.index_cast %swap3A_738 : i32 to index
    %swap3A_741 = arith.index_cast %swap3A_739 : i32 to index
    %swap3A_742 = arith.constant 240 : index
    %swap3A_743 = tpu.vector_load %arg7[%swap3A_740, %swap3A_741, %swap3A_742] {strides = array<i32>} : memref<4x2x512xf32, #tpu.memory_space<vmem>>, vector<1x1x16xf32>,
    %swap3A_744 = vector.shape_cast %swap3A_743 : vector<1x1x16xf32> to vector<16xf32>
    %swap3A_745 = vector.shape_cast %get3A_641 : vector<16xf32> to vector<1x1x16xf32>
    tpu.vector_store %arg7[%swap3A_740, %swap3A_741, %swap3A_742], %swap3A_745 {strides = array<i32>} : memref<4x2x512xf32, #tpu.memory_space<vmem>>, vector<1x1x16xf32>,
    %swap3A_746 = arith.constant 0 : i32
    %swap3A_747 = arith.constant 1 : i32
    %swap3A_748 = arith.index_cast %swap3A_746 : i32 to index
    %swap3A_749 = arith.index_cast %swap3A_747 : i32 to index
    %swap3A_750 = arith.constant 128 : index
    %swap3A_751 = tpu.vector_load %arg7[%swap3A_748, %swap3A_749, %swap3A_750] {strides = array<i32>} : memref<4x2x512xf32, #tpu.memory_space<vmem>>, vector<1x1x16xf32>,
    %swap3A_752 = vector.shape_cast %swap3A_751 : vector<1x1x16xf32> to vector<16xf32>
    %swap3A_753 = vector.shape_cast %get3A_606 : vector<16xf32> to vector<1x1x16xf32>
    tpu.vector_store %arg7[%swap3A_748, %swap3A_749, %swap3A_750], %swap3A_753 {strides = array<i32>} : memref<4x2x512xf32, #tpu.memory_space<vmem>>, vector<1x1x16xf32>,
    %swap3A_754 = arith.constant 0 : i32
    %swap3A_755 = arith.constant 1 : i32
    %swap3A_756 = arith.index_cast %swap3A_754 : i32 to index
    %swap3A_757 = arith.index_cast %swap3A_755 : i32 to index
    %swap3A_758 = arith.constant 144 : index
    %swap3A_759 = tpu.vector_load %arg7[%swap3A_756, %swap3A_757, %swap3A_758] {strides = array<i32>} : memref<4x2x512xf32, #tpu.memory_space<vmem>>, vector<1x1x16xf32>,
    %swap3A_760 = vector.shape_cast %swap3A_759 : vector<1x1x16xf32> to vector<16xf32>
    %swap3A_761 = vector.shape_cast %get3A_611 : vector<16xf32> to vector<1x1x16xf32>
    tpu.vector_store %arg7[%swap3A_756, %swap3A_757, %swap3A_758], %swap3A_761 {strides = array<i32>} : memref<4x2x512xf32, #tpu.memory_space<vmem>>, vector<1x1x16xf32>,
    %swap3A_762 = arith.constant 0 : i32
    %swap3A_763 = arith.constant 1 : i32
    %swap3A_764 = arith.index_cast %swap3A_762 : i32 to index
    %swap3A_765 = arith.index_cast %swap3A_763 : i32 to index
    %swap3A_766 = arith.constant 160 : index
    %swap3A_767 = tpu.vector_load %arg7[%swap3A_764, %swap3A_765, %swap3A_766] {strides = array<i32>} : memref<4x2x512xf32, #tpu.memory_space<vmem>>, vector<1x1x16xf32>,
    %swap3A_768 = vector.shape_cast %swap3A_767 : vector<1x1x16xf32> to vector<16xf32>
    %swap3A_769 = vector.shape_cast %get3A_616 : vector<16xf32> to vector<1x1x16xf32>
    tpu.vector_store %arg7[%swap3A_764, %swap3A_765, %swap3A_766], %swap3A_769 {strides = array<i32>} : memref<4x2x512xf32, #tpu.memory_space<vmem>>, vector<1x1x16xf32>,
    %swap3A_770 = arith.constant 0 : i32
    %swap3A_771 = arith.constant 1 : i32
    %swap3A_772 = arith.index_cast %swap3A_770 : i32 to index
    %swap3A_773 = arith.index_cast %swap3A_771 : i32 to index
    %swap3A_774 = arith.constant 176 : index
    %swap3A_775 = tpu.vector_load %arg7[%swap3A_772, %swap3A_773, %swap3A_774] {strides = array<i32>} : memref<4x2x512xf32, #tpu.memory_space<vmem>>, vector<1x1x16xf32>,
    %swap3A_776 = vector.shape_cast %swap3A_775 : vector<1x1x16xf32> to vector<16xf32>
    %swap3A_777 = vector.shape_cast %get3A_621 : vector<16xf32> to vector<1x1x16xf32>
    tpu.vector_store %arg7[%swap3A_772, %swap3A_773, %swap3A_774], %swap3A_777 {strides = array<i32>} : memref<4x2x512xf32, #tpu.memory_space<vmem>>, vector<1x1x16xf32>,
    %swap3A_778 = arith.constant 0 : i32
    %swap3A_779 = arith.constant 1 : i32
    %swap3A_780 = arith.index_cast %swap3A_778 : i32 to index
    %swap3A_781 = arith.index_cast %swap3A_779 : i32 to index
    %swap3A_782 = arith.constant 192 : index
    %swap3A_783 = tpu.vector_load %arg7[%swap3A_780, %swap3A_781, %swap3A_782] {strides = array<i32>} : memref<4x2x512xf32, #tpu.memory_space<vmem>>, vector<1x1x16xf32>,
    %swap3A_784 = vector.shape_cast %swap3A_783 : vector<1x1x16xf32> to vector<16xf32>
    %swap3A_785 = vector.shape_cast %get3A_626 : vector<16xf32> to vector<1x1x16xf32>
    tpu.vector_store %arg7[%swap3A_780, %swap3A_781, %swap3A_782], %swap3A_785 {strides = array<i32>} : memref<4x2x512xf32, #tpu.memory_space<vmem>>, vector<1x1x16xf32>,
    %swap3A_786 = arith.constant 0 : i32
    %swap3A_787 = arith.constant 1 : i32
    %swap3A_788 = arith.index_cast %swap3A_786 : i32 to index
    %swap3A_789 = arith.index_cast %swap3A_787 : i32 to index
    %swap3A_790 = arith.constant 208 : index
    %swap3A_791 = tpu.vector_load %arg7[%swap3A_788, %swap3A_789, %swap3A_790] {strides = array<i32>} : memref<4x2x512xf32, #tpu.memory_space<vmem>>, vector<1x1x16xf32>,
    %swap3A_792 = vector.shape_cast %swap3A_791 : vector<1x1x16xf32> to vector<16xf32>
    %swap3A_793 = vector.shape_cast %get3A_631 : vector<16xf32> to vector<1x1x16xf32>
    tpu.vector_store %arg7[%swap3A_788, %swap3A_789, %swap3A_790], %swap3A_793 {strides = array<i32>} : memref<4x2x512xf32, #tpu.memory_space<vmem>>, vector<1x1x16xf32>,
    %swap3A_794 = arith.constant 0 : i32
    %swap3A_795 = arith.constant 1 : i32
    %swap3A_796 = arith.index_cast %swap3A_794 : i32 to index
    %swap3A_797 = arith.index_cast %swap3A_795 : i32 to index
    %swap3A_798 = arith.constant 224 : index
    %swap3A_799 = tpu.vector_load %arg7[%swap3A_796, %swap3A_797, %swap3A_798] {strides = array<i32>} : memref<4x2x512xf32, #tpu.memory_space<vmem>>, vector<1x1x16xf32>,
    %swap3A_800 = vector.shape_cast %swap3A_799 : vector<1x1x16xf32> to vector<16xf32>
    %swap3A_801 = vector.shape_cast %get3A_636 : vector<16xf32> to vector<1x1x16xf32>
    tpu.vector_store %arg7[%swap3A_796, %swap3A_797, %swap3A_798], %swap3A_801 {strides = array<i32>} : memref<4x2x512xf32, #tpu.memory_space<vmem>>, vector<1x1x16xf32>,
    %swap3A_802 = arith.constant 0 : i32
    %swap3A_803 = arith.constant 1 : i32
    %swap3A_804 = arith.index_cast %swap3A_802 : i32 to index
    %swap3A_805 = arith.index_cast %swap3A_803 : i32 to index
    %swap3A_806 = arith.constant 240 : index
    %swap3A_807 = tpu.vector_load %arg7[%swap3A_804, %swap3A_805, %swap3A_806] {strides = array<i32>} : memref<4x2x512xf32, #tpu.memory_space<vmem>>, vector<1x1x16xf32>,
    %swap3A_808 = vector.shape_cast %swap3A_807 : vector<1x1x16xf32> to vector<16xf32>
    %swap3A_809 = vector.shape_cast %get3A_641 : vector<16xf32> to vector<1x1x16xf32>
    tpu.vector_store %arg7[%swap3A_804, %swap3A_805, %swap3A_806], %swap3A_809 {strides = array<i32>} : memref<4x2x512xf32, #tpu.memory_space<vmem>>, vector<1x1x16xf32>,
    %swap3A_810 = arith.constant 1 : i32
    %swap3A_811 = arith.constant 0 : i32
    %swap3A_812 = arith.index_cast %swap3A_810 : i32 to index
    %swap3A_813 = arith.index_cast %swap3A_811 : i32 to index
    %swap3A_814 = arith.constant 128 : index
    %swap3A_815 = tpu.vector_load %arg7[%swap3A_812, %swap3A_813, %swap3A_814] {strides = array<i32>} : memref<4x2x512xf32, #tpu.memory_space<vmem>>, vector<1x1x16xf32>,
    %swap3A_816 = vector.shape_cast %swap3A_815 : vector<1x1x16xf32> to vector<16xf32>
    %swap3A_817 = vector.shape_cast %get3A_606 : vector<16xf32> to vector<1x1x16xf32>
    tpu.vector_store %arg7[%swap3A_812, %swap3A_813, %swap3A_814], %swap3A_817 {strides = array<i32>} : memref<4x2x512xf32, #tpu.memory_space<vmem>>, vector<1x1x16xf32>,
    %swap3A_818 = arith.constant 1 : i32
    %swap3A_819 = arith.constant 0 : i32
    %swap3A_820 = arith.index_cast %swap3A_818 : i32 to index
    %swap3A_821 = arith.index_cast %swap3A_819 : i32 to index
    %swap3A_822 = arith.constant 144 : index
    %swap3A_823 = tpu.vector_load %arg7[%swap3A_820, %swap3A_821, %swap3A_822] {strides = array<i32>} : memref<4x2x512xf32, #tpu.memory_space<vmem>>, vector<1x1x16xf32>,
    %swap3A_824 = vector.shape_cast %swap3A_823 : vector<1x1x16xf32> to vector<16xf32>
    %swap3A_825 = vector.shape_cast %get3A_611 : vector<16xf32> to vector<1x1x16xf32>
    tpu.vector_store %arg7[%swap3A_820, %swap3A_821, %swap3A_822], %swap3A_825 {strides = array<i32>} : memref<4x2x512xf32, #tpu.memory_space<vmem>>, vector<1x1x16xf32>,
    %swap3A_826 = arith.constant 1 : i32
    %swap3A_827 = arith.constant 0 : i32
    %swap3A_828 = arith.index_cast %swap3A_826 : i32 to index
    %swap3A_829 = arith.index_cast %swap3A_827 : i32 to index
    %swap3A_830 = arith.constant 160 : index
    %swap3A_831 = tpu.vector_load %arg7[%swap3A_828, %swap3A_829, %swap3A_830] {strides = array<i32>} : memref<4x2x512xf32, #tpu.memory_space<vmem>>, vector<1x1x16xf32>,
    %swap3A_832 = vector.shape_cast %swap3A_831 : vector<1x1x16xf32> to vector<16xf32>
    %swap3A_833 = vector.shape_cast %get3A_616 : vector<16xf32> to vector<1x1x16xf32>
    tpu.vector_store %arg7[%swap3A_828, %swap3A_829, %swap3A_830], %swap3A_833 {strides = array<i32>} : memref<4x2x512xf32, #tpu.memory_space<vmem>>, vector<1x1x16xf32>,
    %swap3A_834 = arith.constant 1 : i32
    %swap3A_835 = arith.constant 0 : i32
    %swap3A_836 = arith.index_cast %swap3A_834 : i32 to index
    %swap3A_837 = arith.index_cast %swap3A_835 : i32 to index
    %swap3A_838 = arith.constant 176 : index
    %swap3A_839 = tpu.vector_load %arg7[%swap3A_836, %swap3A_837, %swap3A_838] {strides = array<i32>} : memref<4x2x512xf32, #tpu.memory_space<vmem>>, vector<1x1x16xf32>,
    %swap3A_840 = vector.shape_cast %swap3A_839 : vector<1x1x16xf32> to vector<16xf32>
    %swap3A_841 = vector.shape_cast %get3A_621 : vector<16xf32> to vector<1x1x16xf32>
    tpu.vector_store %arg7[%swap3A_836, %swap3A_837, %swap3A_838], %swap3A_841 {strides = array<i32>} : memref<4x2x512xf32, #tpu.memory_space<vmem>>, vector<1x1x16xf32>,
    %swap3A_842 = arith.constant 1 : i32
    %swap3A_843 = arith.constant 0 : i32
    %swap3A_844 = arith.index_cast %swap3A_842 : i32 to index
    %swap3A_845 = arith.index_cast %swap3A_843 : i32 to index
    %swap3A_846 = arith.constant 192 : index
    %swap3A_847 = tpu.vector_load %arg7[%swap3A_844, %swap3A_845, %swap3A_846] {strides = array<i32>} : memref<4x2x512xf32, #tpu.memory_space<vmem>>, vector<1x1x16xf32>,
    %swap3A_848 = vector.shape_cast %swap3A_847 : vector<1x1x16xf32> to vector<16xf32>
    %swap3A_849 = vector.shape_cast %get3A_626 : vector<16xf32> to vector<1x1x16xf32>
    tpu.vector_store %arg7[%swap3A_844, %swap3A_845, %swap3A_846], %swap3A_849 {strides = array<i32>} : memref<4x2x512xf32, #tpu.memory_space<vmem>>, vector<1x1x16xf32>,
    %swap3A_850 = arith.constant 1 : i32
    %swap3A_851 = arith.constant 0 : i32
    %swap3A_852 = arith.index_cast %swap3A_850 : i32 to index
    %swap3A_853 = arith.index_cast %swap3A_851 : i32 to index
    %swap3A_854 = arith.constant 208 : index
    %swap3A_855 = tpu.vector_load %arg7[%swap3A_852, %swap3A_853, %swap3A_854] {strides = array<i32>} : memref<4x2x512xf32, #tpu.memory_space<vmem>>, vector<1x1x16xf32>,
    %swap3A_856 = vector.shape_cast %swap3A_855 : vector<1x1x16xf32> to vector<16xf32>
    %swap3A_857 = vector.shape_cast %get3A_631 : vector<16xf32> to vector<1x1x16xf32>
    tpu.vector_store %arg7[%swap3A_852, %swap3A_853, %swap3A_854], %swap3A_857 {strides = array<i32>} : memref<4x2x512xf32, #tpu.memory_space<vmem>>, vector<1x1x16xf32>,
    %swap3A_858 = arith.constant 1 : i32
    %swap3A_859 = arith.constant 0 : i32
    %swap3A_860 = arith.index_cast %swap3A_858 : i32 to index
    %swap3A_861 = arith.index_cast %swap3A_859 : i32 to index
    %swap3A_862 = arith.constant 224 : index
    %swap3A_863 = tpu.vector_load %arg7[%swap3A_860, %swap3A_861, %swap3A_862] {strides = array<i32>} : memref<4x2x512xf32, #tpu.memory_space<vmem>>, vector<1x1x16xf32>,
    %swap3A_864 = vector.shape_cast %swap3A_863 : vector<1x1x16xf32> to vector<16xf32>
    %swap3A_865 = vector.shape_cast %get3A_636 : vector<16xf32> to vector<1x1x16xf32>
    tpu.vector_store %arg7[%swap3A_860, %swap3A_861, %swap3A_862], %swap3A_865 {strides = array<i32>} : memref<4x2x512xf32, #tpu.memory_space<vmem>>, vector<1x1x16xf32>,
    %swap3A_866 = arith.constant 1 : i32
    %swap3A_867 = arith.constant 0 : i32
    %swap3A_868 = arith.index_cast %swap3A_866 : i32 to index
    %swap3A_869 = arith.index_cast %swap3A_867 : i32 to index
    %swap3A_870 = arith.constant 240 : index
    %swap3A_871 = tpu.vector_load %arg7[%swap3A_868, %swap3A_869, %swap3A_870] {strides = array<i32>} : memref<4x2x512xf32, #tpu.memory_space<vmem>>, vector<1x1x16xf32>,
    %swap3A_872 = vector.shape_cast %swap3A_871 : vector<1x1x16xf32> to vector<16xf32>
    %swap3A_873 = vector.shape_cast %get3A_641 : vector<16xf32> to vector<1x1x16xf32>
    tpu.vector_store %arg7[%swap3A_868, %swap3A_869, %swap3A_870], %swap3A_873 {strides = array<i32>} : memref<4x2x512xf32, #tpu.memory_space<vmem>>, vector<1x1x16xf32>,
    %swap3A_874 = arith.constant 1 : i32
    %swap3A_875 = arith.constant 1 : i32
    %swap3A_876 = arith.index_cast %swap3A_874 : i32 to index
    %swap3A_877 = arith.index_cast %swap3A_875 : i32 to index
    %swap3A_878 = arith.constant 128 : index
    %swap3A_879 = tpu.vector_load %arg7[%swap3A_876, %swap3A_877, %swap3A_878] {strides = array<i32>} : memref<4x2x512xf32, #tpu.memory_space<vmem>>, vector<1x1x16xf32>,
    %swap3A_880 = vector.shape_cast %swap3A_879 : vector<1x1x16xf32> to vector<16xf32>
    %swap3A_881 = vector.shape_cast %get3A_646 : vector<16xf32> to vector<1x1x16xf32>
    tpu.vector_store %arg7[%swap3A_876, %swap3A_877, %swap3A_878], %swap3A_881 {strides = array<i32>} : memref<4x2x512xf32, #tpu.memory_space<vmem>>, vector<1x1x16xf32>,
    %swap3A_882 = arith.constant 1 : i32
    %swap3A_883 = arith.constant 1 : i32
    %swap3A_884 = arith.index_cast %swap3A_882 : i32 to index
    %swap3A_885 = arith.index_cast %swap3A_883 : i32 to index
    %swap3A_886 = arith.constant 144 : index
    %swap3A_887 = tpu.vector_load %arg7[%swap3A_884, %swap3A_885, %swap3A_886] {strides = array<i32>} : memref<4x2x512xf32, #tpu.memory_space<vmem>>, vector<1x1x16xf32>,
    %swap3A_888 = vector.shape_cast %swap3A_887 : vector<1x1x16xf32> to vector<16xf32>
    %swap3A_889 = vector.shape_cast %get3A_651 : vector<16xf32> to vector<1x1x16xf32>
    tpu.vector_store %arg7[%swap3A_884, %swap3A_885, %swap3A_886], %swap3A_889 {strides = array<i32>} : memref<4x2x512xf32, #tpu.memory_space<vmem>>, vector<1x1x16xf32>,
    %swap3A_890 = arith.constant 1 : i32
    %swap3A_891 = arith.constant 1 : i32
    %swap3A_892 = arith.index_cast %swap3A_890 : i32 to index
    %swap3A_893 = arith.index_cast %swap3A_891 : i32 to index
    %swap3A_894 = arith.constant 160 : index
    %swap3A_895 = tpu.vector_load %arg7[%swap3A_892, %swap3A_893, %swap3A_894] {strides = array<i32>} : memref<4x2x512xf32, #tpu.memory_space<vmem>>, vector<1x1x16xf32>,
    %swap3A_896 = vector.shape_cast %swap3A_895 : vector<1x1x16xf32> to vector<16xf32>
    %swap3A_897 = vector.shape_cast %get3A_656 : vector<16xf32> to vector<1x1x16xf32>
    tpu.vector_store %arg7[%swap3A_892, %swap3A_893, %swap3A_894], %swap3A_897 {strides = array<i32>} : memref<4x2x512xf32, #tpu.memory_space<vmem>>, vector<1x1x16xf32>,
    %swap3A_898 = arith.constant 1 : i32
    %swap3A_899 = arith.constant 1 : i32
    %swap3A_900 = arith.index_cast %swap3A_898 : i32 to index
    %swap3A_901 = arith.index_cast %swap3A_899 : i32 to index
    %swap3A_902 = arith.constant 176 : index
    %swap3A_903 = tpu.vector_load %arg7[%swap3A_900, %swap3A_901, %swap3A_902] {strides = array<i32>} : memref<4x2x512xf32, #tpu.memory_space<vmem>>, vector<1x1x16xf32>,
    %swap3A_904 = vector.shape_cast %swap3A_903 : vector<1x1x16xf32> to vector<16xf32>
    %swap3A_905 = vector.shape_cast %get3A_661 : vector<16xf32> to vector<1x1x16xf32>
    tpu.vector_store %arg7[%swap3A_900, %swap3A_901, %swap3A_902], %swap3A_905 {strides = array<i32>} : memref<4x2x512xf32, #tpu.memory_space<vmem>>, vector<1x1x16xf32>,
    %swap3A_906 = arith.constant 1 : i32
    %swap3A_907 = arith.constant 1 : i32
    %swap3A_908 = arith.index_cast %swap3A_906 : i32 to index
    %swap3A_909 = arith.index_cast %swap3A_907 : i32 to index
    %swap3A_910 = arith.constant 192 : index
    %swap3A_911 = tpu.vector_load %arg7[%swap3A_908, %swap3A_909, %swap3A_910] {strides = array<i32>} : memref<4x2x512xf32, #tpu.memory_space<vmem>>, vector<1x1x16xf32>,
    %swap3A_912 = vector.shape_cast %swap3A_911 : vector<1x1x16xf32> to vector<16xf32>
    %swap3A_913 = vector.shape_cast %get3A_666 : vector<16xf32> to vector<1x1x16xf32>
    tpu.vector_store %arg7[%swap3A_908, %swap3A_909, %swap3A_910], %swap3A_913 {strides = array<i32>} : memref<4x2x512xf32, #tpu.memory_space<vmem>>, vector<1x1x16xf32>,
    %swap3A_914 = arith.constant 1 : i32
    %swap3A_915 = arith.constant 1 : i32
    %swap3A_916 = arith.index_cast %swap3A_914 : i32 to index
    %swap3A_917 = arith.index_cast %swap3A_915 : i32 to index
    %swap3A_918 = arith.constant 208 : index
    %swap3A_919 = tpu.vector_load %arg7[%swap3A_916, %swap3A_917, %swap3A_918] {strides = array<i32>} : memref<4x2x512xf32, #tpu.memory_space<vmem>>, vector<1x1x16xf32>,
    %swap3A_920 = vector.shape_cast %swap3A_919 : vector<1x1x16xf32> to vector<16xf32>
    %swap3A_921 = vector.shape_cast %get3A_671 : vector<16xf32> to vector<1x1x16xf32>
    tpu.vector_store %arg7[%swap3A_916, %swap3A_917, %swap3A_918], %swap3A_921 {strides = array<i32>} : memref<4x2x512xf32, #tpu.memory_space<vmem>>, vector<1x1x16xf32>,
    %swap3A_922 = arith.constant 1 : i32
    %swap3A_923 = arith.constant 1 : i32
    %swap3A_924 = arith.index_cast %swap3A_922 : i32 to index
    %swap3A_925 = arith.index_cast %swap3A_923 : i32 to index
    %swap3A_926 = arith.constant 224 : index
    %swap3A_927 = tpu.vector_load %arg7[%swap3A_924, %swap3A_925, %swap3A_926] {strides = array<i32>} : memref<4x2x512xf32, #tpu.memory_space<vmem>>, vector<1x1x16xf32>,
    %swap3A_928 = vector.shape_cast %swap3A_927 : vector<1x1x16xf32> to vector<16xf32>
    %swap3A_929 = vector.shape_cast %get3A_676 : vector<16xf32> to vector<1x1x16xf32>
    tpu.vector_store %arg7[%swap3A_924, %swap3A_925, %swap3A_926], %swap3A_929 {strides = array<i32>} : memref<4x2x512xf32, #tpu.memory_space<vmem>>, vector<1x1x16xf32>,
    %swap3A_930 = arith.constant 1 : i32
    %swap3A_931 = arith.constant 1 : i32
    %swap3A_932 = arith.index_cast %swap3A_930 : i32 to index
    %swap3A_933 = arith.index_cast %swap3A_931 : i32 to index
    %swap3A_934 = arith.constant 240 : index
    %swap3A_935 = tpu.vector_load %arg7[%swap3A_932, %swap3A_933, %swap3A_934] {strides = array<i32>} : memref<4x2x512xf32, #tpu.memory_space<vmem>>, vector<1x1x16xf32>,
    %swap3A_936 = vector.shape_cast %swap3A_935 : vector<1x1x16xf32> to vector<16xf32>
    %swap3A_937 = vector.shape_cast %get3A_681 : vector<16xf32> to vector<1x1x16xf32>
    tpu.vector_store %arg7[%swap3A_932, %swap3A_933, %swap3A_934], %swap3A_937 {strides = array<i32>} : memref<4x2x512xf32, #tpu.memory_space<vmem>>, vector<1x1x16xf32>,
    %swap3A_938 = arith.constant 2 : i32
    %swap3A_939 = arith.constant 0 : i32
    %swap3A_940 = arith.index_cast %swap3A_938 : i32 to index
    %swap3A_941 = arith.index_cast %swap3A_939 : i32 to index
    %swap3A_942 = arith.constant 128 : index
    %swap3A_943 = tpu.vector_load %arg7[%swap3A_940, %swap3A_941, %swap3A_942] {strides = array<i32>} : memref<4x2x512xf32, #tpu.memory_space<vmem>>, vector<1x1x16xf32>,
    %swap3A_944 = vector.shape_cast %swap3A_943 : vector<1x1x16xf32> to vector<16xf32>
    %swap3A_945 = vector.shape_cast %get3A_646 : vector<16xf32> to vector<1x1x16xf32>
    tpu.vector_store %arg7[%swap3A_940, %swap3A_941, %swap3A_942], %swap3A_945 {strides = array<i32>} : memref<4x2x512xf32, #tpu.memory_space<vmem>>, vector<1x1x16xf32>,
    %swap3A_946 = arith.constant 2 : i32
    %swap3A_947 = arith.constant 0 : i32
    %swap3A_948 = arith.index_cast %swap3A_946 : i32 to index
    %swap3A_949 = arith.index_cast %swap3A_947 : i32 to index
    %swap3A_950 = arith.constant 144 : index
    %swap3A_951 = tpu.vector_load %arg7[%swap3A_948, %swap3A_949, %swap3A_950] {strides = array<i32>} : memref<4x2x512xf32, #tpu.memory_space<vmem>>, vector<1x1x16xf32>,
    %swap3A_952 = vector.shape_cast %swap3A_951 : vector<1x1x16xf32> to vector<16xf32>
    %swap3A_953 = vector.shape_cast %get3A_651 : vector<16xf32> to vector<1x1x16xf32>
    tpu.vector_store %arg7[%swap3A_948, %swap3A_949, %swap3A_950], %swap3A_953 {strides = array<i32>} : memref<4x2x512xf32, #tpu.memory_space<vmem>>, vector<1x1x16xf32>,
    %swap3A_954 = arith.constant 2 : i32
    %swap3A_955 = arith.constant 0 : i32
    %swap3A_956 = arith.index_cast %swap3A_954 : i32 to index
    %swap3A_957 = arith.index_cast %swap3A_955 : i32 to index
    %swap3A_958 = arith.constant 160 : index
    %swap3A_959 = tpu.vector_load %arg7[%swap3A_956, %swap3A_957, %swap3A_958] {strides = array<i32>} : memref<4x2x512xf32, #tpu.memory_space<vmem>>, vector<1x1x16xf32>,
    %swap3A_960 = vector.shape_cast %swap3A_959 : vector<1x1x16xf32> to vector<16xf32>
    %swap3A_961 = vector.shape_cast %get3A_656 : vector<16xf32> to vector<1x1x16xf32>
    tpu.vector_store %arg7[%swap3A_956, %swap3A_957, %swap3A_958], %swap3A_961 {strides = array<i32>} : memref<4x2x512xf32, #tpu.memory_space<vmem>>, vector<1x1x16xf32>,
    %swap3A_962 = arith.constant 2 : i32
    %swap3A_963 = arith.constant 0 : i32
    %swap3A_964 = arith.index_cast %swap3A_962 : i32 to index
    %swap3A_965 = arith.index_cast %swap3A_963 : i32 to index
    %swap3A_966 = arith.constant 176 : index
    %swap3A_967 = tpu.vector_load %arg7[%swap3A_964, %swap3A_965, %swap3A_966] {strides = array<i32>} : memref<4x2x512xf32, #tpu.memory_space<vmem>>, vector<1x1x16xf32>,
    %swap3A_968 = vector.shape_cast %swap3A_967 : vector<1x1x16xf32> to vector<16xf32>
    %swap3A_969 = vector.shape_cast %get3A_661 : vector<16xf32> to vector<1x1x16xf32>
    tpu.vector_store %arg7[%swap3A_964, %swap3A_965, %swap3A_966], %swap3A_969 {strides = array<i32>} : memref<4x2x512xf32, #tpu.memory_space<vmem>>, vector<1x1x16xf32>,
    %swap3A_970 = arith.constant 2 : i32
    %swap3A_971 = arith.constant 0 : i32
    %swap3A_972 = arith.index_cast %swap3A_970 : i32 to index
    %swap3A_973 = arith.index_cast %swap3A_971 : i32 to index
    %swap3A_974 = arith.constant 192 : index
    %swap3A_975 = tpu.vector_load %arg7[%swap3A_972, %swap3A_973, %swap3A_974] {strides = array<i32>} : memref<4x2x512xf32, #tpu.memory_space<vmem>>, vector<1x1x16xf32>,
    %swap3A_976 = vector.shape_cast %swap3A_975 : vector<1x1x16xf32> to vector<16xf32>
    %swap3A_977 = vector.shape_cast %get3A_666 : vector<16xf32> to vector<1x1x16xf32>
    tpu.vector_store %arg7[%swap3A_972, %swap3A_973, %swap3A_974], %swap3A_977 {strides = array<i32>} : memref<4x2x512xf32, #tpu.memory_space<vmem>>, vector<1x1x16xf32>,
    %swap3A_978 = arith.constant 2 : i32
    %swap3A_979 = arith.constant 0 : i32
    %swap3A_980 = arith.index_cast %swap3A_978 : i32 to index
    %swap3A_981 = arith.index_cast %swap3A_979 : i32 to index
    %swap3A_982 = arith.constant 208 : index
    %swap3A_983 = tpu.vector_load %arg7[%swap3A_980, %swap3A_981, %swap3A_982] {strides = array<i32>} : memref<4x2x512xf32, #tpu.memory_space<vmem>>, vector<1x1x16xf32>,
    %swap3A_984 = vector.shape_cast %swap3A_983 : vector<1x1x16xf32> to vector<16xf32>
    %swap3A_985 = vector.shape_cast %get3A_671 : vector<16xf32> to vector<1x1x16xf32>
    tpu.vector_store %arg7[%swap3A_980, %swap3A_981, %swap3A_982], %swap3A_985 {strides = array<i32>} : memref<4x2x512xf32, #tpu.memory_space<vmem>>, vector<1x1x16xf32>,
    %swap3A_986 = arith.constant 2 : i32
    %swap3A_987 = arith.constant 0 : i32
    %swap3A_988 = arith.index_cast %swap3A_986 : i32 to index
    %swap3A_989 = arith.index_cast %swap3A_987 : i32 to index
    %swap3A_990 = arith.constant 224 : index
    %swap3A_991 = tpu.vector_load %arg7[%swap3A_988, %swap3A_989, %swap3A_990] {strides = array<i32>} : memref<4x2x512xf32, #tpu.memory_space<vmem>>, vector<1x1x16xf32>,
    %swap3A_992 = vector.shape_cast %swap3A_991 : vector<1x1x16xf32> to vector<16xf32>
    %swap3A_993 = vector.shape_cast %get3A_676 : vector<16xf32> to vector<1x1x16xf32>
    tpu.vector_store %arg7[%swap3A_988, %swap3A_989, %swap3A_990], %swap3A_993 {strides = array<i32>} : memref<4x2x512xf32, #tpu.memory_space<vmem>>, vector<1x1x16xf32>,
    %swap3A_994 = arith.constant 2 : i32
    %swap3A_995 = arith.constant 0 : i32
    %swap3A_996 = arith.index_cast %swap3A_994 : i32 to index
    %swap3A_997 = arith.index_cast %swap3A_995 : i32 to index
    %swap3A_998 = arith.constant 240 : index
    %swap3A_999 = tpu.vector_load %arg7[%swap3A_996, %swap3A_997, %swap3A_998] {strides = array<i32>} : memref<4x2x512xf32, #tpu.memory_space<vmem>>, vector<1x1x16xf32>,
    %swap3A_1000 = vector.shape_cast %swap3A_999 : vector<1x1x16xf32> to vector<16xf32>
    %swap3A_1001 = vector.shape_cast %get3A_681 : vector<16xf32> to vector<1x1x16xf32>
    tpu.vector_store %arg7[%swap3A_996, %swap3A_997, %swap3A_998], %swap3A_1001 {strides = array<i32>} : memref<4x2x512xf32, #tpu.memory_space<vmem>>, vector<1x1x16xf32>,
    %swap3A_1002 = arith.constant 2 : i32
    %swap3A_1003 = arith.constant 1 : i32
    %swap3A_1004 = arith.index_cast %swap3A_1002 : i32 to index
    %swap3A_1005 = arith.index_cast %swap3A_1003 : i32 to index
    %swap3A_1006 = arith.constant 128 : index
    %swap3A_1007 = tpu.vector_load %arg7[%swap3A_1004, %swap3A_1005, %swap3A_1006] {strides = array<i32>} : memref<4x2x512xf32, #tpu.memory_space<vmem>>, vector<1x1x16xf32>,
    %swap3A_1008 = vector.shape_cast %swap3A_1007 : vector<1x1x16xf32> to vector<16xf32>
    %swap3A_1009 = vector.shape_cast %get3A_606 : vector<16xf32> to vector<1x1x16xf32>
    tpu.vector_store %arg7[%swap3A_1004, %swap3A_1005, %swap3A_1006], %swap3A_1009 {strides = array<i32>} : memref<4x2x512xf32, #tpu.memory_space<vmem>>, vector<1x1x16xf32>,
    %swap3A_1010 = arith.constant 2 : i32
    %swap3A_1011 = arith.constant 1 : i32
    %swap3A_1012 = arith.index_cast %swap3A_1010 : i32 to index
    %swap3A_1013 = arith.index_cast %swap3A_1011 : i32 to index
    %swap3A_1014 = arith.constant 144 : index
    %swap3A_1015 = tpu.vector_load %arg7[%swap3A_1012, %swap3A_1013, %swap3A_1014] {strides = array<i32>} : memref<4x2x512xf32, #tpu.memory_space<vmem>>, vector<1x1x16xf32>,
    %swap3A_1016 = vector.shape_cast %swap3A_1015 : vector<1x1x16xf32> to vector<16xf32>
    %swap3A_1017 = vector.shape_cast %get3A_611 : vector<16xf32> to vector<1x1x16xf32>
    tpu.vector_store %arg7[%swap3A_1012, %swap3A_1013, %swap3A_1014], %swap3A_1017 {strides = array<i32>} : memref<4x2x512xf32, #tpu.memory_space<vmem>>, vector<1x1x16xf32>,
    %swap3A_1018 = arith.constant 2 : i32
    %swap3A_1019 = arith.constant 1 : i32
    %swap3A_1020 = arith.index_cast %swap3A_1018 : i32 to index
    %swap3A_1021 = arith.index_cast %swap3A_1019 : i32 to index
    %swap3A_1022 = arith.constant 160 : index
    %swap3A_1023 = tpu.vector_load %arg7[%swap3A_1020, %swap3A_1021, %swap3A_1022] {strides = array<i32>} : memref<4x2x512xf32, #tpu.memory_space<vmem>>, vector<1x1x16xf32>,
    %swap3A_1024 = vector.shape_cast %swap3A_1023 : vector<1x1x16xf32> to vector<16xf32>
    %swap3A_1025 = vector.shape_cast %get3A_616 : vector<16xf32> to vector<1x1x16xf32>
    tpu.vector_store %arg7[%swap3A_1020, %swap3A_1021, %swap3A_1022], %swap3A_1025 {strides = array<i32>} : memref<4x2x512xf32, #tpu.memory_space<vmem>>, vector<1x1x16xf32>,
    %swap3A_1026 = arith.constant 2 : i32
    %swap3A_1027 = arith.constant 1 : i32
    %swap3A_1028 = arith.index_cast %swap3A_1026 : i32 to index
    %swap3A_1029 = arith.index_cast %swap3A_1027 : i32 to index
    %swap3A_1030 = arith.constant 176 : index
    %swap3A_1031 = tpu.vector_load %arg7[%swap3A_1028, %swap3A_1029, %swap3A_1030] {strides = array<i32>} : memref<4x2x512xf32, #tpu.memory_space<vmem>>, vector<1x1x16xf32>,
    %swap3A_1032 = vector.shape_cast %swap3A_1031 : vector<1x1x16xf32> to vector<16xf32>
    %swap3A_1033 = vector.shape_cast %get3A_621 : vector<16xf32> to vector<1x1x16xf32>
    tpu.vector_store %arg7[%swap3A_1028, %swap3A_1029, %swap3A_1030], %swap3A_1033 {strides = array<i32>} : memref<4x2x512xf32, #tpu.memory_space<vmem>>, vector<1x1x16xf32>,
    %swap3A_1034 = arith.constant 2 : i32
    %swap3A_1035 = arith.constant 1 : i32
    %swap3A_1036 = arith.index_cast %swap3A_1034 : i32 to index
    %swap3A_1037 = arith.index_cast %swap3A_1035 : i32 to index
    %swap3A_1038 = arith.constant 192 : index
    %swap3A_1039 = tpu.vector_load %arg7[%swap3A_1036, %swap3A_1037, %swap3A_1038] {strides = array<i32>} : memref<4x2x512xf32, #tpu.memory_space<vmem>>, vector<1x1x16xf32>,
    %swap3A_1040 = vector.shape_cast %swap3A_1039 : vector<1x1x16xf32> to vector<16xf32>
    %swap3A_1041 = vector.shape_cast %get3A_626 : vector<16xf32> to vector<1x1x16xf32>
    tpu.vector_store %arg7[%swap3A_1036, %swap3A_1037, %swap3A_1038], %swap3A_1041 {strides = array<i32>} : memref<4x2x512xf32, #tpu.memory_space<vmem>>, vector<1x1x16xf32>,
    %swap3A_1042 = arith.constant 2 : i32
    %swap3A_1043 = arith.constant 1 : i32
    %swap3A_1044 = arith.index_cast %swap3A_1042 : i32 to index
    %swap3A_1045 = arith.index_cast %swap3A_1043 : i32 to index
    %swap3A_1046 = arith.constant 208 : index
    %swap3A_1047 = tpu.vector_load %arg7[%swap3A_1044, %swap3A_1045, %swap3A_1046] {strides = array<i32>} : memref<4x2x512xf32, #tpu.memory_space<vmem>>, vector<1x1x16xf32>,
    %swap3A_1048 = vector.shape_cast %swap3A_1047 : vector<1x1x16xf32> to vector<16xf32>
    %swap3A_1049 = vector.shape_cast %get3A_631 : vector<16xf32> to vector<1x1x16xf32>
    tpu.vector_store %arg7[%swap3A_1044, %swap3A_1045, %swap3A_1046], %swap3A_1049 {strides = array<i32>} : memref<4x2x512xf32, #tpu.memory_space<vmem>>, vector<1x1x16xf32>,
    %swap3A_1050 = arith.constant 2 : i32
    %swap3A_1051 = arith.constant 1 : i32
    %swap3A_1052 = arith.index_cast %swap3A_1050 : i32 to index
    %swap3A_1053 = arith.index_cast %swap3A_1051 : i32 to index
    %swap3A_1054 = arith.constant 224 : index
    %swap3A_1055 = tpu.vector_load %arg7[%swap3A_1052, %swap3A_1053, %swap3A_1054] {strides = array<i32>} : memref<4x2x512xf32, #tpu.memory_space<vmem>>, vector<1x1x16xf32>,
    %swap3A_1056 = vector.shape_cast %swap3A_1055 : vector<1x1x16xf32> to vector<16xf32>
    %swap3A_1057 = vector.shape_cast %get3A_636 : vector<16xf32> to vector<1x1x16xf32>
    tpu.vector_store %arg7[%swap3A_1052, %swap3A_1053, %swap3A_1054], %swap3A_1057 {strides = array<i32>} : memref<4x2x512xf32, #tpu.memory_space<vmem>>, vector<1x1x16xf32>,
    %swap3A_1058 = arith.constant 2 : i32
    %swap3A_1059 = arith.constant 1 : i32
    %swap3A_1060 = arith.index_cast %swap3A_1058 : i32 to index
    %swap3A_1061 = arith.index_cast %swap3A_1059 : i32 to index
    %swap3A_1062 = arith.constant 240 : index
    %swap3A_1063 = tpu.vector_load %arg7[%swap3A_1060, %swap3A_1061, %swap3A_1062] {strides = array<i32>} : memref<4x2x512xf32, #tpu.memory_space<vmem>>, vector<1x1x16xf32>,
    %swap3A_1064 = vector.shape_cast %swap3A_1063 : vector<1x1x16xf32> to vector<16xf32>
    %swap3A_1065 = vector.shape_cast %get3A_641 : vector<16xf32> to vector<1x1x16xf32>
    tpu.vector_store %arg7[%swap3A_1060, %swap3A_1061, %swap3A_1062], %swap3A_1065 {strides = array<i32>} : memref<4x2x512xf32, #tpu.memory_space<vmem>>, vector<1x1x16xf32>,
    %swap3A_1066 = arith.constant 3 : i32
    %swap3A_1067 = arith.constant 0 : i32
    %swap3A_1068 = arith.index_cast %swap3A_1066 : i32 to index
    %swap3A_1069 = arith.index_cast %swap3A_1067 : i32 to index
    %swap3A_1070 = arith.constant 128 : index
    %swap3A_1071 = tpu.vector_load %arg7[%swap3A_1068, %swap3A_1069, %swap3A_1070] {strides = array<i32>} : memref<4x2x512xf32, #tpu.memory_space<vmem>>, vector<1x1x16xf32>,
    %swap3A_1072 = vector.shape_cast %swap3A_1071 : vector<1x1x16xf32> to vector<16xf32>
    %swap3A_1073 = vector.shape_cast %get3A_646 : vector<16xf32> to vector<1x1x16xf32>
    tpu.vector_store %arg7[%swap3A_1068, %swap3A_1069, %swap3A_1070], %swap3A_1073 {strides = array<i32>} : memref<4x2x512xf32, #tpu.memory_space<vmem>>, vector<1x1x16xf32>,
    %swap3A_1074 = arith.constant 3 : i32
    %swap3A_1075 = arith.constant 0 : i32
    %swap3A_1076 = arith.index_cast %swap3A_1074 : i32 to index
    %swap3A_1077 = arith.index_cast %swap3A_1075 : i32 to index
    %swap3A_1078 = arith.constant 144 : index
    %swap3A_1079 = tpu.vector_load %arg7[%swap3A_1076, %swap3A_1077, %swap3A_1078] {strides = array<i32>} : memref<4x2x512xf32, #tpu.memory_space<vmem>>, vector<1x1x16xf32>,
    %swap3A_1080 = vector.shape_cast %swap3A_1079 : vector<1x1x16xf32> to vector<16xf32>
    %swap3A_1081 = vector.shape_cast %get3A_651 : vector<16xf32> to vector<1x1x16xf32>
    tpu.vector_store %arg7[%swap3A_1076, %swap3A_1077, %swap3A_1078], %swap3A_1081 {strides = array<i32>} : memref<4x2x512xf32, #tpu.memory_space<vmem>>, vector<1x1x16xf32>,
    %swap3A_1082 = arith.constant 3 : i32
    %swap3A_1083 = arith.constant 0 : i32
    %swap3A_1084 = arith.index_cast %swap3A_1082 : i32 to index
    %swap3A_1085 = arith.index_cast %swap3A_1083 : i32 to index
    %swap3A_1086 = arith.constant 160 : index
    %swap3A_1087 = tpu.vector_load %arg7[%swap3A_1084, %swap3A_1085, %swap3A_1086] {strides = array<i32>} : memref<4x2x512xf32, #tpu.memory_space<vmem>>, vector<1x1x16xf32>,
    %swap3A_1088 = vector.shape_cast %swap3A_1087 : vector<1x1x16xf32> to vector<16xf32>
    %swap3A_1089 = vector.shape_cast %get3A_656 : vector<16xf32> to vector<1x1x16xf32>
    tpu.vector_store %arg7[%swap3A_1084, %swap3A_1085, %swap3A_1086], %swap3A_1089 {strides = array<i32>} : memref<4x2x512xf32, #tpu.memory_space<vmem>>, vector<1x1x16xf32>,
    %swap3A_1090 = arith.constant 3 : i32
    %swap3A_1091 = arith.constant 0 : i32
    %swap3A_1092 = arith.index_cast %swap3A_1090 : i32 to index
    %swap3A_1093 = arith.index_cast %swap3A_1091 : i32 to index
    %swap3A_1094 = arith.constant 176 : index
    %swap3A_1095 = tpu.vector_load %arg7[%swap3A_1092, %swap3A_1093, %swap3A_1094] {strides = array<i32>} : memref<4x2x512xf32, #tpu.memory_space<vmem>>, vector<1x1x16xf32>,
    %swap3A_1096 = vector.shape_cast %swap3A_1095 : vector<1x1x16xf32> to vector<16xf32>
    %swap3A_1097 = vector.shape_cast %get3A_661 : vector<16xf32> to vector<1x1x16xf32>
    tpu.vector_store %arg7[%swap3A_1092, %swap3A_1093, %swap3A_1094], %swap3A_1097 {strides = array<i32>} : memref<4x2x512xf32, #tpu.memory_space<vmem>>, vector<1x1x16xf32>,
    %swap3A_1098 = arith.constant 3 : i32
    %swap3A_1099 = arith.constant 0 : i32
    %swap3A_1100 = arith.index_cast %swap3A_1098 : i32 to index
    %swap3A_1101 = arith.index_cast %swap3A_1099 : i32 to index
    %swap3A_1102 = arith.constant 192 : index
    %swap3A_1103 = tpu.vector_load %arg7[%swap3A_1100, %swap3A_1101, %swap3A_1102] {strides = array<i32>} : memref<4x2x512xf32, #tpu.memory_space<vmem>>, vector<1x1x16xf32>,
    %swap3A_1104 = vector.shape_cast %swap3A_1103 : vector<1x1x16xf32> to vector<16xf32>
    %swap3A_1105 = vector.shape_cast %get3A_666 : vector<16xf32> to vector<1x1x16xf32>
    tpu.vector_store %arg7[%swap3A_1100, %swap3A_1101, %swap3A_1102], %swap3A_1105 {strides = array<i32>} : memref<4x2x512xf32, #tpu.memory_space<vmem>>, vector<1x1x16xf32>,
    %swap3A_1106 = arith.constant 3 : i32
    %swap3A_1107 = arith.constant 0 : i32
    %swap3A_1108 = arith.index_cast %swap3A_1106 : i32 to index
    %swap3A_1109 = arith.index_cast %swap3A_1107 : i32 to index
    %swap3A_1110 = arith.constant 208 : index
    %swap3A_1111 = tpu.vector_load %arg7[%swap3A_1108, %swap3A_1109, %swap3A_1110] {strides = array<i32>} : memref<4x2x512xf32, #tpu.memory_space<vmem>>, vector<1x1x16xf32>,
    %swap3A_1112 = vector.shape_cast %swap3A_1111 : vector<1x1x16xf32> to vector<16xf32>
    %swap3A_1113 = vector.shape_cast %get3A_671 : vector<16xf32> to vector<1x1x16xf32>
    tpu.vector_store %arg7[%swap3A_1108, %swap3A_1109, %swap3A_1110], %swap3A_1113 {strides = array<i32>} : memref<4x2x512xf32, #tpu.memory_space<vmem>>, vector<1x1x16xf32>,
    %swap3A_1114 = arith.constant 3 : i32
    %swap3A_1115 = arith.constant 0 : i32
    %swap3A_1116 = arith.index_cast %swap3A_1114 : i32 to index
    %swap3A_1117 = arith.index_cast %swap3A_1115 : i32 to index
    %swap3A_1118 = arith.constant 224 : index
    %swap3A_1119 = tpu.vector_load %arg7[%swap3A_1116, %swap3A_1117, %swap3A_1118] {strides = array<i32>} : memref<4x2x512xf32, #tpu.memory_space<vmem>>, vector<1x1x16xf32>,
    %swap3A_1120 = vector.shape_cast %swap3A_1119 : vector<1x1x16xf32> to vector<16xf32>
    %swap3A_1121 = vector.shape_cast %get3A_676 : vector<16xf32> to vector<1x1x16xf32>
    tpu.vector_store %arg7[%swap3A_1116, %swap3A_1117, %swap3A_1118], %swap3A_1121 {strides = array<i32>} : memref<4x2x512xf32, #tpu.memory_space<vmem>>, vector<1x1x16xf32>,
    %swap3A_1122 = arith.constant 3 : i32
    %swap3A_1123 = arith.constant 0 : i32
    %swap3A_1124 = arith.index_cast %swap3A_1122 : i32 to index
    %swap3A_1125 = arith.index_cast %swap3A_1123 : i32 to index
    %swap3A_1126 = arith.constant 240 : index
    %swap3A_1127 = tpu.vector_load %arg7[%swap3A_1124, %swap3A_1125, %swap3A_1126] {strides = array<i32>} : memref<4x2x512xf32, #tpu.memory_space<vmem>>, vector<1x1x16xf32>,
    %swap3A_1128 = vector.shape_cast %swap3A_1127 : vector<1x1x16xf32> to vector<16xf32>
    %swap3A_1129 = vector.shape_cast %get3A_681 : vector<16xf32> to vector<1x1x16xf32>
    tpu.vector_store %arg7[%swap3A_1124, %swap3A_1125, %swap3A_1126], %swap3A_1129 {strides = array<i32>} : memref<4x2x512xf32, #tpu.memory_space<vmem>>, vector<1x1x16xf32>,
    %swap3A_1130 = arith.constant 3 : i32
    %swap3A_1131 = arith.constant 1 : i32
    %swap3A_1132 = arith.index_cast %swap3A_1130 : i32 to index
    %swap3A_1133 = arith.index_cast %swap3A_1131 : i32 to index
    %swap3A_1134 = arith.constant 128 : index
    %swap3A_1135 = tpu.vector_load %arg7[%swap3A_1132, %swap3A_1133, %swap3A_1134] {strides = array<i32>} : memref<4x2x512xf32, #tpu.memory_space<vmem>>, vector<1x1x16xf32>,
    %swap3A_1136 = vector.shape_cast %swap3A_1135 : vector<1x1x16xf32> to vector<16xf32>
    %swap3A_1137 = vector.shape_cast %get3A_646 : vector<16xf32> to vector<1x1x16xf32>
    tpu.vector_store %arg7[%swap3A_1132, %swap3A_1133, %swap3A_1134], %swap3A_1137 {strides = array<i32>} : memref<4x2x512xf32, #tpu.memory_space<vmem>>, vector<1x1x16xf32>,
    %swap3A_1138 = arith.constant 3 : i32
    %swap3A_1139 = arith.constant 1 : i32
    %swap3A_1140 = arith.index_cast %swap3A_1138 : i32 to index
    %swap3A_1141 = arith.index_cast %swap3A_1139 : i32 to index
    %swap3A_1142 = arith.constant 144 : index
    %swap3A_1143 = tpu.vector_load %arg7[%swap3A_1140, %swap3A_1141, %swap3A_1142] {strides = array<i32>} : memref<4x2x512xf32, #tpu.memory_space<vmem>>, vector<1x1x16xf32>,
    %swap3A_1144 = vector.shape_cast %swap3A_1143 : vector<1x1x16xf32> to vector<16xf32>
    %swap3A_1145 = vector.shape_cast %get3A_651 : vector<16xf32> to vector<1x1x16xf32>
    tpu.vector_store %arg7[%swap3A_1140, %swap3A_1141, %swap3A_1142], %swap3A_1145 {strides = array<i32>} : memref<4x2x512xf32, #tpu.memory_space<vmem>>, vector<1x1x16xf32>,
    %swap3A_1146 = arith.constant 3 : i32
    %swap3A_1147 = arith.constant 1 : i32
    %swap3A_1148 = arith.index_cast %swap3A_1146 : i32 to index
    %swap3A_1149 = arith.index_cast %swap3A_1147 : i32 to index
    %swap3A_1150 = arith.constant 160 : index
    %swap3A_1151 = tpu.vector_load %arg7[%swap3A_1148, %swap3A_1149, %swap3A_1150] {strides = array<i32>} : memref<4x2x512xf32, #tpu.memory_space<vmem>>, vector<1x1x16xf32>,
    %swap3A_1152 = vector.shape_cast %swap3A_1151 : vector<1x1x16xf32> to vector<16xf32>
    %swap3A_1153 = vector.shape_cast %get3A_656 : vector<16xf32> to vector<1x1x16xf32>
    tpu.vector_store %arg7[%swap3A_1148, %swap3A_1149, %swap3A_1150], %swap3A_1153 {strides = array<i32>} : memref<4x2x512xf32, #tpu.memory_space<vmem>>, vector<1x1x16xf32>,
    %swap3A_1154 = arith.constant 3 : i32
    %swap3A_1155 = arith.constant 1 : i32
    %swap3A_1156 = arith.index_cast %swap3A_1154 : i32 to index
    %swap3A_1157 = arith.index_cast %swap3A_1155 : i32 to index
    %swap3A_1158 = arith.constant 176 : index
    %swap3A_1159 = tpu.vector_load %arg7[%swap3A_1156, %swap3A_1157, %swap3A_1158] {strides = array<i32>} : memref<4x2x512xf32, #tpu.memory_space<vmem>>, vector<1x1x16xf32>,
    %swap3A_1160 = vector.shape_cast %swap3A_1159 : vector<1x1x16xf32> to vector<16xf32>
    %swap3A_1161 = vector.shape_cast %get3A_661 : vector<16xf32> to vector<1x1x16xf32>
    tpu.vector_store %arg7[%swap3A_1156, %swap3A_1157, %swap3A_1158], %swap3A_1161 {strides = array<i32>} : memref<4x2x512xf32, #tpu.memory_space<vmem>>, vector<1x1x16xf32>,
    %swap3A_1162 = arith.constant 3 : i32
    %swap3A_1163 = arith.constant 1 : i32
    %swap3A_1164 = arith.index_cast %swap3A_1162 : i32 to index
    %swap3A_1165 = arith.index_cast %swap3A_1163 : i32 to index
    %swap3A_1166 = arith.constant 192 : index
    %swap3A_1167 = tpu.vector_load %arg7[%swap3A_1164, %swap3A_1165, %swap3A_1166] {strides = array<i32>} : memref<4x2x512xf32, #tpu.memory_space<vmem>>, vector<1x1x16xf32>,
    %swap3A_1168 = vector.shape_cast %swap3A_1167 : vector<1x1x16xf32> to vector<16xf32>
    %swap3A_1169 = vector.shape_cast %get3A_666 : vector<16xf32> to vector<1x1x16xf32>
    tpu.vector_store %arg7[%swap3A_1164, %swap3A_1165, %swap3A_1166], %swap3A_1169 {strides = array<i32>} : memref<4x2x512xf32, #tpu.memory_space<vmem>>, vector<1x1x16xf32>,
    %swap3A_1170 = arith.constant 3 : i32
    %swap3A_1171 = arith.constant 1 : i32
    %swap3A_1172 = arith.index_cast %swap3A_1170 : i32 to index
    %swap3A_1173 = arith.index_cast %swap3A_1171 : i32 to index
    %swap3A_1174 = arith.constant 208 : index
    %swap3A_1175 = tpu.vector_load %arg7[%swap3A_1172, %swap3A_1173, %swap3A_1174] {strides = array<i32>} : memref<4x2x512xf32, #tpu.memory_space<vmem>>, vector<1x1x16xf32>,
    %swap3A_1176 = vector.shape_cast %swap3A_1175 : vector<1x1x16xf32> to vector<16xf32>
    %swap3A_1177 = vector.shape_cast %get3A_671 : vector<16xf32> to vector<1x1x16xf32>
    tpu.vector_store %arg7[%swap3A_1172, %swap3A_1173, %swap3A_1174], %swap3A_1177 {strides = array<i32>} : memref<4x2x512xf32, #tpu.memory_space<vmem>>, vector<1x1x16xf32>,
    %swap3A_1178 = arith.constant 3 : i32
    %swap3A_1179 = arith.constant 1 : i32
    %swap3A_1180 = arith.index_cast %swap3A_1178 : i32 to index
    %swap3A_1181 = arith.index_cast %swap3A_1179 : i32 to index
    %swap3A_1182 = arith.constant 224 : index
    %swap3A_1183 = tpu.vector_load %arg7[%swap3A_1180, %swap3A_1181, %swap3A_1182] {strides = array<i32>} : memref<4x2x512xf32, #tpu.memory_space<vmem>>, vector<1x1x16xf32>,
    %swap3A_1184 = vector.shape_cast %swap3A_1183 : vector<1x1x16xf32> to vector<16xf32>
    %swap3A_1185 = vector.shape_cast %get3A_676 : vector<16xf32> to vector<1x1x16xf32>
    tpu.vector_store %arg7[%swap3A_1180, %swap3A_1181, %swap3A_1182], %swap3A_1185 {strides = array<i32>} : memref<4x2x512xf32, #tpu.memory_space<vmem>>, vector<1x1x16xf32>,
    %swap3A_1186 = arith.constant 3 : i32
    %swap3A_1187 = arith.constant 1 : i32
    %swap3A_1188 = arith.index_cast %swap3A_1186 : i32 to index
    %swap3A_1189 = arith.index_cast %swap3A_1187 : i32 to index
    %swap3A_1190 = arith.constant 240 : index
    %swap3A_1191 = tpu.vector_load %arg7[%swap3A_1188, %swap3A_1189, %swap3A_1190] {strides = array<i32>} : memref<4x2x512xf32, #tpu.memory_space<vmem>>, vector<1x1x16xf32>,
    %swap3A_1192 = vector.shape_cast %swap3A_1191 : vector<1x1x16xf32> to vector<16xf32>
    %swap3A_1193 = vector.shape_cast %get3A_681 : vector<16xf32> to vector<1x1x16xf32>
    tpu.vector_store %arg7[%swap3A_1188, %swap3A_1189, %swap3A_1190], %swap3A_1193 {strides = array<i32>} : memref<4x2x512xf32, #tpu.memory_space<vmem>>, vector<1x1x16xf32>,
    %get3A_1194 = arith.constant 0 : i32
    %get3A_1195 = arith.index_cast %get3A_1194 : i32 to index
    %get3A_1196 = arith.constant 256 : index
    %get3A_1197 = tpu.vector_load %arg6[%get3A_1195, %get3A_1196] {strides = array<i32>} : memref<2x512xf32, #tpu.memory_space<vmem>>, vector<1x16xf32>,
    %get3A_1198 = vector.shape_cast %get3A_1197 : vector<1x16xf32> to vector<16xf32>
    %get3A_1199 = arith.constant 0 : i32
    %get3A_1200 = arith.index_cast %get3A_1199 : i32 to index
    %get3A_1201 = arith.constant 272 : index
    %get3A_1202 = tpu.vector_load %arg6[%get3A_1200, %get3A_1201] {strides = array<i32>} : memref<2x512xf32, #tpu.memory_space<vmem>>, vector<1x16xf32>,
    %get3A_1203 = vector.shape_cast %get3A_1202 : vector<1x16xf32> to vector<16xf32>
    %get3A_1204 = arith.constant 0 : i32
    %get3A_1205 = arith.index_cast %get3A_1204 : i32 to index
    %get3A_1206 = arith.constant 288 : index
    %get3A_1207 = tpu.vector_load %arg6[%get3A_1205, %get3A_1206] {strides = array<i32>} : memref<2x512xf32, #tpu.memory_space<vmem>>, vector<1x16xf32>,
    %get3A_1208 = vector.shape_cast %get3A_1207 : vector<1x16xf32> to vector<16xf32>
    %get3A_1209 = arith.constant 0 : i32
    %get3A_1210 = arith.index_cast %get3A_1209 : i32 to index
    %get3A_1211 = arith.constant 304 : index
    %get3A_1212 = tpu.vector_load %arg6[%get3A_1210, %get3A_1211] {strides = array<i32>} : memref<2x512xf32, #tpu.memory_space<vmem>>, vector<1x16xf32>,
    %get3A_1213 = vector.shape_cast %get3A_1212 : vector<1x16xf32> to vector<16xf32>
    %get3A_1214 = arith.constant 0 : i32
    %get3A_1215 = arith.index_cast %get3A_1214 : i32 to index
    %get3A_1216 = arith.constant 320 : index
    %get3A_1217 = tpu.vector_load %arg6[%get3A_1215, %get3A_1216] {strides = array<i32>} : memref<2x512xf32, #tpu.memory_space<vmem>>, vector<1x16xf32>,
    %get3A_1218 = vector.shape_cast %get3A_1217 : vector<1x16xf32> to vector<16xf32>
    %get3A_1219 = arith.constant 0 : i32
    %get3A_1220 = arith.index_cast %get3A_1219 : i32 to index
    %get3A_1221 = arith.constant 336 : index
    %get3A_1222 = tpu.vector_load %arg6[%get3A_1220, %get3A_1221] {strides = array<i32>} : memref<2x512xf32, #tpu.memory_space<vmem>>, vector<1x16xf32>,
    %get3A_1223 = vector.shape_cast %get3A_1222 : vector<1x16xf32> to vector<16xf32>
    %get3A_1224 = arith.constant 0 : i32
    %get3A_1225 = arith.index_cast %get3A_1224 : i32 to index
    %get3A_1226 = arith.constant 352 : index
    %get3A_1227 = tpu.vector_load %arg6[%get3A_1225, %get3A_1226] {strides = array<i32>} : memref<2x512xf32, #tpu.memory_space<vmem>>, vector<1x16xf32>,
    %get3A_1228 = vector.shape_cast %get3A_1227 : vector<1x16xf32> to vector<16xf32>
    %get3A_1229 = arith.constant 0 : i32
    %get3A_1230 = arith.index_cast %get3A_1229 : i32 to index
    %get3A_1231 = arith.constant 368 : index
    %get3A_1232 = tpu.vector_load %arg6[%get3A_1230, %get3A_1231] {strides = array<i32>} : memref<2x512xf32, #tpu.memory_space<vmem>>, vector<1x16xf32>,
    %get3A_1233 = vector.shape_cast %get3A_1232 : vector<1x16xf32> to vector<16xf32>
    %get3A_1234 = arith.constant 1 : i32
    %get3A_1235 = arith.index_cast %get3A_1234 : i32 to index
    %get3A_1236 = arith.constant 256 : index
    %get3A_1237 = tpu.vector_load %arg6[%get3A_1235, %get3A_1236] {strides = array<i32>} : memref<2x512xf32, #tpu.memory_space<vmem>>, vector<1x16xf32>,
    %get3A_1238 = vector.shape_cast %get3A_1237 : vector<1x16xf32> to vector<16xf32>
    %get3A_1239 = arith.constant 1 : i32
    %get3A_1240 = arith.index_cast %get3A_1239 : i32 to index
    %get3A_1241 = arith.constant 272 : index
    %get3A_1242 = tpu.vector_load %arg6[%get3A_1240, %get3A_1241] {strides = array<i32>} : memref<2x512xf32, #tpu.memory_space<vmem>>, vector<1x16xf32>,
    %get3A_1243 = vector.shape_cast %get3A_1242 : vector<1x16xf32> to vector<16xf32>
    %get3A_1244 = arith.constant 1 : i32
    %get3A_1245 = arith.index_cast %get3A_1244 : i32 to index
    %get3A_1246 = arith.constant 288 : index
    %get3A_1247 = tpu.vector_load %arg6[%get3A_1245, %get3A_1246] {strides = array<i32>} : memref<2x512xf32, #tpu.memory_space<vmem>>, vector<1x16xf32>,
    %get3A_1248 = vector.shape_cast %get3A_1247 : vector<1x16xf32> to vector<16xf32>
    %get3A_1249 = arith.constant 1 : i32
    %get3A_1250 = arith.index_cast %get3A_1249 : i32 to index
    %get3A_1251 = arith.constant 304 : index
    %get3A_1252 = tpu.vector_load %arg6[%get3A_1250, %get3A_1251] {strides = array<i32>} : memref<2x512xf32, #tpu.memory_space<vmem>>, vector<1x16xf32>,
    %get3A_1253 = vector.shape_cast %get3A_1252 : vector<1x16xf32> to vector<16xf32>
    %get3A_1254 = arith.constant 1 : i32
    %get3A_1255 = arith.index_cast %get3A_1254 : i32 to index
    %get3A_1256 = arith.constant 320 : index
    %get3A_1257 = tpu.vector_load %arg6[%get3A_1255, %get3A_1256] {strides = array<i32>} : memref<2x512xf32, #tpu.memory_space<vmem>>, vector<1x16xf32>,
    %get3A_1258 = vector.shape_cast %get3A_1257 : vector<1x16xf32> to vector<16xf32>
    %get3A_1259 = arith.constant 1 : i32
    %get3A_1260 = arith.index_cast %get3A_1259 : i32 to index
    %get3A_1261 = arith.constant 336 : index
    %get3A_1262 = tpu.vector_load %arg6[%get3A_1260, %get3A_1261] {strides = array<i32>} : memref<2x512xf32, #tpu.memory_space<vmem>>, vector<1x16xf32>,
    %get3A_1263 = vector.shape_cast %get3A_1262 : vector<1x16xf32> to vector<16xf32>
    %get3A_1264 = arith.constant 1 : i32
    %get3A_1265 = arith.index_cast %get3A_1264 : i32 to index
    %get3A_1266 = arith.constant 352 : index
    %get3A_1267 = tpu.vector_load %arg6[%get3A_1265, %get3A_1266] {strides = array<i32>} : memref<2x512xf32, #tpu.memory_space<vmem>>, vector<1x16xf32>,
    %get3A_1268 = vector.shape_cast %get3A_1267 : vector<1x16xf32> to vector<16xf32>
    %get3A_1269 = arith.constant 1 : i32
    %get3A_1270 = arith.index_cast %get3A_1269 : i32 to index
    %get3A_1271 = arith.constant 368 : index
    %get3A_1272 = tpu.vector_load %arg6[%get3A_1270, %get3A_1271] {strides = array<i32>} : memref<2x512xf32, #tpu.memory_space<vmem>>, vector<1x16xf32>,
    %get3A_1273 = vector.shape_cast %get3A_1272 : vector<1x16xf32> to vector<16xf32>
    %swap3A_1274 = arith.constant 0 : i32
    %swap3A_1275 = arith.constant 0 : i32
    %swap3A_1276 = arith.index_cast %swap3A_1274 : i32 to index
    %swap3A_1277 = arith.index_cast %swap3A_1275 : i32 to index
    %swap3A_1278 = arith.constant 256 : index
    %swap3A_1279 = tpu.vector_load %arg7[%swap3A_1276, %swap3A_1277, %swap3A_1278] {strides = array<i32>} : memref<4x2x512xf32, #tpu.memory_space<vmem>>, vector<1x1x16xf32>,
    %swap3A_1280 = vector.shape_cast %swap3A_1279 : vector<1x1x16xf32> to vector<16xf32>
    %swap3A_1281 = vector.shape_cast %get3A_1198 : vector<16xf32> to vector<1x1x16xf32>
    tpu.vector_store %arg7[%swap3A_1276, %swap3A_1277, %swap3A_1278], %swap3A_1281 {strides = array<i32>} : memref<4x2x512xf32, #tpu.memory_space<vmem>>, vector<1x1x16xf32>,
    %swap3A_1282 = arith.constant 0 : i32
    %swap3A_1283 = arith.constant 0 : i32
    %swap3A_1284 = arith.index_cast %swap3A_1282 : i32 to index
    %swap3A_1285 = arith.index_cast %swap3A_1283 : i32 to index
    %swap3A_1286 = arith.constant 272 : index
    %swap3A_1287 = tpu.vector_load %arg7[%swap3A_1284, %swap3A_1285, %swap3A_1286] {strides = array<i32>} : memref<4x2x512xf32, #tpu.memory_space<vmem>>, vector<1x1x16xf32>,
    %swap3A_1288 = vector.shape_cast %swap3A_1287 : vector<1x1x16xf32> to vector<16xf32>
    %swap3A_1289 = vector.shape_cast %get3A_1203 : vector<16xf32> to vector<1x1x16xf32>
    tpu.vector_store %arg7[%swap3A_1284, %swap3A_1285, %swap3A_1286], %swap3A_1289 {strides = array<i32>} : memref<4x2x512xf32, #tpu.memory_space<vmem>>, vector<1x1x16xf32>,
    %swap3A_1290 = arith.constant 0 : i32
    %swap3A_1291 = arith.constant 0 : i32
    %swap3A_1292 = arith.index_cast %swap3A_1290 : i32 to index
    %swap3A_1293 = arith.index_cast %swap3A_1291 : i32 to index
    %swap3A_1294 = arith.constant 288 : index
    %swap3A_1295 = tpu.vector_load %arg7[%swap3A_1292, %swap3A_1293, %swap3A_1294] {strides = array<i32>} : memref<4x2x512xf32, #tpu.memory_space<vmem>>, vector<1x1x16xf32>,
    %swap3A_1296 = vector.shape_cast %swap3A_1295 : vector<1x1x16xf32> to vector<16xf32>
    %swap3A_1297 = vector.shape_cast %get3A_1208 : vector<16xf32> to vector<1x1x16xf32>
    tpu.vector_store %arg7[%swap3A_1292, %swap3A_1293, %swap3A_1294], %swap3A_1297 {strides = array<i32>} : memref<4x2x512xf32, #tpu.memory_space<vmem>>, vector<1x1x16xf32>,
    %swap3A_1298 = arith.constant 0 : i32
    %swap3A_1299 = arith.constant 0 : i32
    %swap3A_1300 = arith.index_cast %swap3A_1298 : i32 to index
    %swap3A_1301 = arith.index_cast %swap3A_1299 : i32 to index
    %swap3A_1302 = arith.constant 304 : index
    %swap3A_1303 = tpu.vector_load %arg7[%swap3A_1300, %swap3A_1301, %swap3A_1302] {strides = array<i32>} : memref<4x2x512xf32, #tpu.memory_space<vmem>>, vector<1x1x16xf32>,
    %swap3A_1304 = vector.shape_cast %swap3A_1303 : vector<1x1x16xf32> to vector<16xf32>
    %swap3A_1305 = vector.shape_cast %get3A_1213 : vector<16xf32> to vector<1x1x16xf32>
    tpu.vector_store %arg7[%swap3A_1300, %swap3A_1301, %swap3A_1302], %swap3A_1305 {strides = array<i32>} : memref<4x2x512xf32, #tpu.memory_space<vmem>>, vector<1x1x16xf32>,
    %swap3A_1306 = arith.constant 0 : i32
    %swap3A_1307 = arith.constant 0 : i32
    %swap3A_1308 = arith.index_cast %swap3A_1306 : i32 to index
    %swap3A_1309 = arith.index_cast %swap3A_1307 : i32 to index
    %swap3A_1310 = arith.constant 320 : index
    %swap3A_1311 = tpu.vector_load %arg7[%swap3A_1308, %swap3A_1309, %swap3A_1310] {strides = array<i32>} : memref<4x2x512xf32, #tpu.memory_space<vmem>>, vector<1x1x16xf32>,
    %swap3A_1312 = vector.shape_cast %swap3A_1311 : vector<1x1x16xf32> to vector<16xf32>
    %swap3A_1313 = vector.shape_cast %get3A_1218 : vector<16xf32> to vector<1x1x16xf32>
    tpu.vector_store %arg7[%swap3A_1308, %swap3A_1309, %swap3A_1310], %swap3A_1313 {strides = array<i32>} : memref<4x2x512xf32, #tpu.memory_space<vmem>>, vector<1x1x16xf32>,
    %swap3A_1314 = arith.constant 0 : i32
    %swap3A_1315 = arith.constant 0 : i32
    %swap3A_1316 = arith.index_cast %swap3A_1314 : i32 to index
    %swap3A_1317 = arith.index_cast %swap3A_1315 : i32 to index
    %swap3A_1318 = arith.constant 336 : index
    %swap3A_1319 = tpu.vector_load %arg7[%swap3A_1316, %swap3A_1317, %swap3A_1318] {strides = array<i32>} : memref<4x2x512xf32, #tpu.memory_space<vmem>>, vector<1x1x16xf32>,
    %swap3A_1320 = vector.shape_cast %swap3A_1319 : vector<1x1x16xf32> to vector<16xf32>
    %swap3A_1321 = vector.shape_cast %get3A_1223 : vector<16xf32> to vector<1x1x16xf32>
    tpu.vector_store %arg7[%swap3A_1316, %swap3A_1317, %swap3A_1318], %swap3A_1321 {strides = array<i32>} : memref<4x2x512xf32, #tpu.memory_space<vmem>>, vector<1x1x16xf32>,
    %swap3A_1322 = arith.constant 0 : i32
    %swap3A_1323 = arith.constant 0 : i32
    %swap3A_1324 = arith.index_cast %swap3A_1322 : i32 to index
    %swap3A_1325 = arith.index_cast %swap3A_1323 : i32 to index
    %swap3A_1326 = arith.constant 352 : index
    %swap3A_1327 = tpu.vector_load %arg7[%swap3A_1324, %swap3A_1325, %swap3A_1326] {strides = array<i32>} : memref<4x2x512xf32, #tpu.memory_space<vmem>>, vector<1x1x16xf32>,
    %swap3A_1328 = vector.shape_cast %swap3A_1327 : vector<1x1x16xf32> to vector<16xf32>
    %swap3A_1329 = vector.shape_cast %get3A_1228 : vector<16xf32> to vector<1x1x16xf32>
    tpu.vector_store %arg7[%swap3A_1324, %swap3A_1325, %swap3A_1326], %swap3A_1329 {strides = array<i32>} : memref<4x2x512xf32, #tpu.memory_space<vmem>>, vector<1x1x16xf32>,
    %swap3A_1330 = arith.constant 0 : i32
    %swap3A_1331 = arith.constant 0 : i32
    %swap3A_1332 = arith.index_cast %swap3A_1330 : i32 to index
    %swap3A_1333 = arith.index_cast %swap3A_1331 : i32 to index
    %swap3A_1334 = arith.constant 368 : index
    %swap3A_1335 = tpu.vector_load %arg7[%swap3A_1332, %swap3A_1333, %swap3A_1334] {strides = array<i32>} : memref<4x2x512xf32, #tpu.memory_space<vmem>>, vector<1x1x16xf32>,
    %swap3A_1336 = vector.shape_cast %swap3A_1335 : vector<1x1x16xf32> to vector<16xf32>
    %swap3A_1337 = vector.shape_cast %get3A_1233 : vector<16xf32> to vector<1x1x16xf32>
    tpu.vector_store %arg7[%swap3A_1332, %swap3A_1333, %swap3A_1334], %swap3A_1337 {strides = array<i32>} : memref<4x2x512xf32, #tpu.memory_space<vmem>>, vector<1x1x16xf32>,
    %swap3A_1338 = arith.constant 0 : i32
    %swap3A_1339 = arith.constant 1 : i32
    %swap3A_1340 = arith.index_cast %swap3A_1338 : i32 to index
    %swap3A_1341 = arith.index_cast %swap3A_1339 : i32 to index
    %swap3A_1342 = arith.constant 256 : index
    %swap3A_1343 = tpu.vector_load %arg7[%swap3A_1340, %swap3A_1341, %swap3A_1342] {strides = array<i32>} : memref<4x2x512xf32, #tpu.memory_space<vmem>>, vector<1x1x16xf32>,
    %swap3A_1344 = vector.shape_cast %swap3A_1343 : vector<1x1x16xf32> to vector<16xf32>
    %swap3A_1345 = vector.shape_cast %get3A_1198 : vector<16xf32> to vector<1x1x16xf32>
    tpu.vector_store %arg7[%swap3A_1340, %swap3A_1341, %swap3A_1342], %swap3A_1345 {strides = array<i32>} : memref<4x2x512xf32, #tpu.memory_space<vmem>>, vector<1x1x16xf32>,
    %swap3A_1346 = arith.constant 0 : i32
    %swap3A_1347 = arith.constant 1 : i32
    %swap3A_1348 = arith.index_cast %swap3A_1346 : i32 to index
    %swap3A_1349 = arith.index_cast %swap3A_1347 : i32 to index
    %swap3A_1350 = arith.constant 272 : index
    %swap3A_1351 = tpu.vector_load %arg7[%swap3A_1348, %swap3A_1349, %swap3A_1350] {strides = array<i32>} : memref<4x2x512xf32, #tpu.memory_space<vmem>>, vector<1x1x16xf32>,
    %swap3A_1352 = vector.shape_cast %swap3A_1351 : vector<1x1x16xf32> to vector<16xf32>
    %swap3A_1353 = vector.shape_cast %get3A_1203 : vector<16xf32> to vector<1x1x16xf32>
    tpu.vector_store %arg7[%swap3A_1348, %swap3A_1349, %swap3A_1350], %swap3A_1353 {strides = array<i32>} : memref<4x2x512xf32, #tpu.memory_space<vmem>>, vector<1x1x16xf32>,
    %swap3A_1354 = arith.constant 0 : i32
    %swap3A_1355 = arith.constant 1 : i32
    %swap3A_1356 = arith.index_cast %swap3A_1354 : i32 to index
    %swap3A_1357 = arith.index_cast %swap3A_1355 : i32 to index
    %swap3A_1358 = arith.constant 288 : index
    %swap3A_1359 = tpu.vector_load %arg7[%swap3A_1356, %swap3A_1357, %swap3A_1358] {strides = array<i32>} : memref<4x2x512xf32, #tpu.memory_space<vmem>>, vector<1x1x16xf32>,
    %swap3A_1360 = vector.shape_cast %swap3A_1359 : vector<1x1x16xf32> to vector<16xf32>
    %swap3A_1361 = vector.shape_cast %get3A_1208 : vector<16xf32> to vector<1x1x16xf32>
    tpu.vector_store %arg7[%swap3A_1356, %swap3A_1357, %swap3A_1358], %swap3A_1361 {strides = array<i32>} : memref<4x2x512xf32, #tpu.memory_space<vmem>>, vector<1x1x16xf32>,
    %swap3A_1362 = arith.constant 0 : i32
    %swap3A_1363 = arith.constant 1 : i32
    %swap3A_1364 = arith.index_cast %swap3A_1362 : i32 to index
    %swap3A_1365 = arith.index_cast %swap3A_1363 : i32 to index
    %swap3A_1366 = arith.constant 304 : index
    %swap3A_1367 = tpu.vector_load %arg7[%swap3A_1364, %swap3A_1365, %swap3A_1366] {strides = array<i32>} : memref<4x2x512xf32, #tpu.memory_space<vmem>>, vector<1x1x16xf32>,
    %swap3A_1368 = vector.shape_cast %swap3A_1367 : vector<1x1x16xf32> to vector<16xf32>
    %swap3A_1369 = vector.shape_cast %get3A_1213 : vector<16xf32> to vector<1x1x16xf32>
    tpu.vector_store %arg7[%swap3A_1364, %swap3A_1365, %swap3A_1366], %swap3A_1369 {strides = array<i32>} : memref<4x2x512xf32, #tpu.memory_space<vmem>>, vector<1x1x16xf32>,
    %swap3A_1370 = arith.constant 0 : i32
    %swap3A_1371 = arith.constant 1 : i32
    %swap3A_1372 = arith.index_cast %swap3A_1370 : i32 to index
    %swap3A_1373 = arith.index_cast %swap3A_1371 : i32 to index
    %swap3A_1374 = arith.constant 320 : index
    %swap3A_1375 = tpu.vector_load %arg7[%swap3A_1372, %swap3A_1373, %swap3A_1374] {strides = array<i32>} : memref<4x2x512xf32, #tpu.memory_space<vmem>>, vector<1x1x16xf32>,
    %swap3A_1376 = vector.shape_cast %swap3A_1375 : vector<1x1x16xf32> to vector<16xf32>
    %swap3A_1377 = vector.shape_cast %get3A_1218 : vector<16xf32> to vector<1x1x16xf32>
    tpu.vector_store %arg7[%swap3A_1372, %swap3A_1373, %swap3A_1374], %swap3A_1377 {strides = array<i32>} : memref<4x2x512xf32, #tpu.memory_space<vmem>>, vector<1x1x16xf32>,
    %swap3A_1378 = arith.constant 0 : i32
    %swap3A_1379 = arith.constant 1 : i32
    %swap3A_1380 = arith.index_cast %swap3A_1378 : i32 to index
    %swap3A_1381 = arith.index_cast %swap3A_1379 : i32 to index
    %swap3A_1382 = arith.constant 336 : index
    %swap3A_1383 = tpu.vector_load %arg7[%swap3A_1380, %swap3A_1381, %swap3A_1382] {strides = array<i32>} : memref<4x2x512xf32, #tpu.memory_space<vmem>>, vector<1x1x16xf32>,
    %swap3A_1384 = vector.shape_cast %swap3A_1383 : vector<1x1x16xf32> to vector<16xf32>
    %swap3A_1385 = vector.shape_cast %get3A_1223 : vector<16xf32> to vector<1x1x16xf32>
    tpu.vector_store %arg7[%swap3A_1380, %swap3A_1381, %swap3A_1382], %swap3A_1385 {strides = array<i32>} : memref<4x2x512xf32, #tpu.memory_space<vmem>>, vector<1x1x16xf32>,
    %swap3A_1386 = arith.constant 0 : i32
    %swap3A_1387 = arith.constant 1 : i32
    %swap3A_1388 = arith.index_cast %swap3A_1386 : i32 to index
    %swap3A_1389 = arith.index_cast %swap3A_1387 : i32 to index
    %swap3A_1390 = arith.constant 352 : index
    %swap3A_1391 = tpu.vector_load %arg7[%swap3A_1388, %swap3A_1389, %swap3A_1390] {strides = array<i32>} : memref<4x2x512xf32, #tpu.memory_space<vmem>>, vector<1x1x16xf32>,
    %swap3A_1392 = vector.shape_cast %swap3A_1391 : vector<1x1x16xf32> to vector<16xf32>
    %swap3A_1393 = vector.shape_cast %get3A_1228 : vector<16xf32> to vector<1x1x16xf32>
    tpu.vector_store %arg7[%swap3A_1388, %swap3A_1389, %swap3A_1390], %swap3A_1393 {strides = array<i32>} : memref<4x2x512xf32, #tpu.memory_space<vmem>>, vector<1x1x16xf32>,
    %swap3A_1394 = arith.constant 0 : i32
    %swap3A_1395 = arith.constant 1 : i32
    %swap3A_1396 = arith.index_cast %swap3A_1394 : i32 to index
    %swap3A_1397 = arith.index_cast %swap3A_1395 : i32 to index
    %swap3A_1398 = arith.constant 368 : index
    %swap3A_1399 = tpu.vector_load %arg7[%swap3A_1396, %swap3A_1397, %swap3A_1398] {strides = array<i32>} : memref<4x2x512xf32, #tpu.memory_space<vmem>>, vector<1x1x16xf32>,
    %swap3A_1400 = vector.shape_cast %swap3A_1399 : vector<1x1x16xf32> to vector<16xf32>
    %swap3A_1401 = vector.shape_cast %get3A_1233 : vector<16xf32> to vector<1x1x16xf32>
    tpu.vector_store %arg7[%swap3A_1396, %swap3A_1397, %swap3A_1398], %swap3A_1401 {strides = array<i32>} : memref<4x2x512xf32, #tpu.memory_space<vmem>>, vector<1x1x16xf32>,
    %swap3A_1402 = arith.constant 1 : i32
    %swap3A_1403 = arith.constant 0 : i32
    %swap3A_1404 = arith.index_cast %swap3A_1402 : i32 to index
    %swap3A_1405 = arith.index_cast %swap3A_1403 : i32 to index
    %swap3A_1406 = arith.constant 256 : index
    %swap3A_1407 = tpu.vector_load %arg7[%swap3A_1404, %swap3A_1405, %swap3A_1406] {strides = array<i32>} : memref<4x2x512xf32, #tpu.memory_space<vmem>>, vector<1x1x16xf32>,
    %swap3A_1408 = vector.shape_cast %swap3A_1407 : vector<1x1x16xf32> to vector<16xf32>
    %swap3A_1409 = vector.shape_cast %get3A_1198 : vector<16xf32> to vector<1x1x16xf32>
    tpu.vector_store %arg7[%swap3A_1404, %swap3A_1405, %swap3A_1406], %swap3A_1409 {strides = array<i32>} : memref<4x2x512xf32, #tpu.memory_space<vmem>>, vector<1x1x16xf32>,
    %swap3A_1410 = arith.constant 1 : i32
    %swap3A_1411 = arith.constant 0 : i32
    %swap3A_1412 = arith.index_cast %swap3A_1410 : i32 to index
    %swap3A_1413 = arith.index_cast %swap3A_1411 : i32 to index
    %swap3A_1414 = arith.constant 272 : index
    %swap3A_1415 = tpu.vector_load %arg7[%swap3A_1412, %swap3A_1413, %swap3A_1414] {strides = array<i32>} : memref<4x2x512xf32, #tpu.memory_space<vmem>>, vector<1x1x16xf32>,
    %swap3A_1416 = vector.shape_cast %swap3A_1415 : vector<1x1x16xf32> to vector<16xf32>
    %swap3A_1417 = vector.shape_cast %get3A_1203 : vector<16xf32> to vector<1x1x16xf32>
    tpu.vector_store %arg7[%swap3A_1412, %swap3A_1413, %swap3A_1414], %swap3A_1417 {strides = array<i32>} : memref<4x2x512xf32, #tpu.memory_space<vmem>>, vector<1x1x16xf32>,
    %swap3A_1418 = arith.constant 1 : i32
    %swap3A_1419 = arith.constant 0 : i32
    %swap3A_1420 = arith.index_cast %swap3A_1418 : i32 to index
    %swap3A_1421 = arith.index_cast %swap3A_1419 : i32 to index
    %swap3A_1422 = arith.constant 288 : index
    %swap3A_1423 = tpu.vector_load %arg7[%swap3A_1420, %swap3A_1421, %swap3A_1422] {strides = array<i32>} : memref<4x2x512xf32, #tpu.memory_space<vmem>>, vector<1x1x16xf32>,
    %swap3A_1424 = vector.shape_cast %swap3A_1423 : vector<1x1x16xf32> to vector<16xf32>
    %swap3A_1425 = vector.shape_cast %get3A_1208 : vector<16xf32> to vector<1x1x16xf32>
    tpu.vector_store %arg7[%swap3A_1420, %swap3A_1421, %swap3A_1422], %swap3A_1425 {strides = array<i32>} : memref<4x2x512xf32, #tpu.memory_space<vmem>>, vector<1x1x16xf32>,
    %swap3A_1426 = arith.constant 1 : i32
    %swap3A_1427 = arith.constant 0 : i32
    %swap3A_1428 = arith.index_cast %swap3A_1426 : i32 to index
    %swap3A_1429 = arith.index_cast %swap3A_1427 : i32 to index
    %swap3A_1430 = arith.constant 304 : index
    %swap3A_1431 = tpu.vector_load %arg7[%swap3A_1428, %swap3A_1429, %swap3A_1430] {strides = array<i32>} : memref<4x2x512xf32, #tpu.memory_space<vmem>>, vector<1x1x16xf32>,
    %swap3A_1432 = vector.shape_cast %swap3A_1431 : vector<1x1x16xf32> to vector<16xf32>
    %swap3A_1433 = vector.shape_cast %get3A_1213 : vector<16xf32> to vector<1x1x16xf32>
    tpu.vector_store %arg7[%swap3A_1428, %swap3A_1429, %swap3A_1430], %swap3A_1433 {strides = array<i32>} : memref<4x2x512xf32, #tpu.memory_space<vmem>>, vector<1x1x16xf32>,
    %swap3A_1434 = arith.constant 1 : i32
    %swap3A_1435 = arith.constant 0 : i32
    %swap3A_1436 = arith.index_cast %swap3A_1434 : i32 to index
    %swap3A_1437 = arith.index_cast %swap3A_1435 : i32 to index
    %swap3A_1438 = arith.constant 320 : index
    %swap3A_1439 = tpu.vector_load %arg7[%swap3A_1436, %swap3A_1437, %swap3A_1438] {strides = array<i32>} : memref<4x2x512xf32, #tpu.memory_space<vmem>>, vector<1x1x16xf32>,
    %swap3A_1440 = vector.shape_cast %swap3A_1439 : vector<1x1x16xf32> to vector<16xf32>
    %swap3A_1441 = vector.shape_cast %get3A_1218 : vector<16xf32> to vector<1x1x16xf32>
    tpu.vector_store %arg7[%swap3A_1436, %swap3A_1437, %swap3A_1438], %swap3A_1441 {strides = array<i32>} : memref<4x2x512xf32, #tpu.memory_space<vmem>>, vector<1x1x16xf32>,
    %swap3A_1442 = arith.constant 1 : i32
    %swap3A_1443 = arith.constant 0 : i32
    %swap3A_1444 = arith.index_cast %swap3A_1442 : i32 to index
    %swap3A_1445 = arith.index_cast %swap3A_1443 : i32 to index
    %swap3A_1446 = arith.constant 336 : index
    %swap3A_1447 = tpu.vector_load %arg7[%swap3A_1444, %swap3A_1445, %swap3A_1446] {strides = array<i32>} : memref<4x2x512xf32, #tpu.memory_space<vmem>>, vector<1x1x16xf32>,
    %swap3A_1448 = vector.shape_cast %swap3A_1447 : vector<1x1x16xf32> to vector<16xf32>
    %swap3A_1449 = vector.shape_cast %get3A_1223 : vector<16xf32> to vector<1x1x16xf32>
    tpu.vector_store %arg7[%swap3A_1444, %swap3A_1445, %swap3A_1446], %swap3A_1449 {strides = array<i32>} : memref<4x2x512xf32, #tpu.memory_space<vmem>>, vector<1x1x16xf32>,
    %swap3A_1450 = arith.constant 1 : i32
    %swap3A_1451 = arith.constant 0 : i32
    %swap3A_1452 = arith.index_cast %swap3A_1450 : i32 to index
    %swap3A_1453 = arith.index_cast %swap3A_1451 : i32 to index
    %swap3A_1454 = arith.constant 352 : index
    %swap3A_1455 = tpu.vector_load %arg7[%swap3A_1452, %swap3A_1453, %swap3A_1454] {strides = array<i32>} : memref<4x2x512xf32, #tpu.memory_space<vmem>>, vector<1x1x16xf32>,
    %swap3A_1456 = vector.shape_cast %swap3A_1455 : vector<1x1x16xf32> to vector<16xf32>
    %swap3A_1457 = vector.shape_cast %get3A_1228 : vector<16xf32> to vector<1x1x16xf32>
    tpu.vector_store %arg7[%swap3A_1452, %swap3A_1453, %swap3A_1454], %swap3A_1457 {strides = array<i32>} : memref<4x2x512xf32, #tpu.memory_space<vmem>>, vector<1x1x16xf32>,
    %swap3A_1458 = arith.constant 1 : i32
    %swap3A_1459 = arith.constant 0 : i32
    %swap3A_1460 = arith.index_cast %swap3A_1458 : i32 to index
    %swap3A_1461 = arith.index_cast %swap3A_1459 : i32 to index
    %swap3A_1462 = arith.constant 368 : index
    %swap3A_1463 = tpu.vector_load %arg7[%swap3A_1460, %swap3A_1461, %swap3A_1462] {strides = array<i32>} : memref<4x2x512xf32, #tpu.memory_space<vmem>>, vector<1x1x16xf32>,
    %swap3A_1464 = vector.shape_cast %swap3A_1463 : vector<1x1x16xf32> to vector<16xf32>
    %swap3A_1465 = vector.shape_cast %get3A_1233 : vector<16xf32> to vector<1x1x16xf32>
    tpu.vector_store %arg7[%swap3A_1460, %swap3A_1461, %swap3A_1462], %swap3A_1465 {strides = array<i32>} : memref<4x2x512xf32, #tpu.memory_space<vmem>>, vector<1x1x16xf32>,
    %swap3A_1466 = arith.constant 1 : i32
    %swap3A_1467 = arith.constant 1 : i32
    %swap3A_1468 = arith.index_cast %swap3A_1466 : i32 to index
    %swap3A_1469 = arith.index_cast %swap3A_1467 : i32 to index
    %swap3A_1470 = arith.constant 256 : index
    %swap3A_1471 = tpu.vector_load %arg7[%swap3A_1468, %swap3A_1469, %swap3A_1470] {strides = array<i32>} : memref<4x2x512xf32, #tpu.memory_space<vmem>>, vector<1x1x16xf32>,
    %swap3A_1472 = vector.shape_cast %swap3A_1471 : vector<1x1x16xf32> to vector<16xf32>
    %swap3A_1473 = vector.shape_cast %get3A_1238 : vector<16xf32> to vector<1x1x16xf32>
    tpu.vector_store %arg7[%swap3A_1468, %swap3A_1469, %swap3A_1470], %swap3A_1473 {strides = array<i32>} : memref<4x2x512xf32, #tpu.memory_space<vmem>>, vector<1x1x16xf32>,
    %swap3A_1474 = arith.constant 1 : i32
    %swap3A_1475 = arith.constant 1 : i32
    %swap3A_1476 = arith.index_cast %swap3A_1474 : i32 to index
    %swap3A_1477 = arith.index_cast %swap3A_1475 : i32 to index
    %swap3A_1478 = arith.constant 272 : index
    %swap3A_1479 = tpu.vector_load %arg7[%swap3A_1476, %swap3A_1477, %swap3A_1478] {strides = array<i32>} : memref<4x2x512xf32, #tpu.memory_space<vmem>>, vector<1x1x16xf32>,
    %swap3A_1480 = vector.shape_cast %swap3A_1479 : vector<1x1x16xf32> to vector<16xf32>
    %swap3A_1481 = vector.shape_cast %get3A_1243 : vector<16xf32> to vector<1x1x16xf32>
    tpu.vector_store %arg7[%swap3A_1476, %swap3A_1477, %swap3A_1478], %swap3A_1481 {strides = array<i32>} : memref<4x2x512xf32, #tpu.memory_space<vmem>>, vector<1x1x16xf32>,
    %swap3A_1482 = arith.constant 1 : i32
    %swap3A_1483 = arith.constant 1 : i32
    %swap3A_1484 = arith.index_cast %swap3A_1482 : i32 to index
    %swap3A_1485 = arith.index_cast %swap3A_1483 : i32 to index
    %swap3A_1486 = arith.constant 288 : index
    %swap3A_1487 = tpu.vector_load %arg7[%swap3A_1484, %swap3A_1485, %swap3A_1486] {strides = array<i32>} : memref<4x2x512xf32, #tpu.memory_space<vmem>>, vector<1x1x16xf32>,
    %swap3A_1488 = vector.shape_cast %swap3A_1487 : vector<1x1x16xf32> to vector<16xf32>
    %swap3A_1489 = vector.shape_cast %get3A_1248 : vector<16xf32> to vector<1x1x16xf32>
    tpu.vector_store %arg7[%swap3A_1484, %swap3A_1485, %swap3A_1486], %swap3A_1489 {strides = array<i32>} : memref<4x2x512xf32, #tpu.memory_space<vmem>>, vector<1x1x16xf32>,
    %swap3A_1490 = arith.constant 1 : i32
    %swap3A_1491 = arith.constant 1 : i32
    %swap3A_1492 = arith.index_cast %swap3A_1490 : i32 to index
    %swap3A_1493 = arith.index_cast %swap3A_1491 : i32 to index
    %swap3A_1494 = arith.constant 304 : index
    %swap3A_1495 = tpu.vector_load %arg7[%swap3A_1492, %swap3A_1493, %swap3A_1494] {strides = array<i32>} : memref<4x2x512xf32, #tpu.memory_space<vmem>>, vector<1x1x16xf32>,
    %swap3A_1496 = vector.shape_cast %swap3A_1495 : vector<1x1x16xf32> to vector<16xf32>
    %swap3A_1497 = vector.shape_cast %get3A_1253 : vector<16xf32> to vector<1x1x16xf32>
    tpu.vector_store %arg7[%swap3A_1492, %swap3A_1493, %swap3A_1494], %swap3A_1497 {strides = array<i32>} : memref<4x2x512xf32, #tpu.memory_space<vmem>>, vector<1x1x16xf32>,
    %swap3A_1498 = arith.constant 1 : i32
    %swap3A_1499 = arith.constant 1 : i32
    %swap3A_1500 = arith.index_cast %swap3A_1498 : i32 to index
    %swap3A_1501 = arith.index_cast %swap3A_1499 : i32 to index
    %swap3A_1502 = arith.constant 320 : index
    %swap3A_1503 = tpu.vector_load %arg7[%swap3A_1500, %swap3A_1501, %swap3A_1502] {strides = array<i32>} : memref<4x2x512xf32, #tpu.memory_space<vmem>>, vector<1x1x16xf32>,
    %swap3A_1504 = vector.shape_cast %swap3A_1503 : vector<1x1x16xf32> to vector<16xf32>
    %swap3A_1505 = vector.shape_cast %get3A_1258 : vector<16xf32> to vector<1x1x16xf32>
    tpu.vector_store %arg7[%swap3A_1500, %swap3A_1501, %swap3A_1502], %swap3A_1505 {strides = array<i32>} : memref<4x2x512xf32, #tpu.memory_space<vmem>>, vector<1x1x16xf32>,
    %swap3A_1506 = arith.constant 1 : i32
    %swap3A_1507 = arith.constant 1 : i32
    %swap3A_1508 = arith.index_cast %swap3A_1506 : i32 to index
    %swap3A_1509 = arith.index_cast %swap3A_1507 : i32 to index
    %swap3A_1510 = arith.constant 336 : index
    %swap3A_1511 = tpu.vector_load %arg7[%swap3A_1508, %swap3A_1509, %swap3A_1510] {strides = array<i32>} : memref<4x2x512xf32, #tpu.memory_space<vmem>>, vector<1x1x16xf32>,
    %swap3A_1512 = vector.shape_cast %swap3A_1511 : vector<1x1x16xf32> to vector<16xf32>
    %swap3A_1513 = vector.shape_cast %get3A_1263 : vector<16xf32> to vector<1x1x16xf32>
    tpu.vector_store %arg7[%swap3A_1508, %swap3A_1509, %swap3A_1510], %swap3A_1513 {strides = array<i32>} : memref<4x2x512xf32, #tpu.memory_space<vmem>>, vector<1x1x16xf32>,
    %swap3A_1514 = arith.constant 1 : i32
    %swap3A_1515 = arith.constant 1 : i32
    %swap3A_1516 = arith.index_cast %swap3A_1514 : i32 to index
    %swap3A_1517 = arith.index_cast %swap3A_1515 : i32 to index
    %swap3A_1518 = arith.constant 352 : index
    %swap3A_1519 = tpu.vector_load %arg7[%swap3A_1516, %swap3A_1517, %swap3A_1518] {strides = array<i32>} : memref<4x2x512xf32, #tpu.memory_space<vmem>>, vector<1x1x16xf32>,
    %swap3A_1520 = vector.shape_cast %swap3A_1519 : vector<1x1x16xf32> to vector<16xf32>
    %swap3A_1521 = vector.shape_cast %get3A_1268 : vector<16xf32> to vector<1x1x16xf32>
    tpu.vector_store %arg7[%swap3A_1516, %swap3A_1517, %swap3A_1518], %swap3A_1521 {strides = array<i32>} : memref<4x2x512xf32, #tpu.memory_space<vmem>>, vector<1x1x16xf32>,
    %swap3A_1522 = arith.constant 1 : i32
    %swap3A_1523 = arith.constant 1 : i32
    %swap3A_1524 = arith.index_cast %swap3A_1522 : i32 to index
    %swap3A_1525 = arith.index_cast %swap3A_1523 : i32 to index
    %swap3A_1526 = arith.constant 368 : index
    %swap3A_1527 = tpu.vector_load %arg7[%swap3A_1524, %swap3A_1525, %swap3A_1526] {strides = array<i32>} : memref<4x2x512xf32, #tpu.memory_space<vmem>>, vector<1x1x16xf32>,
    %swap3A_1528 = vector.shape_cast %swap3A_1527 : vector<1x1x16xf32> to vector<16xf32>
    %swap3A_1529 = vector.shape_cast %get3A_1273 : vector<16xf32> to vector<1x1x16xf32>
    tpu.vector_store %arg7[%swap3A_1524, %swap3A_1525, %swap3A_1526], %swap3A_1529 {strides = array<i32>} : memref<4x2x512xf32, #tpu.memory_space<vmem>>, vector<1x1x16xf32>,
    %swap3A_1530 = arith.constant 2 : i32
    %swap3A_1531 = arith.constant 0 : i32
    %swap3A_1532 = arith.index_cast %swap3A_1530 : i32 to index
    %swap3A_1533 = arith.index_cast %swap3A_1531 : i32 to index
    %swap3A_1534 = arith.constant 256 : index
    %swap3A_1535 = tpu.vector_load %arg7[%swap3A_1532, %swap3A_1533, %swap3A_1534] {strides = array<i32>} : memref<4x2x512xf32, #tpu.memory_space<vmem>>, vector<1x1x16xf32>,
    %swap3A_1536 = vector.shape_cast %swap3A_1535 : vector<1x1x16xf32> to vector<16xf32>
    %swap3A_1537 = vector.shape_cast %get3A_1238 : vector<16xf32> to vector<1x1x16xf32>
    tpu.vector_store %arg7[%swap3A_1532, %swap3A_1533, %swap3A_1534], %swap3A_1537 {strides = array<i32>} : memref<4x2x512xf32, #tpu.memory_space<vmem>>, vector<1x1x16xf32>,
    %swap3A_1538 = arith.constant 2 : i32
    %swap3A_1539 = arith.constant 0 : i32
    %swap3A_1540 = arith.index_cast %swap3A_1538 : i32 to index
    %swap3A_1541 = arith.index_cast %swap3A_1539 : i32 to index
    %swap3A_1542 = arith.constant 272 : index
    %swap3A_1543 = tpu.vector_load %arg7[%swap3A_1540, %swap3A_1541, %swap3A_1542] {strides = array<i32>} : memref<4x2x512xf32, #tpu.memory_space<vmem>>, vector<1x1x16xf32>,
    %swap3A_1544 = vector.shape_cast %swap3A_1543 : vector<1x1x16xf32> to vector<16xf32>
    %swap3A_1545 = vector.shape_cast %get3A_1243 : vector<16xf32> to vector<1x1x16xf32>
    tpu.vector_store %arg7[%swap3A_1540, %swap3A_1541, %swap3A_1542], %swap3A_1545 {strides = array<i32>} : memref<4x2x512xf32, #tpu.memory_space<vmem>>, vector<1x1x16xf32>,
    %swap3A_1546 = arith.constant 2 : i32
    %swap3A_1547 = arith.constant 0 : i32
    %swap3A_1548 = arith.index_cast %swap3A_1546 : i32 to index
    %swap3A_1549 = arith.index_cast %swap3A_1547 : i32 to index
    %swap3A_1550 = arith.constant 288 : index
    %swap3A_1551 = tpu.vector_load %arg7[%swap3A_1548, %swap3A_1549, %swap3A_1550] {strides = array<i32>} : memref<4x2x512xf32, #tpu.memory_space<vmem>>, vector<1x1x16xf32>,
    %swap3A_1552 = vector.shape_cast %swap3A_1551 : vector<1x1x16xf32> to vector<16xf32>
    %swap3A_1553 = vector.shape_cast %get3A_1248 : vector<16xf32> to vector<1x1x16xf32>
    tpu.vector_store %arg7[%swap3A_1548, %swap3A_1549, %swap3A_1550], %swap3A_1553 {strides = array<i32>} : memref<4x2x512xf32, #tpu.memory_space<vmem>>, vector<1x1x16xf32>,
    %swap3A_1554 = arith.constant 2 : i32
    %swap3A_1555 = arith.constant 0 : i32
    %swap3A_1556 = arith.index_cast %swap3A_1554 : i32 to index
    %swap3A_1557 = arith.index_cast %swap3A_1555 : i32 to index
    %swap3A_1558 = arith.constant 304 : index
    %swap3A_1559 = tpu.vector_load %arg7[%swap3A_1556, %swap3A_1557, %swap3A_1558] {strides = array<i32>} : memref<4x2x512xf32, #tpu.memory_space<vmem>>, vector<1x1x16xf32>,
    %swap3A_1560 = vector.shape_cast %swap3A_1559 : vector<1x1x16xf32> to vector<16xf32>
    %swap3A_1561 = vector.shape_cast %get3A_1253 : vector<16xf32> to vector<1x1x16xf32>
    tpu.vector_store %arg7[%swap3A_1556, %swap3A_1557, %swap3A_1558], %swap3A_1561 {strides = array<i32>} : memref<4x2x512xf32, #tpu.memory_space<vmem>>, vector<1x1x16xf32>,
    %swap3A_1562 = arith.constant 2 : i32
    %swap3A_1563 = arith.constant 0 : i32
    %swap3A_1564 = arith.index_cast %swap3A_1562 : i32 to index
    %swap3A_1565 = arith.index_cast %swap3A_1563 : i32 to index
    %swap3A_1566 = arith.constant 320 : index
    %swap3A_1567 = tpu.vector_load %arg7[%swap3A_1564, %swap3A_1565, %swap3A_1566] {strides = array<i32>} : memref<4x2x512xf32, #tpu.memory_space<vmem>>, vector<1x1x16xf32>,
    %swap3A_1568 = vector.shape_cast %swap3A_1567 : vector<1x1x16xf32> to vector<16xf32>
    %swap3A_1569 = vector.shape_cast %get3A_1258 : vector<16xf32> to vector<1x1x16xf32>
    tpu.vector_store %arg7[%swap3A_1564, %swap3A_1565, %swap3A_1566], %swap3A_1569 {strides = array<i32>} : memref<4x2x512xf32, #tpu.memory_space<vmem>>, vector<1x1x16xf32>,
    %swap3A_1570 = arith.constant 2 : i32
    %swap3A_1571 = arith.constant 0 : i32
    %swap3A_1572 = arith.index_cast %swap3A_1570 : i32 to index
    %swap3A_1573 = arith.index_cast %swap3A_1571 : i32 to index
    %swap3A_1574 = arith.constant 336 : index
    %swap3A_1575 = tpu.vector_load %arg7[%swap3A_1572, %swap3A_1573, %swap3A_1574] {strides = array<i32>} : memref<4x2x512xf32, #tpu.memory_space<vmem>>, vector<1x1x16xf32>,
    %swap3A_1576 = vector.shape_cast %swap3A_1575 : vector<1x1x16xf32> to vector<16xf32>
    %swap3A_1577 = vector.shape_cast %get3A_1263 : vector<16xf32> to vector<1x1x16xf32>
    tpu.vector_store %arg7[%swap3A_1572, %swap3A_1573, %swap3A_1574], %swap3A_1577 {strides = array<i32>} : memref<4x2x512xf32, #tpu.memory_space<vmem>>, vector<1x1x16xf32>,
    %swap3A_1578 = arith.constant 2 : i32
    %swap3A_1579 = arith.constant 0 : i32
    %swap3A_1580 = arith.index_cast %swap3A_1578 : i32 to index
    %swap3A_1581 = arith.index_cast %swap3A_1579 : i32 to index
    %swap3A_1582 = arith.constant 352 : index
    %swap3A_1583 = tpu.vector_load %arg7[%swap3A_1580, %swap3A_1581, %swap3A_1582] {strides = array<i32>} : memref<4x2x512xf32, #tpu.memory_space<vmem>>, vector<1x1x16xf32>,
    %swap3A_1584 = vector.shape_cast %swap3A_1583 : vector<1x1x16xf32> to vector<16xf32>
    %swap3A_1585 = vector.shape_cast %get3A_1268 : vector<16xf32> to vector<1x1x16xf32>
    tpu.vector_store %arg7[%swap3A_1580, %swap3A_1581, %swap3A_1582], %swap3A_1585 {strides = array<i32>} : memref<4x2x512xf32, #tpu.memory_space<vmem>>, vector<1x1x16xf32>,
    %swap3A_1586 = arith.constant 2 : i32
    %swap3A_1587 = arith.constant 0 : i32
    %swap3A_1588 = arith.index_cast %swap3A_1586 : i32 to index
    %swap3A_1589 = arith.index_cast %swap3A_1587 : i32 to index
    %swap3A_1590 = arith.constant 368 : index
    %swap3A_1591 = tpu.vector_load %arg7[%swap3A_1588, %swap3A_1589, %swap3A_1590] {strides = array<i32>} : memref<4x2x512xf32, #tpu.memory_space<vmem>>, vector<1x1x16xf32>,
    %swap3A_1592 = vector.shape_cast %swap3A_1591 : vector<1x1x16xf32> to vector<16xf32>
    %swap3A_1593 = vector.shape_cast %get3A_1273 : vector<16xf32> to vector<1x1x16xf32>
    tpu.vector_store %arg7[%swap3A_1588, %swap3A_1589, %swap3A_1590], %swap3A_1593 {strides = array<i32>} : memref<4x2x512xf32, #tpu.memory_space<vmem>>, vector<1x1x16xf32>,
    %swap3A_1594 = arith.constant 2 : i32
    %swap3A_1595 = arith.constant 1 : i32
    %swap3A_1596 = arith.index_cast %swap3A_1594 : i32 to index
    %swap3A_1597 = arith.index_cast %swap3A_1595 : i32 to index
    %swap3A_1598 = arith.constant 256 : index
    %swap3A_1599 = tpu.vector_load %arg7[%swap3A_1596, %swap3A_1597, %swap3A_1598] {strides = array<i32>} : memref<4x2x512xf32, #tpu.memory_space<vmem>>, vector<1x1x16xf32>,
    %swap3A_1600 = vector.shape_cast %swap3A_1599 : vector<1x1x16xf32> to vector<16xf32>
    %swap3A_1601 = vector.shape_cast %get3A_1198 : vector<16xf32> to vector<1x1x16xf32>
    tpu.vector_store %arg7[%swap3A_1596, %swap3A_1597, %swap3A_1598], %swap3A_1601 {strides = array<i32>} : memref<4x2x512xf32, #tpu.memory_space<vmem>>, vector<1x1x16xf32>,
    %swap3A_1602 = arith.constant 2 : i32
    %swap3A_1603 = arith.constant 1 : i32
    %swap3A_1604 = arith.index_cast %swap3A_1602 : i32 to index
    %swap3A_1605 = arith.index_cast %swap3A_1603 : i32 to index
    %swap3A_1606 = arith.constant 272 : index
    %swap3A_1607 = tpu.vector_load %arg7[%swap3A_1604, %swap3A_1605, %swap3A_1606] {strides = array<i32>} : memref<4x2x512xf32, #tpu.memory_space<vmem>>, vector<1x1x16xf32>,
    %swap3A_1608 = vector.shape_cast %swap3A_1607 : vector<1x1x16xf32> to vector<16xf32>
    %swap3A_1609 = vector.shape_cast %get3A_1203 : vector<16xf32> to vector<1x1x16xf32>
    tpu.vector_store %arg7[%swap3A_1604, %swap3A_1605, %swap3A_1606], %swap3A_1609 {strides = array<i32>} : memref<4x2x512xf32, #tpu.memory_space<vmem>>, vector<1x1x16xf32>,
    %swap3A_1610 = arith.constant 2 : i32
    %swap3A_1611 = arith.constant 1 : i32
    %swap3A_1612 = arith.index_cast %swap3A_1610 : i32 to index
    %swap3A_1613 = arith.index_cast %swap3A_1611 : i32 to index
    %swap3A_1614 = arith.constant 288 : index
    %swap3A_1615 = tpu.vector_load %arg7[%swap3A_1612, %swap3A_1613, %swap3A_1614] {strides = array<i32>} : memref<4x2x512xf32, #tpu.memory_space<vmem>>, vector<1x1x16xf32>,
    %swap3A_1616 = vector.shape_cast %swap3A_1615 : vector<1x1x16xf32> to vector<16xf32>
    %swap3A_1617 = vector.shape_cast %get3A_1208 : vector<16xf32> to vector<1x1x16xf32>
    tpu.vector_store %arg7[%swap3A_1612, %swap3A_1613, %swap3A_1614], %swap3A_1617 {strides = array<i32>} : memref<4x2x512xf32, #tpu.memory_space<vmem>>, vector<1x1x16xf32>,
    %swap3A_1618 = arith.constant 2 : i32
    %swap3A_1619 = arith.constant 1 : i32
    %swap3A_1620 = arith.index_cast %swap3A_1618 : i32 to index
    %swap3A_1621 = arith.index_cast %swap3A_1619 : i32 to index
    %swap3A_1622 = arith.constant 304 : index
    %swap3A_1623 = tpu.vector_load %arg7[%swap3A_1620, %swap3A_1621, %swap3A_1622] {strides = array<i32>} : memref<4x2x512xf32, #tpu.memory_space<vmem>>, vector<1x1x16xf32>,
    %swap3A_1624 = vector.shape_cast %swap3A_1623 : vector<1x1x16xf32> to vector<16xf32>
    %swap3A_1625 = vector.shape_cast %get3A_1213 : vector<16xf32> to vector<1x1x16xf32>
    tpu.vector_store %arg7[%swap3A_1620, %swap3A_1621, %swap3A_1622], %swap3A_1625 {strides = array<i32>} : memref<4x2x512xf32, #tpu.memory_space<vmem>>, vector<1x1x16xf32>,
    %swap3A_1626 = arith.constant 2 : i32
    %swap3A_1627 = arith.constant 1 : i32
    %swap3A_1628 = arith.index_cast %swap3A_1626 : i32 to index
    %swap3A_1629 = arith.index_cast %swap3A_1627 : i32 to index
    %swap3A_1630 = arith.constant 320 : index
    %swap3A_1631 = tpu.vector_load %arg7[%swap3A_1628, %swap3A_1629, %swap3A_1630] {strides = array<i32>} : memref<4x2x512xf32, #tpu.memory_space<vmem>>, vector<1x1x16xf32>,
    %swap3A_1632 = vector.shape_cast %swap3A_1631 : vector<1x1x16xf32> to vector<16xf32>
    %swap3A_1633 = vector.shape_cast %get3A_1218 : vector<16xf32> to vector<1x1x16xf32>
    tpu.vector_store %arg7[%swap3A_1628, %swap3A_1629, %swap3A_1630], %swap3A_1633 {strides = array<i32>} : memref<4x2x512xf32, #tpu.memory_space<vmem>>, vector<1x1x16xf32>,
    %swap3A_1634 = arith.constant 2 : i32
    %swap3A_1635 = arith.constant 1 : i32
    %swap3A_1636 = arith.index_cast %swap3A_1634 : i32 to index
    %swap3A_1637 = arith.index_cast %swap3A_1635 : i32 to index
    %swap3A_1638 = arith.constant 336 : index
    %swap3A_1639 = tpu.vector_load %arg7[%swap3A_1636, %swap3A_1637, %swap3A_1638] {strides = array<i32>} : memref<4x2x512xf32, #tpu.memory_space<vmem>>, vector<1x1x16xf32>,
    %swap3A_1640 = vector.shape_cast %swap3A_1639 : vector<1x1x16xf32> to vector<16xf32>
    %swap3A_1641 = vector.shape_cast %get3A_1223 : vector<16xf32> to vector<1x1x16xf32>
    tpu.vector_store %arg7[%swap3A_1636, %swap3A_1637, %swap3A_1638], %swap3A_1641 {strides = array<i32>} : memref<4x2x512xf32, #tpu.memory_space<vmem>>, vector<1x1x16xf32>,
    %swap3A_1642 = arith.constant 2 : i32
    %swap3A_1643 = arith.constant 1 : i32
    %swap3A_1644 = arith.index_cast %swap3A_1642 : i32 to index
    %swap3A_1645 = arith.index_cast %swap3A_1643 : i32 to index
    %swap3A_1646 = arith.constant 352 : index
    %swap3A_1647 = tpu.vector_load %arg7[%swap3A_1644, %swap3A_1645, %swap3A_1646] {strides = array<i32>} : memref<4x2x512xf32, #tpu.memory_space<vmem>>, vector<1x1x16xf32>,
    %swap3A_1648 = vector.shape_cast %swap3A_1647 : vector<1x1x16xf32> to vector<16xf32>
    %swap3A_1649 = vector.shape_cast %get3A_1228 : vector<16xf32> to vector<1x1x16xf32>
    tpu.vector_store %arg7[%swap3A_1644, %swap3A_1645, %swap3A_1646], %swap3A_1649 {strides = array<i32>} : memref<4x2x512xf32, #tpu.memory_space<vmem>>, vector<1x1x16xf32>,
    %swap3A_1650 = arith.constant 2 : i32
    %swap3A_1651 = arith.constant 1 : i32
    %swap3A_1652 = arith.index_cast %swap3A_1650 : i32 to index
    %swap3A_1653 = arith.index_cast %swap3A_1651 : i32 to index
    %swap3A_1654 = arith.constant 368 : index
    %swap3A_1655 = tpu.vector_load %arg7[%swap3A_1652, %swap3A_1653, %swap3A_1654] {strides = array<i32>} : memref<4x2x512xf32, #tpu.memory_space<vmem>>, vector<1x1x16xf32>,
    %swap3A_1656 = vector.shape_cast %swap3A_1655 : vector<1x1x16xf32> to vector<16xf32>
    %swap3A_1657 = vector.shape_cast %get3A_1233 : vector<16xf32> to vector<1x1x16xf32>
    tpu.vector_store %arg7[%swap3A_1652, %swap3A_1653, %swap3A_1654], %swap3A_1657 {strides = array<i32>} : memref<4x2x512xf32, #tpu.memory_space<vmem>>, vector<1x1x16xf32>,
    %swap3A_1658 = arith.constant 3 : i32
    %swap3A_1659 = arith.constant 0 : i32
    %swap3A_1660 = arith.index_cast %swap3A_1658 : i32 to index
    %swap3A_1661 = arith.index_cast %swap3A_1659 : i32 to index
    %swap3A_1662 = arith.constant 256 : index
    %swap3A_1663 = tpu.vector_load %arg7[%swap3A_1660, %swap3A_1661, %swap3A_1662] {strides = array<i32>} : memref<4x2x512xf32, #tpu.memory_space<vmem>>, vector<1x1x16xf32>,
    %swap3A_1664 = vector.shape_cast %swap3A_1663 : vector<1x1x16xf32> to vector<16xf32>
    %swap3A_1665 = vector.shape_cast %get3A_1238 : vector<16xf32> to vector<1x1x16xf32>
    tpu.vector_store %arg7[%swap3A_1660, %swap3A_1661, %swap3A_1662], %swap3A_1665 {strides = array<i32>} : memref<4x2x512xf32, #tpu.memory_space<vmem>>, vector<1x1x16xf32>,
    %swap3A_1666 = arith.constant 3 : i32
    %swap3A_1667 = arith.constant 0 : i32
    %swap3A_1668 = arith.index_cast %swap3A_1666 : i32 to index
    %swap3A_1669 = arith.index_cast %swap3A_1667 : i32 to index
    %swap3A_1670 = arith.constant 272 : index
    %swap3A_1671 = tpu.vector_load %arg7[%swap3A_1668, %swap3A_1669, %swap3A_1670] {strides = array<i32>} : memref<4x2x512xf32, #tpu.memory_space<vmem>>, vector<1x1x16xf32>,
    %swap3A_1672 = vector.shape_cast %swap3A_1671 : vector<1x1x16xf32> to vector<16xf32>
    %swap3A_1673 = vector.shape_cast %get3A_1243 : vector<16xf32> to vector<1x1x16xf32>
    tpu.vector_store %arg7[%swap3A_1668, %swap3A_1669, %swap3A_1670], %swap3A_1673 {strides = array<i32>} : memref<4x2x512xf32, #tpu.memory_space<vmem>>, vector<1x1x16xf32>,
    %swap3A_1674 = arith.constant 3 : i32
    %swap3A_1675 = arith.constant 0 : i32
    %swap3A_1676 = arith.index_cast %swap3A_1674 : i32 to index
    %swap3A_1677 = arith.index_cast %swap3A_1675 : i32 to index
    %swap3A_1678 = arith.constant 288 : index
    %swap3A_1679 = tpu.vector_load %arg7[%swap3A_1676, %swap3A_1677, %swap3A_1678] {strides = array<i32>} : memref<4x2x512xf32, #tpu.memory_space<vmem>>, vector<1x1x16xf32>,
    %swap3A_1680 = vector.shape_cast %swap3A_1679 : vector<1x1x16xf32> to vector<16xf32>
    %swap3A_1681 = vector.shape_cast %get3A_1248 : vector<16xf32> to vector<1x1x16xf32>
    tpu.vector_store %arg7[%swap3A_1676, %swap3A_1677, %swap3A_1678], %swap3A_1681 {strides = array<i32>} : memref<4x2x512xf32, #tpu.memory_space<vmem>>, vector<1x1x16xf32>,
    %swap3A_1682 = arith.constant 3 : i32
    %swap3A_1683 = arith.constant 0 : i32
    %swap3A_1684 = arith.index_cast %swap3A_1682 : i32 to index
    %swap3A_1685 = arith.index_cast %swap3A_1683 : i32 to index
    %swap3A_1686 = arith.constant 304 : index
    %swap3A_1687 = tpu.vector_load %arg7[%swap3A_1684, %swap3A_1685, %swap3A_1686] {strides = array<i32>} : memref<4x2x512xf32, #tpu.memory_space<vmem>>, vector<1x1x16xf32>,
    %swap3A_1688 = vector.shape_cast %swap3A_1687 : vector<1x1x16xf32> to vector<16xf32>
    %swap3A_1689 = vector.shape_cast %get3A_1253 : vector<16xf32> to vector<1x1x16xf32>
    tpu.vector_store %arg7[%swap3A_1684, %swap3A_1685, %swap3A_1686], %swap3A_1689 {strides = array<i32>} : memref<4x2x512xf32, #tpu.memory_space<vmem>>, vector<1x1x16xf32>,
    %swap3A_1690 = arith.constant 3 : i32
    %swap3A_1691 = arith.constant 0 : i32
    %swap3A_1692 = arith.index_cast %swap3A_1690 : i32 to index
    %swap3A_1693 = arith.index_cast %swap3A_1691 : i32 to index
    %swap3A_1694 = arith.constant 320 : index
    %swap3A_1695 = tpu.vector_load %arg7[%swap3A_1692, %swap3A_1693, %swap3A_1694] {strides = array<i32>} : memref<4x2x512xf32, #tpu.memory_space<vmem>>, vector<1x1x16xf32>,
    %swap3A_1696 = vector.shape_cast %swap3A_1695 : vector<1x1x16xf32> to vector<16xf32>
    %swap3A_1697 = vector.shape_cast %get3A_1258 : vector<16xf32> to vector<1x1x16xf32>
    tpu.vector_store %arg7[%swap3A_1692, %swap3A_1693, %swap3A_1694], %swap3A_1697 {strides = array<i32>} : memref<4x2x512xf32, #tpu.memory_space<vmem>>, vector<1x1x16xf32>,
    %swap3A_1698 = arith.constant 3 : i32
    %swap3A_1699 = arith.constant 0 : i32
    %swap3A_1700 = arith.index_cast %swap3A_1698 : i32 to index
    %swap3A_1701 = arith.index_cast %swap3A_1699 : i32 to index
    %swap3A_1702 = arith.constant 336 : index
    %swap3A_1703 = tpu.vector_load %arg7[%swap3A_1700, %swap3A_1701, %swap3A_1702] {strides = array<i32>} : memref<4x2x512xf32, #tpu.memory_space<vmem>>, vector<1x1x16xf32>,
    %swap3A_1704 = vector.shape_cast %swap3A_1703 : vector<1x1x16xf32> to vector<16xf32>
    %swap3A_1705 = vector.shape_cast %get3A_1263 : vector<16xf32> to vector<1x1x16xf32>
    tpu.vector_store %arg7[%swap3A_1700, %swap3A_1701, %swap3A_1702], %swap3A_1705 {strides = array<i32>} : memref<4x2x512xf32, #tpu.memory_space<vmem>>, vector<1x1x16xf32>,
    %swap3A_1706 = arith.constant 3 : i32
    %swap3A_1707 = arith.constant 0 : i32
    %swap3A_1708 = arith.index_cast %swap3A_1706 : i32 to index
    %swap3A_1709 = arith.index_cast %swap3A_1707 : i32 to index
    %swap3A_1710 = arith.constant 352 : index
    %swap3A_1711 = tpu.vector_load %arg7[%swap3A_1708, %swap3A_1709, %swap3A_1710] {strides = array<i32>} : memref<4x2x512xf32, #tpu.memory_space<vmem>>, vector<1x1x16xf32>,
    %swap3A_1712 = vector.shape_cast %swap3A_1711 : vector<1x1x16xf32> to vector<16xf32>
    %swap3A_1713 = vector.shape_cast %get3A_1268 : vector<16xf32> to vector<1x1x16xf32>
    tpu.vector_store %arg7[%swap3A_1708, %swap3A_1709, %swap3A_1710], %swap3A_1713 {strides = array<i32>} : memref<4x2x512xf32, #tpu.memory_space<vmem>>, vector<1x1x16xf32>,
    %swap3A_1714 = arith.constant 3 : i32
    %swap3A_1715 = arith.constant 0 : i32
    %swap3A_1716 = arith.index_cast %swap3A_1714 : i32 to index
    %swap3A_1717 = arith.index_cast %swap3A_1715 : i32 to index
    %swap3A_1718 = arith.constant 368 : index
    %swap3A_1719 = tpu.vector_load %arg7[%swap3A_1716, %swap3A_1717, %swap3A_1718] {strides = array<i32>} : memref<4x2x512xf32, #tpu.memory_space<vmem>>, vector<1x1x16xf32>,
    %swap3A_1720 = vector.shape_cast %swap3A_1719 : vector<1x1x16xf32> to vector<16xf32>
    %swap3A_1721 = vector.shape_cast %get3A_1273 : vector<16xf32> to vector<1x1x16xf32>
    tpu.vector_store %arg7[%swap3A_1716, %swap3A_1717, %swap3A_1718], %swap3A_1721 {strides = array<i32>} : memref<4x2x512xf32, #tpu.memory_space<vmem>>, vector<1x1x16xf32>,
    %swap3A_1722 = arith.constant 3 : i32
    %swap3A_1723 = arith.constant 1 : i32
    %swap3A_1724 = arith.index_cast %swap3A_1722 : i32 to index
    %swap3A_1725 = arith.index_cast %swap3A_1723 : i32 to index
    %swap3A_1726 = arith.constant 256 : index
    %swap3A_1727 = tpu.vector_load %arg7[%swap3A_1724, %swap3A_1725, %swap3A_1726] {strides = array<i32>} : memref<4x2x512xf32, #tpu.memory_space<vmem>>, vector<1x1x16xf32>,
    %swap3A_1728 = vector.shape_cast %swap3A_1727 : vector<1x1x16xf32> to vector<16xf32>
    %swap3A_1729 = vector.shape_cast %get3A_1238 : vector<16xf32> to vector<1x1x16xf32>
    tpu.vector_store %arg7[%swap3A_1724, %swap3A_1725, %swap3A_1726], %swap3A_1729 {strides = array<i32>} : memref<4x2x512xf32, #tpu.memory_space<vmem>>, vector<1x1x16xf32>,
    %swap3A_1730 = arith.constant 3 : i32
    %swap3A_1731 = arith.constant 1 : i32
    %swap3A_1732 = arith.index_cast %swap3A_1730 : i32 to index
    %swap3A_1733 = arith.index_cast %swap3A_1731 : i32 to index
    %swap3A_1734 = arith.constant 272 : index
    %swap3A_1735 = tpu.vector_load %arg7[%swap3A_1732, %swap3A_1733, %swap3A_1734] {strides = array<i32>} : memref<4x2x512xf32, #tpu.memory_space<vmem>>, vector<1x1x16xf32>,
    %swap3A_1736 = vector.shape_cast %swap3A_1735 : vector<1x1x16xf32> to vector<16xf32>
    %swap3A_1737 = vector.shape_cast %get3A_1243 : vector<16xf32> to vector<1x1x16xf32>
    tpu.vector_store %arg7[%swap3A_1732, %swap3A_1733, %swap3A_1734], %swap3A_1737 {strides = array<i32>} : memref<4x2x512xf32, #tpu.memory_space<vmem>>, vector<1x1x16xf32>,
    %swap3A_1738 = arith.constant 3 : i32
    %swap3A_1739 = arith.constant 1 : i32
    %swap3A_1740 = arith.index_cast %swap3A_1738 : i32 to index
    %swap3A_1741 = arith.index_cast %swap3A_1739 : i32 to index
    %swap3A_1742 = arith.constant 288 : index
    %swap3A_1743 = tpu.vector_load %arg7[%swap3A_1740, %swap3A_1741, %swap3A_1742] {strides = array<i32>} : memref<4x2x512xf32, #tpu.memory_space<vmem>>, vector<1x1x16xf32>,
    %swap3A_1744 = vector.shape_cast %swap3A_1743 : vector<1x1x16xf32> to vector<16xf32>
    %swap3A_1745 = vector.shape_cast %get3A_1248 : vector<16xf32> to vector<1x1x16xf32>
    tpu.vector_store %arg7[%swap3A_1740, %swap3A_1741, %swap3A_1742], %swap3A_1745 {strides = array<i32>} : memref<4x2x512xf32, #tpu.memory_space<vmem>>, vector<1x1x16xf32>,
    %swap3A_1746 = arith.constant 3 : i32
    %swap3A_1747 = arith.constant 1 : i32
    %swap3A_1748 = arith.index_cast %swap3A_1746 : i32 to index
    %swap3A_1749 = arith.index_cast %swap3A_1747 : i32 to index
    %swap3A_1750 = arith.constant 304 : index
    %swap3A_1751 = tpu.vector_load %arg7[%swap3A_1748, %swap3A_1749, %swap3A_1750] {strides = array<i32>} : memref<4x2x512xf32, #tpu.memory_space<vmem>>, vector<1x1x16xf32>,
    %swap3A_1752 = vector.shape_cast %swap3A_1751 : vector<1x1x16xf32> to vector<16xf32>
    %swap3A_1753 = vector.shape_cast %get3A_1253 : vector<16xf32> to vector<1x1x16xf32>
    tpu.vector_store %arg7[%swap3A_1748, %swap3A_1749, %swap3A_1750], %swap3A_1753 {strides = array<i32>} : memref<4x2x512xf32, #tpu.memory_space<vmem>>, vector<1x1x16xf32>,
    %swap3A_1754 = arith.constant 3 : i32
    %swap3A_1755 = arith.constant 1 : i32
    %swap3A_1756 = arith.index_cast %swap3A_1754 : i32 to index
    %swap3A_1757 = arith.index_cast %swap3A_1755 : i32 to index
    %swap3A_1758 = arith.constant 320 : index
    %swap3A_1759 = tpu.vector_load %arg7[%swap3A_1756, %swap3A_1757, %swap3A_1758] {strides = array<i32>} : memref<4x2x512xf32, #tpu.memory_space<vmem>>, vector<1x1x16xf32>,
    %swap3A_1760 = vector.shape_cast %swap3A_1759 : vector<1x1x16xf32> to vector<16xf32>
    %swap3A_1761 = vector.shape_cast %get3A_1258 : vector<16xf32> to vector<1x1x16xf32>
    tpu.vector_store %arg7[%swap3A_1756, %swap3A_1757, %swap3A_1758], %swap3A_1761 {strides = array<i32>} : memref<4x2x512xf32, #tpu.memory_space<vmem>>, vector<1x1x16xf32>,
    %swap3A_1762 = arith.constant 3 : i32
    %swap3A_1763 = arith.constant 1 : i32
    %swap3A_1764 = arith.index_cast %swap3A_1762 : i32 to index
    %swap3A_1765 = arith.index_cast %swap3A_1763 : i32 to index
    %swap3A_1766 = arith.constant 336 : index
    %swap3A_1767 = tpu.vector_load %arg7[%swap3A_1764, %swap3A_1765, %swap3A_1766] {strides = array<i32>} : memref<4x2x512xf32, #tpu.memory_space<vmem>>, vector<1x1x16xf32>,
    %swap3A_1768 = vector.shape_cast %swap3A_1767 : vector<1x1x16xf32> to vector<16xf32>
    %swap3A_1769 = vector.shape_cast %get3A_1263 : vector<16xf32> to vector<1x1x16xf32>
    tpu.vector_store %arg7[%swap3A_1764, %swap3A_1765, %swap3A_1766], %swap3A_1769 {strides = array<i32>} : memref<4x2x512xf32, #tpu.memory_space<vmem>>, vector<1x1x16xf32>,
    %swap3A_1770 = arith.constant 3 : i32
    %swap3A_1771 = arith.constant 1 : i32
    %swap3A_1772 = arith.index_cast %swap3A_1770 : i32 to index
    %swap3A_1773 = arith.index_cast %swap3A_1771 : i32 to index
    %swap3A_1774 = arith.constant 352 : index
    %swap3A_1775 = tpu.vector_load %arg7[%swap3A_1772, %swap3A_1773, %swap3A_1774] {strides = array<i32>} : memref<4x2x512xf32, #tpu.memory_space<vmem>>, vector<1x1x16xf32>,
    %swap3A_1776 = vector.shape_cast %swap3A_1775 : vector<1x1x16xf32> to vector<16xf32>
    %swap3A_1777 = vector.shape_cast %get3A_1268 : vector<16xf32> to vector<1x1x16xf32>
    tpu.vector_store %arg7[%swap3A_1772, %swap3A_1773, %swap3A_1774], %swap3A_1777 {strides = array<i32>} : memref<4x2x512xf32, #tpu.memory_space<vmem>>, vector<1x1x16xf32>,
    %swap3A_1778 = arith.constant 3 : i32
    %swap3A_1779 = arith.constant 1 : i32
    %swap3A_1780 = arith.index_cast %swap3A_1778 : i32 to index
    %swap3A_1781 = arith.index_cast %swap3A_1779 : i32 to index
    %swap3A_1782 = arith.constant 368 : index
    %swap3A_1783 = tpu.vector_load %arg7[%swap3A_1780, %swap3A_1781, %swap3A_1782] {strides = array<i32>} : memref<4x2x512xf32, #tpu.memory_space<vmem>>, vector<1x1x16xf32>,
    %swap3A_1784 = vector.shape_cast %swap3A_1783 : vector<1x1x16xf32> to vector<16xf32>
    %swap3A_1785 = vector.shape_cast %get3A_1273 : vector<16xf32> to vector<1x1x16xf32>
    tpu.vector_store %arg7[%swap3A_1780, %swap3A_1781, %swap3A_1782], %swap3A_1785 {strides = array<i32>} : memref<4x2x512xf32, #tpu.memory_space<vmem>>, vector<1x1x16xf32>,
    %get3A_1786 = arith.constant 0 : i32
    %get3A_1787 = arith.index_cast %get3A_1786 : i32 to index
    %get3A_1788 = arith.constant 384 : index
    %get3A_1789 = tpu.vector_load %arg6[%get3A_1787, %get3A_1788] {strides = array<i32>} : memref<2x512xf32, #tpu.memory_space<vmem>>, vector<1x16xf32>,
    %get3A_1790 = vector.shape_cast %get3A_1789 : vector<1x16xf32> to vector<16xf32>
    %get3A_1791 = arith.constant 0 : i32
    %get3A_1792 = arith.index_cast %get3A_1791 : i32 to index
    %get3A_1793 = arith.constant 400 : index
    %get3A_1794 = tpu.vector_load %arg6[%get3A_1792, %get3A_1793] {strides = array<i32>} : memref<2x512xf32, #tpu.memory_space<vmem>>, vector<1x16xf32>,
    %get3A_1795 = vector.shape_cast %get3A_1794 : vector<1x16xf32> to vector<16xf32>
    %get3A_1796 = arith.constant 0 : i32
    %get3A_1797 = arith.index_cast %get3A_1796 : i32 to index
    %get3A_1798 = arith.constant 416 : index
    %get3A_1799 = tpu.vector_load %arg6[%get3A_1797, %get3A_1798] {strides = array<i32>} : memref<2x512xf32, #tpu.memory_space<vmem>>, vector<1x16xf32>,
    %get3A_1800 = vector.shape_cast %get3A_1799 : vector<1x16xf32> to vector<16xf32>
    %get3A_1801 = arith.constant 0 : i32
    %get3A_1802 = arith.index_cast %get3A_1801 : i32 to index
    %get3A_1803 = arith.constant 432 : index
    %get3A_1804 = tpu.vector_load %arg6[%get3A_1802, %get3A_1803] {strides = array<i32>} : memref<2x512xf32, #tpu.memory_space<vmem>>, vector<1x16xf32>,
    %get3A_1805 = vector.shape_cast %get3A_1804 : vector<1x16xf32> to vector<16xf32>
    %get3A_1806 = arith.constant 0 : i32
    %get3A_1807 = arith.index_cast %get3A_1806 : i32 to index
    %get3A_1808 = arith.constant 448 : index
    %get3A_1809 = tpu.vector_load %arg6[%get3A_1807, %get3A_1808] {strides = array<i32>} : memref<2x512xf32, #tpu.memory_space<vmem>>, vector<1x16xf32>,
    %get3A_1810 = vector.shape_cast %get3A_1809 : vector<1x16xf32> to vector<16xf32>
    %get3A_1811 = arith.constant 0 : i32
    %get3A_1812 = arith.index_cast %get3A_1811 : i32 to index
    %get3A_1813 = arith.constant 464 : index
    %get3A_1814 = tpu.vector_load %arg6[%get3A_1812, %get3A_1813] {strides = array<i32>} : memref<2x512xf32, #tpu.memory_space<vmem>>, vector<1x16xf32>,
    %get3A_1815 = vector.shape_cast %get3A_1814 : vector<1x16xf32> to vector<16xf32>
    %get3A_1816 = arith.constant 0 : i32
    %get3A_1817 = arith.index_cast %get3A_1816 : i32 to index
    %get3A_1818 = arith.constant 480 : index
    %get3A_1819 = tpu.vector_load %arg6[%get3A_1817, %get3A_1818] {strides = array<i32>} : memref<2x512xf32, #tpu.memory_space<vmem>>, vector<1x16xf32>,
    %get3A_1820 = vector.shape_cast %get3A_1819 : vector<1x16xf32> to vector<16xf32>
    %get3A_1821 = arith.constant 0 : i32
    %get3A_1822 = arith.index_cast %get3A_1821 : i32 to index
    %get3A_1823 = arith.constant 496 : index
    %get3A_1824 = tpu.vector_load %arg6[%get3A_1822, %get3A_1823] {strides = array<i32>} : memref<2x512xf32, #tpu.memory_space<vmem>>, vector<1x16xf32>,
    %get3A_1825 = vector.shape_cast %get3A_1824 : vector<1x16xf32> to vector<16xf32>
    %get3A_1826 = arith.constant 1 : i32
    %get3A_1827 = arith.index_cast %get3A_1826 : i32 to index
    %get3A_1828 = arith.constant 384 : index
    %get3A_1829 = tpu.vector_load %arg6[%get3A_1827, %get3A_1828] {strides = array<i32>} : memref<2x512xf32, #tpu.memory_space<vmem>>, vector<1x16xf32>,
    %get3A_1830 = vector.shape_cast %get3A_1829 : vector<1x16xf32> to vector<16xf32>
    %get3A_1831 = arith.constant 1 : i32
    %get3A_1832 = arith.index_cast %get3A_1831 : i32 to index
    %get3A_1833 = arith.constant 400 : index
    %get3A_1834 = tpu.vector_load %arg6[%get3A_1832, %get3A_1833] {strides = array<i32>} : memref<2x512xf32, #tpu.memory_space<vmem>>, vector<1x16xf32>,
    %get3A_1835 = vector.shape_cast %get3A_1834 : vector<1x16xf32> to vector<16xf32>
    %get3A_1836 = arith.constant 1 : i32
    %get3A_1837 = arith.index_cast %get3A_1836 : i32 to index
    %get3A_1838 = arith.constant 416 : index
    %get3A_1839 = tpu.vector_load %arg6[%get3A_1837, %get3A_1838] {strides = array<i32>} : memref<2x512xf32, #tpu.memory_space<vmem>>, vector<1x16xf32>,
    %get3A_1840 = vector.shape_cast %get3A_1839 : vector<1x16xf32> to vector<16xf32>
    %get3A_1841 = arith.constant 1 : i32
    %get3A_1842 = arith.index_cast %get3A_1841 : i32 to index
    %get3A_1843 = arith.constant 432 : index
    %get3A_1844 = tpu.vector_load %arg6[%get3A_1842, %get3A_1843] {strides = array<i32>} : memref<2x512xf32, #tpu.memory_space<vmem>>, vector<1x16xf32>,
    %get3A_1845 = vector.shape_cast %get3A_1844 : vector<1x16xf32> to vector<16xf32>
    %get3A_1846 = arith.constant 1 : i32
    %get3A_1847 = arith.index_cast %get3A_1846 : i32 to index
    %get3A_1848 = arith.constant 448 : index
    %get3A_1849 = tpu.vector_load %arg6[%get3A_1847, %get3A_1848] {strides = array<i32>} : memref<2x512xf32, #tpu.memory_space<vmem>>, vector<1x16xf32>,
    %get3A_1850 = vector.shape_cast %get3A_1849 : vector<1x16xf32> to vector<16xf32>
    %get3A_1851 = arith.constant 1 : i32
    %get3A_1852 = arith.index_cast %get3A_1851 : i32 to index
    %get3A_1853 = arith.constant 464 : index
    %get3A_1854 = tpu.vector_load %arg6[%get3A_1852, %get3A_1853] {strides = array<i32>} : memref<2x512xf32, #tpu.memory_space<vmem>>, vector<1x16xf32>,
    %get3A_1855 = vector.shape_cast %get3A_1854 : vector<1x16xf32> to vector<16xf32>
    %get3A_1856 = arith.constant 1 : i32
    %get3A_1857 = arith.index_cast %get3A_1856 : i32 to index
    %get3A_1858 = arith.constant 480 : index
    %get3A_1859 = tpu.vector_load %arg6[%get3A_1857, %get3A_1858] {strides = array<i32>} : memref<2x512xf32, #tpu.memory_space<vmem>>, vector<1x16xf32>,
    %get3A_1860 = vector.shape_cast %get3A_1859 : vector<1x16xf32> to vector<16xf32>
    %get3A_1861 = arith.constant 1 : i32
    %get3A_1862 = arith.index_cast %get3A_1861 : i32 to index
    %get3A_1863 = arith.constant 496 : index
    %get3A_1864 = tpu.vector_load %arg6[%get3A_1862, %get3A_1863] {strides = array<i32>} : memref<2x512xf32, #tpu.memory_space<vmem>>, vector<1x16xf32>,
    %get3A_1865 = vector.shape_cast %get3A_1864 : vector<1x16xf32> to vector<16xf32>
    %swap3A_1866 = arith.constant 0 : i32
    %swap3A_1867 = arith.constant 0 : i32
    %swap3A_1868 = arith.index_cast %swap3A_1866 : i32 to index
    %swap3A_1869 = arith.index_cast %swap3A_1867 : i32 to index
    %swap3A_1870 = arith.constant 384 : index
    %swap3A_1871 = tpu.vector_load %arg7[%swap3A_1868, %swap3A_1869, %swap3A_1870] {strides = array<i32>} : memref<4x2x512xf32, #tpu.memory_space<vmem>>, vector<1x1x16xf32>,
    %swap3A_1872 = vector.shape_cast %swap3A_1871 : vector<1x1x16xf32> to vector<16xf32>
    %swap3A_1873 = vector.shape_cast %get3A_1790 : vector<16xf32> to vector<1x1x16xf32>
    tpu.vector_store %arg7[%swap3A_1868, %swap3A_1869, %swap3A_1870], %swap3A_1873 {strides = array<i32>} : memref<4x2x512xf32, #tpu.memory_space<vmem>>, vector<1x1x16xf32>,
    %swap3A_1874 = arith.constant 0 : i32
    %swap3A_1875 = arith.constant 0 : i32
    %swap3A_1876 = arith.index_cast %swap3A_1874 : i32 to index
    %swap3A_1877 = arith.index_cast %swap3A_1875 : i32 to index
    %swap3A_1878 = arith.constant 400 : index
    %swap3A_1879 = tpu.vector_load %arg7[%swap3A_1876, %swap3A_1877, %swap3A_1878] {strides = array<i32>} : memref<4x2x512xf32, #tpu.memory_space<vmem>>, vector<1x1x16xf32>,
    %swap3A_1880 = vector.shape_cast %swap3A_1879 : vector<1x1x16xf32> to vector<16xf32>
    %swap3A_1881 = vector.shape_cast %get3A_1795 : vector<16xf32> to vector<1x1x16xf32>
    tpu.vector_store %arg7[%swap3A_1876, %swap3A_1877, %swap3A_1878], %swap3A_1881 {strides = array<i32>} : memref<4x2x512xf32, #tpu.memory_space<vmem>>, vector<1x1x16xf32>,
    %swap3A_1882 = arith.constant 0 : i32
    %swap3A_1883 = arith.constant 0 : i32
    %swap3A_1884 = arith.index_cast %swap3A_1882 : i32 to index
    %swap3A_1885 = arith.index_cast %swap3A_1883 : i32 to index
    %swap3A_1886 = arith.constant 416 : index
    %swap3A_1887 = tpu.vector_load %arg7[%swap3A_1884, %swap3A_1885, %swap3A_1886] {strides = array<i32>} : memref<4x2x512xf32, #tpu.memory_space<vmem>>, vector<1x1x16xf32>,
    %swap3A_1888 = vector.shape_cast %swap3A_1887 : vector<1x1x16xf32> to vector<16xf32>
    %swap3A_1889 = vector.shape_cast %get3A_1800 : vector<16xf32> to vector<1x1x16xf32>
    tpu.vector_store %arg7[%swap3A_1884, %swap3A_1885, %swap3A_1886], %swap3A_1889 {strides = array<i32>} : memref<4x2x512xf32, #tpu.memory_space<vmem>>, vector<1x1x16xf32>,
    %swap3A_1890 = arith.constant 0 : i32
    %swap3A_1891 = arith.constant 0 : i32
    %swap3A_1892 = arith.index_cast %swap3A_1890 : i32 to index
    %swap3A_1893 = arith.index_cast %swap3A_1891 : i32 to index
    %swap3A_1894 = arith.constant 432 : index
    %swap3A_1895 = tpu.vector_load %arg7[%swap3A_1892, %swap3A_1893, %swap3A_1894] {strides = array<i32>} : memref<4x2x512xf32, #tpu.memory_space<vmem>>, vector<1x1x16xf32>,
    %swap3A_1896 = vector.shape_cast %swap3A_1895 : vector<1x1x16xf32> to vector<16xf32>
    %swap3A_1897 = vector.shape_cast %get3A_1805 : vector<16xf32> to vector<1x1x16xf32>
    tpu.vector_store %arg7[%swap3A_1892, %swap3A_1893, %swap3A_1894], %swap3A_1897 {strides = array<i32>} : memref<4x2x512xf32, #tpu.memory_space<vmem>>, vector<1x1x16xf32>,
    %swap3A_1898 = arith.constant 0 : i32
    %swap3A_1899 = arith.constant 0 : i32
    %swap3A_1900 = arith.index_cast %swap3A_1898 : i32 to index
    %swap3A_1901 = arith.index_cast %swap3A_1899 : i32 to index
    %swap3A_1902 = arith.constant 448 : index
    %swap3A_1903 = tpu.vector_load %arg7[%swap3A_1900, %swap3A_1901, %swap3A_1902] {strides = array<i32>} : memref<4x2x512xf32, #tpu.memory_space<vmem>>, vector<1x1x16xf32>,
    %swap3A_1904 = vector.shape_cast %swap3A_1903 : vector<1x1x16xf32> to vector<16xf32>
    %swap3A_1905 = vector.shape_cast %get3A_1810 : vector<16xf32> to vector<1x1x16xf32>
    tpu.vector_store %arg7[%swap3A_1900, %swap3A_1901, %swap3A_1902], %swap3A_1905 {strides = array<i32>} : memref<4x2x512xf32, #tpu.memory_space<vmem>>, vector<1x1x16xf32>,
    %swap3A_1906 = arith.constant 0 : i32
    %swap3A_1907 = arith.constant 0 : i32
    %swap3A_1908 = arith.index_cast %swap3A_1906 : i32 to index
    %swap3A_1909 = arith.index_cast %swap3A_1907 : i32 to index
    %swap3A_1910 = arith.constant 464 : index
    %swap3A_1911 = tpu.vector_load %arg7[%swap3A_1908, %swap3A_1909, %swap3A_1910] {strides = array<i32>} : memref<4x2x512xf32, #tpu.memory_space<vmem>>, vector<1x1x16xf32>,
    %swap3A_1912 = vector.shape_cast %swap3A_1911 : vector<1x1x16xf32> to vector<16xf32>
    %swap3A_1913 = vector.shape_cast %get3A_1815 : vector<16xf32> to vector<1x1x16xf32>
    tpu.vector_store %arg7[%swap3A_1908, %swap3A_1909, %swap3A_1910], %swap3A_1913 {strides = array<i32>} : memref<4x2x512xf32, #tpu.memory_space<vmem>>, vector<1x1x16xf32>,
    %swap3A_1914 = arith.constant 0 : i32
    %swap3A_1915 = arith.constant 0 : i32
    %swap3A_1916 = arith.index_cast %swap3A_1914 : i32 to index
    %swap3A_1917 = arith.index_cast %swap3A_1915 : i32 to index
    %swap3A_1918 = arith.constant 480 : index
    %swap3A_1919 = tpu.vector_load %arg7[%swap3A_1916, %swap3A_1917, %swap3A_1918] {strides = array<i32>} : memref<4x2x512xf32, #tpu.memory_space<vmem>>, vector<1x1x16xf32>,
    %swap3A_1920 = vector.shape_cast %swap3A_1919 : vector<1x1x16xf32> to vector<16xf32>
    %swap3A_1921 = vector.shape_cast %get3A_1820 : vector<16xf32> to vector<1x1x16xf32>
    tpu.vector_store %arg7[%swap3A_1916, %swap3A_1917, %swap3A_1918], %swap3A_1921 {strides = array<i32>} : memref<4x2x512xf32, #tpu.memory_space<vmem>>, vector<1x1x16xf32>,
    %swap3A_1922 = arith.constant 0 : i32
    %swap3A_1923 = arith.constant 0 : i32
    %swap3A_1924 = arith.index_cast %swap3A_1922 : i32 to index
    %swap3A_1925 = arith.index_cast %swap3A_1923 : i32 to index
    %swap3A_1926 = arith.constant 496 : index
    %swap3A_1927 = tpu.vector_load %arg7[%swap3A_1924, %swap3A_1925, %swap3A_1926] {strides = array<i32>} : memref<4x2x512xf32, #tpu.memory_space<vmem>>, vector<1x1x16xf32>,
    %swap3A_1928 = vector.shape_cast %swap3A_1927 : vector<1x1x16xf32> to vector<16xf32>
    %swap3A_1929 = vector.shape_cast %get3A_1825 : vector<16xf32> to vector<1x1x16xf32>
    tpu.vector_store %arg7[%swap3A_1924, %swap3A_1925, %swap3A_1926], %swap3A_1929 {strides = array<i32>} : memref<4x2x512xf32, #tpu.memory_space<vmem>>, vector<1x1x16xf32>,
    %swap3A_1930 = arith.constant 0 : i32
    %swap3A_1931 = arith.constant 1 : i32
    %swap3A_1932 = arith.index_cast %swap3A_1930 : i32 to index
    %swap3A_1933 = arith.index_cast %swap3A_1931 : i32 to index
    %swap3A_1934 = arith.constant 384 : index
    %swap3A_1935 = tpu.vector_load %arg7[%swap3A_1932, %swap3A_1933, %swap3A_1934] {strides = array<i32>} : memref<4x2x512xf32, #tpu.memory_space<vmem>>, vector<1x1x16xf32>,
    %swap3A_1936 = vector.shape_cast %swap3A_1935 : vector<1x1x16xf32> to vector<16xf32>
    %swap3A_1937 = vector.shape_cast %get3A_1790 : vector<16xf32> to vector<1x1x16xf32>
    tpu.vector_store %arg7[%swap3A_1932, %swap3A_1933, %swap3A_1934], %swap3A_1937 {strides = array<i32>} : memref<4x2x512xf32, #tpu.memory_space<vmem>>, vector<1x1x16xf32>,
    %swap3A_1938 = arith.constant 0 : i32
    %swap3A_1939 = arith.constant 1 : i32
    %swap3A_1940 = arith.index_cast %swap3A_1938 : i32 to index
    %swap3A_1941 = arith.index_cast %swap3A_1939 : i32 to index
    %swap3A_1942 = arith.constant 400 : index
    %swap3A_1943 = tpu.vector_load %arg7[%swap3A_1940, %swap3A_1941, %swap3A_1942] {strides = array<i32>} : memref<4x2x512xf32, #tpu.memory_space<vmem>>, vector<1x1x16xf32>,
    %swap3A_1944 = vector.shape_cast %swap3A_1943 : vector<1x1x16xf32> to vector<16xf32>
    %swap3A_1945 = vector.shape_cast %get3A_1795 : vector<16xf32> to vector<1x1x16xf32>
    tpu.vector_store %arg7[%swap3A_1940, %swap3A_1941, %swap3A_1942], %swap3A_1945 {strides = array<i32>} : memref<4x2x512xf32, #tpu.memory_space<vmem>>, vector<1x1x16xf32>,
    %swap3A_1946 = arith.constant 0 : i32
    %swap3A_1947 = arith.constant 1 : i32
    %swap3A_1948 = arith.index_cast %swap3A_1946 : i32 to index
    %swap3A_1949 = arith.index_cast %swap3A_1947 : i32 to index
    %swap3A_1950 = arith.constant 416 : index
    %swap3A_1951 = tpu.vector_load %arg7[%swap3A_1948, %swap3A_1949, %swap3A_1950] {strides = array<i32>} : memref<4x2x512xf32, #tpu.memory_space<vmem>>, vector<1x1x16xf32>,
    %swap3A_1952 = vector.shape_cast %swap3A_1951 : vector<1x1x16xf32> to vector<16xf32>
    %swap3A_1953 = vector.shape_cast %get3A_1800 : vector<16xf32> to vector<1x1x16xf32>
    tpu.vector_store %arg7[%swap3A_1948, %swap3A_1949, %swap3A_1950], %swap3A_1953 {strides = array<i32>} : memref<4x2x512xf32, #tpu.memory_space<vmem>>, vector<1x1x16xf32>,
    %swap3A_1954 = arith.constant 0 : i32
    %swap3A_1955 = arith.constant 1 : i32
    %swap3A_1956 = arith.index_cast %swap3A_1954 : i32 to index
    %swap3A_1957 = arith.index_cast %swap3A_1955 : i32 to index
    %swap3A_1958 = arith.constant 432 : index
    %swap3A_1959 = tpu.vector_load %arg7[%swap3A_1956, %swap3A_1957, %swap3A_1958] {strides = array<i32>} : memref<4x2x512xf32, #tpu.memory_space<vmem>>, vector<1x1x16xf32>,
    %swap3A_1960 = vector.shape_cast %swap3A_1959 : vector<1x1x16xf32> to vector<16xf32>
    %swap3A_1961 = vector.shape_cast %get3A_1805 : vector<16xf32> to vector<1x1x16xf32>
    tpu.vector_store %arg7[%swap3A_1956, %swap3A_1957, %swap3A_1958], %swap3A_1961 {strides = array<i32>} : memref<4x2x512xf32, #tpu.memory_space<vmem>>, vector<1x1x16xf32>,
    %swap3A_1962 = arith.constant 0 : i32
    %swap3A_1963 = arith.constant 1 : i32
    %swap3A_1964 = arith.index_cast %swap3A_1962 : i32 to index
    %swap3A_1965 = arith.index_cast %swap3A_1963 : i32 to index
    %swap3A_1966 = arith.constant 448 : index
    %swap3A_1967 = tpu.vector_load %arg7[%swap3A_1964, %swap3A_1965, %swap3A_1966] {strides = array<i32>} : memref<4x2x512xf32, #tpu.memory_space<vmem>>, vector<1x1x16xf32>,
    %swap3A_1968 = vector.shape_cast %swap3A_1967 : vector<1x1x16xf32> to vector<16xf32>
    %swap3A_1969 = vector.shape_cast %get3A_1810 : vector<16xf32> to vector<1x1x16xf32>
    tpu.vector_store %arg7[%swap3A_1964, %swap3A_1965, %swap3A_1966], %swap3A_1969 {strides = array<i32>} : memref<4x2x512xf32, #tpu.memory_space<vmem>>, vector<1x1x16xf32>,
    %swap3A_1970 = arith.constant 0 : i32
    %swap3A_1971 = arith.constant 1 : i32
    %swap3A_1972 = arith.index_cast %swap3A_1970 : i32 to index
    %swap3A_1973 = arith.index_cast %swap3A_1971 : i32 to index
    %swap3A_1974 = arith.constant 464 : index
    %swap3A_1975 = tpu.vector_load %arg7[%swap3A_1972, %swap3A_1973, %swap3A_1974] {strides = array<i32>} : memref<4x2x512xf32, #tpu.memory_space<vmem>>, vector<1x1x16xf32>,
    %swap3A_1976 = vector.shape_cast %swap3A_1975 : vector<1x1x16xf32> to vector<16xf32>
    %swap3A_1977 = vector.shape_cast %get3A_1815 : vector<16xf32> to vector<1x1x16xf32>
    tpu.vector_store %arg7[%swap3A_1972, %swap3A_1973, %swap3A_1974], %swap3A_1977 {strides = array<i32>} : memref<4x2x512xf32, #tpu.memory_space<vmem>>, vector<1x1x16xf32>,
    %swap3A_1978 = arith.constant 0 : i32
    %swap3A_1979 = arith.constant 1 : i32
    %swap3A_1980 = arith.index_cast %swap3A_1978 : i32 to index
    %swap3A_1981 = arith.index_cast %swap3A_1979 : i32 to index
    %swap3A_1982 = arith.constant 480 : index
    %swap3A_1983 = tpu.vector_load %arg7[%swap3A_1980, %swap3A_1981, %swap3A_1982] {strides = array<i32>} : memref<4x2x512xf32, #tpu.memory_space<vmem>>, vector<1x1x16xf32>,
    %swap3A_1984 = vector.shape_cast %swap3A_1983 : vector<1x1x16xf32> to vector<16xf32>
    %swap3A_1985 = vector.shape_cast %get3A_1820 : vector<16xf32> to vector<1x1x16xf32>
    tpu.vector_store %arg7[%swap3A_1980, %swap3A_1981, %swap3A_1982], %swap3A_1985 {strides = array<i32>} : memref<4x2x512xf32, #tpu.memory_space<vmem>>, vector<1x1x16xf32>,
    %swap3A_1986 = arith.constant 0 : i32
    %swap3A_1987 = arith.constant 1 : i32
    %swap3A_1988 = arith.index_cast %swap3A_1986 : i32 to index
    %swap3A_1989 = arith.index_cast %swap3A_1987 : i32 to index
    %swap3A_1990 = arith.constant 496 : index
    %swap3A_1991 = tpu.vector_load %arg7[%swap3A_1988, %swap3A_1989, %swap3A_1990] {strides = array<i32>} : memref<4x2x512xf32, #tpu.memory_space<vmem>>, vector<1x1x16xf32>,
    %swap3A_1992 = vector.shape_cast %swap3A_1991 : vector<1x1x16xf32> to vector<16xf32>
    %swap3A_1993 = vector.shape_cast %get3A_1825 : vector<16xf32> to vector<1x1x16xf32>
    tpu.vector_store %arg7[%swap3A_1988, %swap3A_1989, %swap3A_1990], %swap3A_1993 {strides = array<i32>} : memref<4x2x512xf32, #tpu.memory_space<vmem>>, vector<1x1x16xf32>,
    %swap3A_1994 = arith.constant 1 : i32
    %swap3A_1995 = arith.constant 0 : i32
    %swap3A_1996 = arith.index_cast %swap3A_1994 : i32 to index
    %swap3A_1997 = arith.index_cast %swap3A_1995 : i32 to index
    %swap3A_1998 = arith.constant 384 : index
    %swap3A_1999 = tpu.vector_load %arg7[%swap3A_1996, %swap3A_1997, %swap3A_1998] {strides = array<i32>} : memref<4x2x512xf32, #tpu.memory_space<vmem>>, vector<1x1x16xf32>,
    %swap3A_2000 = vector.shape_cast %swap3A_1999 : vector<1x1x16xf32> to vector<16xf32>
    %swap3A_2001 = vector.shape_cast %get3A_1790 : vector<16xf32> to vector<1x1x16xf32>
    tpu.vector_store %arg7[%swap3A_1996, %swap3A_1997, %swap3A_1998], %swap3A_2001 {strides = array<i32>} : memref<4x2x512xf32, #tpu.memory_space<vmem>>, vector<1x1x16xf32>,
    %swap3A_2002 = arith.constant 1 : i32
    %swap3A_2003 = arith.constant 0 : i32
    %swap3A_2004 = arith.index_cast %swap3A_2002 : i32 to index
    %swap3A_2005 = arith.index_cast %swap3A_2003 : i32 to index
    %swap3A_2006 = arith.constant 400 : index
    %swap3A_2007 = tpu.vector_load %arg7[%swap3A_2004, %swap3A_2005, %swap3A_2006] {strides = array<i32>} : memref<4x2x512xf32, #tpu.memory_space<vmem>>, vector<1x1x16xf32>,
    %swap3A_2008 = vector.shape_cast %swap3A_2007 : vector<1x1x16xf32> to vector<16xf32>
    %swap3A_2009 = vector.shape_cast %get3A_1795 : vector<16xf32> to vector<1x1x16xf32>
    tpu.vector_store %arg7[%swap3A_2004, %swap3A_2005, %swap3A_2006], %swap3A_2009 {strides = array<i32>} : memref<4x2x512xf32, #tpu.memory_space<vmem>>, vector<1x1x16xf32>,
    %swap3A_2010 = arith.constant 1 : i32
    %swap3A_2011 = arith.constant 0 : i32
    %swap3A_2012 = arith.index_cast %swap3A_2010 : i32 to index
    %swap3A_2013 = arith.index_cast %swap3A_2011 : i32 to index
    %swap3A_2014 = arith.constant 416 : index
    %swap3A_2015 = tpu.vector_load %arg7[%swap3A_2012, %swap3A_2013, %swap3A_2014] {strides = array<i32>} : memref<4x2x512xf32, #tpu.memory_space<vmem>>, vector<1x1x16xf32>,
    %swap3A_2016 = vector.shape_cast %swap3A_2015 : vector<1x1x16xf32> to vector<16xf32>
    %swap3A_2017 = vector.shape_cast %get3A_1800 : vector<16xf32> to vector<1x1x16xf32>
    tpu.vector_store %arg7[%swap3A_2012, %swap3A_2013, %swap3A_2014], %swap3A_2017 {strides = array<i32>} : memref<4x2x512xf32, #tpu.memory_space<vmem>>, vector<1x1x16xf32>,
    %swap3A_2018 = arith.constant 1 : i32
    %swap3A_2019 = arith.constant 0 : i32
    %swap3A_2020 = arith.index_cast %swap3A_2018 : i32 to index
    %swap3A_2021 = arith.index_cast %swap3A_2019 : i32 to index
    %swap3A_2022 = arith.constant 432 : index
    %swap3A_2023 = tpu.vector_load %arg7[%swap3A_2020, %swap3A_2021, %swap3A_2022] {strides = array<i32>} : memref<4x2x512xf32, #tpu.memory_space<vmem>>, vector<1x1x16xf32>,
    %swap3A_2024 = vector.shape_cast %swap3A_2023 : vector<1x1x16xf32> to vector<16xf32>
    %swap3A_2025 = vector.shape_cast %get3A_1805 : vector<16xf32> to vector<1x1x16xf32>
    tpu.vector_store %arg7[%swap3A_2020, %swap3A_2021, %swap3A_2022], %swap3A_2025 {strides = array<i32>} : memref<4x2x512xf32, #tpu.memory_space<vmem>>, vector<1x1x16xf32>,
    %swap3A_2026 = arith.constant 1 : i32
    %swap3A_2027 = arith.constant 0 : i32
    %swap3A_2028 = arith.index_cast %swap3A_2026 : i32 to index
    %swap3A_2029 = arith.index_cast %swap3A_2027 : i32 to index
    %swap3A_2030 = arith.constant 448 : index
    %swap3A_2031 = tpu.vector_load %arg7[%swap3A_2028, %swap3A_2029, %swap3A_2030] {strides = array<i32>} : memref<4x2x512xf32, #tpu.memory_space<vmem>>, vector<1x1x16xf32>,
    %swap3A_2032 = vector.shape_cast %swap3A_2031 : vector<1x1x16xf32> to vector<16xf32>
    %swap3A_2033 = vector.shape_cast %get3A_1810 : vector<16xf32> to vector<1x1x16xf32>
    tpu.vector_store %arg7[%swap3A_2028, %swap3A_2029, %swap3A_2030], %swap3A_2033 {strides = array<i32>} : memref<4x2x512xf32, #tpu.memory_space<vmem>>, vector<1x1x16xf32>,
    %swap3A_2034 = arith.constant 1 : i32
    %swap3A_2035 = arith.constant 0 : i32
    %swap3A_2036 = arith.index_cast %swap3A_2034 : i32 to index
    %swap3A_2037 = arith.index_cast %swap3A_2035 : i32 to index
    %swap3A_2038 = arith.constant 464 : index
    %swap3A_2039 = tpu.vector_load %arg7[%swap3A_2036, %swap3A_2037, %swap3A_2038] {strides = array<i32>} : memref<4x2x512xf32, #tpu.memory_space<vmem>>, vector<1x1x16xf32>,
    %swap3A_2040 = vector.shape_cast %swap3A_2039 : vector<1x1x16xf32> to vector<16xf32>
    %swap3A_2041 = vector.shape_cast %get3A_1815 : vector<16xf32> to vector<1x1x16xf32>
    tpu.vector_store %arg7[%swap3A_2036, %swap3A_2037, %swap3A_2038], %swap3A_2041 {strides = array<i32>} : memref<4x2x512xf32, #tpu.memory_space<vmem>>, vector<1x1x16xf32>,
    %swap3A_2042 = arith.constant 1 : i32
    %swap3A_2043 = arith.constant 0 : i32
    %swap3A_2044 = arith.index_cast %swap3A_2042 : i32 to index
    %swap3A_2045 = arith.index_cast %swap3A_2043 : i32 to index
    %swap3A_2046 = arith.constant 480 : index
    %swap3A_2047 = tpu.vector_load %arg7[%swap3A_2044, %swap3A_2045, %swap3A_2046] {strides = array<i32>} : memref<4x2x512xf32, #tpu.memory_space<vmem>>, vector<1x1x16xf32>,
    %swap3A_2048 = vector.shape_cast %swap3A_2047 : vector<1x1x16xf32> to vector<16xf32>
    %swap3A_2049 = vector.shape_cast %get3A_1820 : vector<16xf32> to vector<1x1x16xf32>
    tpu.vector_store %arg7[%swap3A_2044, %swap3A_2045, %swap3A_2046], %swap3A_2049 {strides = array<i32>} : memref<4x2x512xf32, #tpu.memory_space<vmem>>, vector<1x1x16xf32>,
    %swap3A_2050 = arith.constant 1 : i32
    %swap3A_2051 = arith.constant 0 : i32
    %swap3A_2052 = arith.index_cast %swap3A_2050 : i32 to index
    %swap3A_2053 = arith.index_cast %swap3A_2051 : i32 to index
    %swap3A_2054 = arith.constant 496 : index
    %swap3A_2055 = tpu.vector_load %arg7[%swap3A_2052, %swap3A_2053, %swap3A_2054] {strides = array<i32>} : memref<4x2x512xf32, #tpu.memory_space<vmem>>, vector<1x1x16xf32>,
    %swap3A_2056 = vector.shape_cast %swap3A_2055 : vector<1x1x16xf32> to vector<16xf32>
    %swap3A_2057 = vector.shape_cast %get3A_1825 : vector<16xf32> to vector<1x1x16xf32>
    tpu.vector_store %arg7[%swap3A_2052, %swap3A_2053, %swap3A_2054], %swap3A_2057 {strides = array<i32>} : memref<4x2x512xf32, #tpu.memory_space<vmem>>, vector<1x1x16xf32>,
    %swap3A_2058 = arith.constant 1 : i32
    %swap3A_2059 = arith.constant 1 : i32
    %swap3A_2060 = arith.index_cast %swap3A_2058 : i32 to index
    %swap3A_2061 = arith.index_cast %swap3A_2059 : i32 to index
    %swap3A_2062 = arith.constant 384 : index
    %swap3A_2063 = tpu.vector_load %arg7[%swap3A_2060, %swap3A_2061, %swap3A_2062] {strides = array<i32>} : memref<4x2x512xf32, #tpu.memory_space<vmem>>, vector<1x1x16xf32>,
    %swap3A_2064 = vector.shape_cast %swap3A_2063 : vector<1x1x16xf32> to vector<16xf32>
    %swap3A_2065 = vector.shape_cast %get3A_1830 : vector<16xf32> to vector<1x1x16xf32>
    tpu.vector_store %arg7[%swap3A_2060, %swap3A_2061, %swap3A_2062], %swap3A_2065 {strides = array<i32>} : memref<4x2x512xf32, #tpu.memory_space<vmem>>, vector<1x1x16xf32>,
    %swap3A_2066 = arith.constant 1 : i32
    %swap3A_2067 = arith.constant 1 : i32
    %swap3A_2068 = arith.index_cast %swap3A_2066 : i32 to index
    %swap3A_2069 = arith.index_cast %swap3A_2067 : i32 to index
    %swap3A_2070 = arith.constant 400 : index
    %swap3A_2071 = tpu.vector_load %arg7[%swap3A_2068, %swap3A_2069, %swap3A_2070] {strides = array<i32>} : memref<4x2x512xf32, #tpu.memory_space<vmem>>, vector<1x1x16xf32>,
    %swap3A_2072 = vector.shape_cast %swap3A_2071 : vector<1x1x16xf32> to vector<16xf32>
    %swap3A_2073 = vector.shape_cast %get3A_1835 : vector<16xf32> to vector<1x1x16xf32>
    tpu.vector_store %arg7[%swap3A_2068, %swap3A_2069, %swap3A_2070], %swap3A_2073 {strides = array<i32>} : memref<4x2x512xf32, #tpu.memory_space<vmem>>, vector<1x1x16xf32>,
    %swap3A_2074 = arith.constant 1 : i32
    %swap3A_2075 = arith.constant 1 : i32
    %swap3A_2076 = arith.index_cast %swap3A_2074 : i32 to index
    %swap3A_2077 = arith.index_cast %swap3A_2075 : i32 to index
    %swap3A_2078 = arith.constant 416 : index
    %swap3A_2079 = tpu.vector_load %arg7[%swap3A_2076, %swap3A_2077, %swap3A_2078] {strides = array<i32>} : memref<4x2x512xf32, #tpu.memory_space<vmem>>, vector<1x1x16xf32>,
    %swap3A_2080 = vector.shape_cast %swap3A_2079 : vector<1x1x16xf32> to vector<16xf32>
    %swap3A_2081 = vector.shape_cast %get3A_1840 : vector<16xf32> to vector<1x1x16xf32>
    tpu.vector_store %arg7[%swap3A_2076, %swap3A_2077, %swap3A_2078], %swap3A_2081 {strides = array<i32>} : memref<4x2x512xf32, #tpu.memory_space<vmem>>, vector<1x1x16xf32>,
    %swap3A_2082 = arith.constant 1 : i32
    %swap3A_2083 = arith.constant 1 : i32
    %swap3A_2084 = arith.index_cast %swap3A_2082 : i32 to index
    %swap3A_2085 = arith.index_cast %swap3A_2083 : i32 to index
    %swap3A_2086 = arith.constant 432 : index
    %swap3A_2087 = tpu.vector_load %arg7[%swap3A_2084, %swap3A_2085, %swap3A_2086] {strides = array<i32>} : memref<4x2x512xf32, #tpu.memory_space<vmem>>, vector<1x1x16xf32>,
    %swap3A_2088 = vector.shape_cast %swap3A_2087 : vector<1x1x16xf32> to vector<16xf32>
    %swap3A_2089 = vector.shape_cast %get3A_1845 : vector<16xf32> to vector<1x1x16xf32>
    tpu.vector_store %arg7[%swap3A_2084, %swap3A_2085, %swap3A_2086], %swap3A_2089 {strides = array<i32>} : memref<4x2x512xf32, #tpu.memory_space<vmem>>, vector<1x1x16xf32>,
    %swap3A_2090 = arith.constant 1 : i32
    %swap3A_2091 = arith.constant 1 : i32
    %swap3A_2092 = arith.index_cast %swap3A_2090 : i32 to index
    %swap3A_2093 = arith.index_cast %swap3A_2091 : i32 to index
    %swap3A_2094 = arith.constant 448 : index
    %swap3A_2095 = tpu.vector_load %arg7[%swap3A_2092, %swap3A_2093, %swap3A_2094] {strides = array<i32>} : memref<4x2x512xf32, #tpu.memory_space<vmem>>, vector<1x1x16xf32>,
    %swap3A_2096 = vector.shape_cast %swap3A_2095 : vector<1x1x16xf32> to vector<16xf32>
    %swap3A_2097 = vector.shape_cast %get3A_1850 : vector<16xf32> to vector<1x1x16xf32>
    tpu.vector_store %arg7[%swap3A_2092, %swap3A_2093, %swap3A_2094], %swap3A_2097 {strides = array<i32>} : memref<4x2x512xf32, #tpu.memory_space<vmem>>, vector<1x1x16xf32>,
    %swap3A_2098 = arith.constant 1 : i32
    %swap3A_2099 = arith.constant 1 : i32
    %swap3A_2100 = arith.index_cast %swap3A_2098 : i32 to index
    %swap3A_2101 = arith.index_cast %swap3A_2099 : i32 to index
    %swap3A_2102 = arith.constant 464 : index
    %swap3A_2103 = tpu.vector_load %arg7[%swap3A_2100, %swap3A_2101, %swap3A_2102] {strides = array<i32>} : memref<4x2x512xf32, #tpu.memory_space<vmem>>, vector<1x1x16xf32>,
    %swap3A_2104 = vector.shape_cast %swap3A_2103 : vector<1x1x16xf32> to vector<16xf32>
    %swap3A_2105 = vector.shape_cast %get3A_1855 : vector<16xf32> to vector<1x1x16xf32>
    tpu.vector_store %arg7[%swap3A_2100, %swap3A_2101, %swap3A_2102], %swap3A_2105 {strides = array<i32>} : memref<4x2x512xf32, #tpu.memory_space<vmem>>, vector<1x1x16xf32>,
    %swap3A_2106 = arith.constant 1 : i32
    %swap3A_2107 = arith.constant 1 : i32
    %swap3A_2108 = arith.index_cast %swap3A_2106 : i32 to index
    %swap3A_2109 = arith.index_cast %swap3A_2107 : i32 to index
    %swap3A_2110 = arith.constant 480 : index
    %swap3A_2111 = tpu.vector_load %arg7[%swap3A_2108, %swap3A_2109, %swap3A_2110] {strides = array<i32>} : memref<4x2x512xf32, #tpu.memory_space<vmem>>, vector<1x1x16xf32>,
    %swap3A_2112 = vector.shape_cast %swap3A_2111 : vector<1x1x16xf32> to vector<16xf32>
    %swap3A_2113 = vector.shape_cast %get3A_1860 : vector<16xf32> to vector<1x1x16xf32>
    tpu.vector_store %arg7[%swap3A_2108, %swap3A_2109, %swap3A_2110], %swap3A_2113 {strides = array<i32>} : memref<4x2x512xf32, #tpu.memory_space<vmem>>, vector<1x1x16xf32>,
    %swap3A_2114 = arith.constant 1 : i32
    %swap3A_2115 = arith.constant 1 : i32
    %swap3A_2116 = arith.index_cast %swap3A_2114 : i32 to index
    %swap3A_2117 = arith.index_cast %swap3A_2115 : i32 to index
    %swap3A_2118 = arith.constant 496 : index
    %swap3A_2119 = tpu.vector_load %arg7[%swap3A_2116, %swap3A_2117, %swap3A_2118] {strides = array<i32>} : memref<4x2x512xf32, #tpu.memory_space<vmem>>, vector<1x1x16xf32>,
    %swap3A_2120 = vector.shape_cast %swap3A_2119 : vector<1x1x16xf32> to vector<16xf32>
    %swap3A_2121 = vector.shape_cast %get3A_1865 : vector<16xf32> to vector<1x1x16xf32>
    tpu.vector_store %arg7[%swap3A_2116, %swap3A_2117, %swap3A_2118], %swap3A_2121 {strides = array<i32>} : memref<4x2x512xf32, #tpu.memory_space<vmem>>, vector<1x1x16xf32>,
    %swap3A_2122 = arith.constant 2 : i32
    %swap3A_2123 = arith.constant 0 : i32
    %swap3A_2124 = arith.index_cast %swap3A_2122 : i32 to index
    %swap3A_2125 = arith.index_cast %swap3A_2123 : i32 to index
    %swap3A_2126 = arith.constant 384 : index
    %swap3A_2127 = tpu.vector_load %arg7[%swap3A_2124, %swap3A_2125, %swap3A_2126] {strides = array<i32>} : memref<4x2x512xf32, #tpu.memory_space<vmem>>, vector<1x1x16xf32>,
    %swap3A_2128 = vector.shape_cast %swap3A_2127 : vector<1x1x16xf32> to vector<16xf32>
    %swap3A_2129 = vector.shape_cast %get3A_1830 : vector<16xf32> to vector<1x1x16xf32>
    tpu.vector_store %arg7[%swap3A_2124, %swap3A_2125, %swap3A_2126], %swap3A_2129 {strides = array<i32>} : memref<4x2x512xf32, #tpu.memory_space<vmem>>, vector<1x1x16xf32>,
    %swap3A_2130 = arith.constant 2 : i32
    %swap3A_2131 = arith.constant 0 : i32
    %swap3A_2132 = arith.index_cast %swap3A_2130 : i32 to index
    %swap3A_2133 = arith.index_cast %swap3A_2131 : i32 to index
    %swap3A_2134 = arith.constant 400 : index
    %swap3A_2135 = tpu.vector_load %arg7[%swap3A_2132, %swap3A_2133, %swap3A_2134] {strides = array<i32>} : memref<4x2x512xf32, #tpu.memory_space<vmem>>, vector<1x1x16xf32>,
    %swap3A_2136 = vector.shape_cast %swap3A_2135 : vector<1x1x16xf32> to vector<16xf32>
    %swap3A_2137 = vector.shape_cast %get3A_1835 : vector<16xf32> to vector<1x1x16xf32>
    tpu.vector_store %arg7[%swap3A_2132, %swap3A_2133, %swap3A_2134], %swap3A_2137 {strides = array<i32>} : memref<4x2x512xf32, #tpu.memory_space<vmem>>, vector<1x1x16xf32>,
    %swap3A_2138 = arith.constant 2 : i32
    %swap3A_2139 = arith.constant 0 : i32
    %swap3A_2140 = arith.index_cast %swap3A_2138 : i32 to index
    %swap3A_2141 = arith.index_cast %swap3A_2139 : i32 to index
    %swap3A_2142 = arith.constant 416 : index
    %swap3A_2143 = tpu.vector_load %arg7[%swap3A_2140, %swap3A_2141, %swap3A_2142] {strides = array<i32>} : memref<4x2x512xf32, #tpu.memory_space<vmem>>, vector<1x1x16xf32>,
    %swap3A_2144 = vector.shape_cast %swap3A_2143 : vector<1x1x16xf32> to vector<16xf32>
    %swap3A_2145 = vector.shape_cast %get3A_1840 : vector<16xf32> to vector<1x1x16xf32>
    tpu.vector_store %arg7[%swap3A_2140, %swap3A_2141, %swap3A_2142], %swap3A_2145 {strides = array<i32>} : memref<4x2x512xf32, #tpu.memory_space<vmem>>, vector<1x1x16xf32>,
    %swap3A_2146 = arith.constant 2 : i32
    %swap3A_2147 = arith.constant 0 : i32
    %swap3A_2148 = arith.index_cast %swap3A_2146 : i32 to index
    %swap3A_2149 = arith.index_cast %swap3A_2147 : i32 to index
    %swap3A_2150 = arith.constant 432 : index
    %swap3A_2151 = tpu.vector_load %arg7[%swap3A_2148, %swap3A_2149, %swap3A_2150] {strides = array<i32>} : memref<4x2x512xf32, #tpu.memory_space<vmem>>, vector<1x1x16xf32>,
    %swap3A_2152 = vector.shape_cast %swap3A_2151 : vector<1x1x16xf32> to vector<16xf32>
    %swap3A_2153 = vector.shape_cast %get3A_1845 : vector<16xf32> to vector<1x1x16xf32>
    tpu.vector_store %arg7[%swap3A_2148, %swap3A_2149, %swap3A_2150], %swap3A_2153 {strides = array<i32>} : memref<4x2x512xf32, #tpu.memory_space<vmem>>, vector<1x1x16xf32>,
    %swap3A_2154 = arith.constant 2 : i32
    %swap3A_2155 = arith.constant 0 : i32
    %swap3A_2156 = arith.index_cast %swap3A_2154 : i32 to index
    %swap3A_2157 = arith.index_cast %swap3A_2155 : i32 to index
    %swap3A_2158 = arith.constant 448 : index
    %swap3A_2159 = tpu.vector_load %arg7[%swap3A_2156, %swap3A_2157, %swap3A_2158] {strides = array<i32>} : memref<4x2x512xf32, #tpu.memory_space<vmem>>, vector<1x1x16xf32>,
    %swap3A_2160 = vector.shape_cast %swap3A_2159 : vector<1x1x16xf32> to vector<16xf32>
    %swap3A_2161 = vector.shape_cast %get3A_1850 : vector<16xf32> to vector<1x1x16xf32>
    tpu.vector_store %arg7[%swap3A_2156, %swap3A_2157, %swap3A_2158], %swap3A_2161 {strides = array<i32>} : memref<4x2x512xf32, #tpu.memory_space<vmem>>, vector<1x1x16xf32>,
    %swap3A_2162 = arith.constant 2 : i32
    %swap3A_2163 = arith.constant 0 : i32
    %swap3A_2164 = arith.index_cast %swap3A_2162 : i32 to index
    %swap3A_2165 = arith.index_cast %swap3A_2163 : i32 to index
    %swap3A_2166 = arith.constant 464 : index
    %swap3A_2167 = tpu.vector_load %arg7[%swap3A_2164, %swap3A_2165, %swap3A_2166] {strides = array<i32>} : memref<4x2x512xf32, #tpu.memory_space<vmem>>, vector<1x1x16xf32>,
    %swap3A_2168 = vector.shape_cast %swap3A_2167 : vector<1x1x16xf32> to vector<16xf32>
    %swap3A_2169 = vector.shape_cast %get3A_1855 : vector<16xf32> to vector<1x1x16xf32>
    tpu.vector_store %arg7[%swap3A_2164, %swap3A_2165, %swap3A_2166], %swap3A_2169 {strides = array<i32>} : memref<4x2x512xf32, #tpu.memory_space<vmem>>, vector<1x1x16xf32>,
    %swap3A_2170 = arith.constant 2 : i32
    %swap3A_2171 = arith.constant 0 : i32
    %swap3A_2172 = arith.index_cast %swap3A_2170 : i32 to index
    %swap3A_2173 = arith.index_cast %swap3A_2171 : i32 to index
    %swap3A_2174 = arith.constant 480 : index
    %swap3A_2175 = tpu.vector_load %arg7[%swap3A_2172, %swap3A_2173, %swap3A_2174] {strides = array<i32>} : memref<4x2x512xf32, #tpu.memory_space<vmem>>, vector<1x1x16xf32>,
    %swap3A_2176 = vector.shape_cast %swap3A_2175 : vector<1x1x16xf32> to vector<16xf32>
    %swap3A_2177 = vector.shape_cast %get3A_1860 : vector<16xf32> to vector<1x1x16xf32>
    tpu.vector_store %arg7[%swap3A_2172, %swap3A_2173, %swap3A_2174], %swap3A_2177 {strides = array<i32>} : memref<4x2x512xf32, #tpu.memory_space<vmem>>, vector<1x1x16xf32>,
    %swap3A_2178 = arith.constant 2 : i32
    %swap3A_2179 = arith.constant 0 : i32
    %swap3A_2180 = arith.index_cast %swap3A_2178 : i32 to index
    %swap3A_2181 = arith.index_cast %swap3A_2179 : i32 to index
    %swap3A_2182 = arith.constant 496 : index
    %swap3A_2183 = tpu.vector_load %arg7[%swap3A_2180, %swap3A_2181, %swap3A_2182] {strides = array<i32>} : memref<4x2x512xf32, #tpu.memory_space<vmem>>, vector<1x1x16xf32>,
    %swap3A_2184 = vector.shape_cast %swap3A_2183 : vector<1x1x16xf32> to vector<16xf32>
    %swap3A_2185 = vector.shape_cast %get3A_1865 : vector<16xf32> to vector<1x1x16xf32>
    tpu.vector_store %arg7[%swap3A_2180, %swap3A_2181, %swap3A_2182], %swap3A_2185 {strides = array<i32>} : memref<4x2x512xf32, #tpu.memory_space<vmem>>, vector<1x1x16xf32>,
    %swap3A_2186 = arith.constant 2 : i32
    %swap3A_2187 = arith.constant 1 : i32
    %swap3A_2188 = arith.index_cast %swap3A_2186 : i32 to index
    %swap3A_2189 = arith.index_cast %swap3A_2187 : i32 to index
    %swap3A_2190 = arith.constant 384 : index
    %swap3A_2191 = tpu.vector_load %arg7[%swap3A_2188, %swap3A_2189, %swap3A_2190] {strides = array<i32>} : memref<4x2x512xf32, #tpu.memory_space<vmem>>, vector<1x1x16xf32>,
    %swap3A_2192 = vector.shape_cast %swap3A_2191 : vector<1x1x16xf32> to vector<16xf32>
    %swap3A_2193 = vector.shape_cast %get3A_1790 : vector<16xf32> to vector<1x1x16xf32>
    tpu.vector_store %arg7[%swap3A_2188, %swap3A_2189, %swap3A_2190], %swap3A_2193 {strides = array<i32>} : memref<4x2x512xf32, #tpu.memory_space<vmem>>, vector<1x1x16xf32>,
    %swap3A_2194 = arith.constant 2 : i32
    %swap3A_2195 = arith.constant 1 : i32
    %swap3A_2196 = arith.index_cast %swap3A_2194 : i32 to index
    %swap3A_2197 = arith.index_cast %swap3A_2195 : i32 to index
    %swap3A_2198 = arith.constant 400 : index
    %swap3A_2199 = tpu.vector_load %arg7[%swap3A_2196, %swap3A_2197, %swap3A_2198] {strides = array<i32>} : memref<4x2x512xf32, #tpu.memory_space<vmem>>, vector<1x1x16xf32>,
    %swap3A_2200 = vector.shape_cast %swap3A_2199 : vector<1x1x16xf32> to vector<16xf32>
    %swap3A_2201 = vector.shape_cast %get3A_1795 : vector<16xf32> to vector<1x1x16xf32>
    tpu.vector_store %arg7[%swap3A_2196, %swap3A_2197, %swap3A_2198], %swap3A_2201 {strides = array<i32>} : memref<4x2x512xf32, #tpu.memory_space<vmem>>, vector<1x1x16xf32>,
    %swap3A_2202 = arith.constant 2 : i32
    %swap3A_2203 = arith.constant 1 : i32
    %swap3A_2204 = arith.index_cast %swap3A_2202 : i32 to index
    %swap3A_2205 = arith.index_cast %swap3A_2203 : i32 to index
    %swap3A_2206 = arith.constant 416 : index
    %swap3A_2207 = tpu.vector_load %arg7[%swap3A_2204, %swap3A_2205, %swap3A_2206] {strides = array<i32>} : memref<4x2x512xf32, #tpu.memory_space<vmem>>, vector<1x1x16xf32>,
    %swap3A_2208 = vector.shape_cast %swap3A_2207 : vector<1x1x16xf32> to vector<16xf32>
    %swap3A_2209 = vector.shape_cast %get3A_1800 : vector<16xf32> to vector<1x1x16xf32>
    tpu.vector_store %arg7[%swap3A_2204, %swap3A_2205, %swap3A_2206], %swap3A_2209 {strides = array<i32>} : memref<4x2x512xf32, #tpu.memory_space<vmem>>, vector<1x1x16xf32>,
    %swap3A_2210 = arith.constant 2 : i32
    %swap3A_2211 = arith.constant 1 : i32
    %swap3A_2212 = arith.index_cast %swap3A_2210 : i32 to index
    %swap3A_2213 = arith.index_cast %swap3A_2211 : i32 to index
    %swap3A_2214 = arith.constant 432 : index
    %swap3A_2215 = tpu.vector_load %arg7[%swap3A_2212, %swap3A_2213, %swap3A_2214] {strides = array<i32>} : memref<4x2x512xf32, #tpu.memory_space<vmem>>, vector<1x1x16xf32>,
    %swap3A_2216 = vector.shape_cast %swap3A_2215 : vector<1x1x16xf32> to vector<16xf32>
    %swap3A_2217 = vector.shape_cast %get3A_1805 : vector<16xf32> to vector<1x1x16xf32>
    tpu.vector_store %arg7[%swap3A_2212, %swap3A_2213, %swap3A_2214], %swap3A_2217 {strides = array<i32>} : memref<4x2x512xf32, #tpu.memory_space<vmem>>, vector<1x1x16xf32>,
    %swap3A_2218 = arith.constant 2 : i32
    %swap3A_2219 = arith.constant 1 : i32
    %swap3A_2220 = arith.index_cast %swap3A_2218 : i32 to index
    %swap3A_2221 = arith.index_cast %swap3A_2219 : i32 to index
    %swap3A_2222 = arith.constant 448 : index
    %swap3A_2223 = tpu.vector_load %arg7[%swap3A_2220, %swap3A_2221, %swap3A_2222] {strides = array<i32>} : memref<4x2x512xf32, #tpu.memory_space<vmem>>, vector<1x1x16xf32>,
    %swap3A_2224 = vector.shape_cast %swap3A_2223 : vector<1x1x16xf32> to vector<16xf32>
    %swap3A_2225 = vector.shape_cast %get3A_1810 : vector<16xf32> to vector<1x1x16xf32>
    tpu.vector_store %arg7[%swap3A_2220, %swap3A_2221, %swap3A_2222], %swap3A_2225 {strides = array<i32>} : memref<4x2x512xf32, #tpu.memory_space<vmem>>, vector<1x1x16xf32>,
    %swap3A_2226 = arith.constant 2 : i32
    %swap3A_2227 = arith.constant 1 : i32
    %swap3A_2228 = arith.index_cast %swap3A_2226 : i32 to index
    %swap3A_2229 = arith.index_cast %swap3A_2227 : i32 to index
    %swap3A_2230 = arith.constant 464 : index
    %swap3A_2231 = tpu.vector_load %arg7[%swap3A_2228, %swap3A_2229, %swap3A_2230] {strides = array<i32>} : memref<4x2x512xf32, #tpu.memory_space<vmem>>, vector<1x1x16xf32>,
    %swap3A_2232 = vector.shape_cast %swap3A_2231 : vector<1x1x16xf32> to vector<16xf32>
    %swap3A_2233 = vector.shape_cast %get3A_1815 : vector<16xf32> to vector<1x1x16xf32>
    tpu.vector_store %arg7[%swap3A_2228, %swap3A_2229, %swap3A_2230], %swap3A_2233 {strides = array<i32>} : memref<4x2x512xf32, #tpu.memory_space<vmem>>, vector<1x1x16xf32>,
    %swap3A_2234 = arith.constant 2 : i32
    %swap3A_2235 = arith.constant 1 : i32
    %swap3A_2236 = arith.index_cast %swap3A_2234 : i32 to index
    %swap3A_2237 = arith.index_cast %swap3A_2235 : i32 to index
    %swap3A_2238 = arith.constant 480 : index
    %swap3A_2239 = tpu.vector_load %arg7[%swap3A_2236, %swap3A_2237, %swap3A_2238] {strides = array<i32>} : memref<4x2x512xf32, #tpu.memory_space<vmem>>, vector<1x1x16xf32>,
    %swap3A_2240 = vector.shape_cast %swap3A_2239 : vector<1x1x16xf32> to vector<16xf32>
    %swap3A_2241 = vector.shape_cast %get3A_1820 : vector<16xf32> to vector<1x1x16xf32>
    tpu.vector_store %arg7[%swap3A_2236, %swap3A_2237, %swap3A_2238], %swap3A_2241 {strides = array<i32>} : memref<4x2x512xf32, #tpu.memory_space<vmem>>, vector<1x1x16xf32>,
    %swap3A_2242 = arith.constant 2 : i32
    %swap3A_2243 = arith.constant 1 : i32
    %swap3A_2244 = arith.index_cast %swap3A_2242 : i32 to index
    %swap3A_2245 = arith.index_cast %swap3A_2243 : i32 to index
    %swap3A_2246 = arith.constant 496 : index
    %swap3A_2247 = tpu.vector_load %arg7[%swap3A_2244, %swap3A_2245, %swap3A_2246] {strides = array<i32>} : memref<4x2x512xf32, #tpu.memory_space<vmem>>, vector<1x1x16xf32>,
    %swap3A_2248 = vector.shape_cast %swap3A_2247 : vector<1x1x16xf32> to vector<16xf32>
    %swap3A_2249 = vector.shape_cast %get3A_1825 : vector<16xf32> to vector<1x1x16xf32>
    tpu.vector_store %arg7[%swap3A_2244, %swap3A_2245, %swap3A_2246], %swap3A_2249 {strides = array<i32>} : memref<4x2x512xf32, #tpu.memory_space<vmem>>, vector<1x1x16xf32>,
    %swap3A_2250 = arith.constant 3 : i32
    %swap3A_2251 = arith.constant 0 : i32
    %swap3A_2252 = arith.index_cast %swap3A_2250 : i32 to index
    %swap3A_2253 = arith.index_cast %swap3A_2251 : i32 to index
    %swap3A_2254 = arith.constant 384 : index
    %swap3A_2255 = tpu.vector_load %arg7[%swap3A_2252, %swap3A_2253, %swap3A_2254] {strides = array<i32>} : memref<4x2x512xf32, #tpu.memory_space<vmem>>, vector<1x1x16xf32>,
    %swap3A_2256 = vector.shape_cast %swap3A_2255 : vector<1x1x16xf32> to vector<16xf32>
    %swap3A_2257 = vector.shape_cast %get3A_1830 : vector<16xf32> to vector<1x1x16xf32>
    tpu.vector_store %arg7[%swap3A_2252, %swap3A_2253, %swap3A_2254], %swap3A_2257 {strides = array<i32>} : memref<4x2x512xf32, #tpu.memory_space<vmem>>, vector<1x1x16xf32>,
    %swap3A_2258 = arith.constant 3 : i32
    %swap3A_2259 = arith.constant 0 : i32
    %swap3A_2260 = arith.index_cast %swap3A_2258 : i32 to index
    %swap3A_2261 = arith.index_cast %swap3A_2259 : i32 to index
    %swap3A_2262 = arith.constant 400 : index
    %swap3A_2263 = tpu.vector_load %arg7[%swap3A_2260, %swap3A_2261, %swap3A_2262] {strides = array<i32>} : memref<4x2x512xf32, #tpu.memory_space<vmem>>, vector<1x1x16xf32>,
    %swap3A_2264 = vector.shape_cast %swap3A_2263 : vector<1x1x16xf32> to vector<16xf32>
    %swap3A_2265 = vector.shape_cast %get3A_1835 : vector<16xf32> to vector<1x1x16xf32>
    tpu.vector_store %arg7[%swap3A_2260, %swap3A_2261, %swap3A_2262], %swap3A_2265 {strides = array<i32>} : memref<4x2x512xf32, #tpu.memory_space<vmem>>, vector<1x1x16xf32>,
    %swap3A_2266 = arith.constant 3 : i32
    %swap3A_2267 = arith.constant 0 : i32
    %swap3A_2268 = arith.index_cast %swap3A_2266 : i32 to index
    %swap3A_2269 = arith.index_cast %swap3A_2267 : i32 to index
    %swap3A_2270 = arith.constant 416 : index
    %swap3A_2271 = tpu.vector_load %arg7[%swap3A_2268, %swap3A_2269, %swap3A_2270] {strides = array<i32>} : memref<4x2x512xf32, #tpu.memory_space<vmem>>, vector<1x1x16xf32>,
    %swap3A_2272 = vector.shape_cast %swap3A_2271 : vector<1x1x16xf32> to vector<16xf32>
    %swap3A_2273 = vector.shape_cast %get3A_1840 : vector<16xf32> to vector<1x1x16xf32>
    tpu.vector_store %arg7[%swap3A_2268, %swap3A_2269, %swap3A_2270], %swap3A_2273 {strides = array<i32>} : memref<4x2x512xf32, #tpu.memory_space<vmem>>, vector<1x1x16xf32>,
    %swap3A_2274 = arith.constant 3 : i32
    %swap3A_2275 = arith.constant 0 : i32
    %swap3A_2276 = arith.index_cast %swap3A_2274 : i32 to index
    %swap3A_2277 = arith.index_cast %swap3A_2275 : i32 to index
    %swap3A_2278 = arith.constant 432 : index
    %swap3A_2279 = tpu.vector_load %arg7[%swap3A_2276, %swap3A_2277, %swap3A_2278] {strides = array<i32>} : memref<4x2x512xf32, #tpu.memory_space<vmem>>, vector<1x1x16xf32>,
    %swap3A_2280 = vector.shape_cast %swap3A_2279 : vector<1x1x16xf32> to vector<16xf32>
    %swap3A_2281 = vector.shape_cast %get3A_1845 : vector<16xf32> to vector<1x1x16xf32>
    tpu.vector_store %arg7[%swap3A_2276, %swap3A_2277, %swap3A_2278], %swap3A_2281 {strides = array<i32>} : memref<4x2x512xf32, #tpu.memory_space<vmem>>, vector<1x1x16xf32>,
    %swap3A_2282 = arith.constant 3 : i32
    %swap3A_2283 = arith.constant 0 : i32
    %swap3A_2284 = arith.index_cast %swap3A_2282 : i32 to index
    %swap3A_2285 = arith.index_cast %swap3A_2283 : i32 to index
    %swap3A_2286 = arith.constant 448 : index
    %swap3A_2287 = tpu.vector_load %arg7[%swap3A_2284, %swap3A_2285, %swap3A_2286] {strides = array<i32>} : memref<4x2x512xf32, #tpu.memory_space<vmem>>, vector<1x1x16xf32>,
    %swap3A_2288 = vector.shape_cast %swap3A_2287 : vector<1x1x16xf32> to vector<16xf32>
    %swap3A_2289 = vector.shape_cast %get3A_1850 : vector<16xf32> to vector<1x1x16xf32>
    tpu.vector_store %arg7[%swap3A_2284, %swap3A_2285, %swap3A_2286], %swap3A_2289 {strides = array<i32>} : memref<4x2x512xf32, #tpu.memory_space<vmem>>, vector<1x1x16xf32>,
    %swap3A_2290 = arith.constant 3 : i32
    %swap3A_2291 = arith.constant 0 : i32
    %swap3A_2292 = arith.index_cast %swap3A_2290 : i32 to index
    %swap3A_2293 = arith.index_cast %swap3A_2291 : i32 to index
    %swap3A_2294 = arith.constant 464 : index
    %swap3A_2295 = tpu.vector_load %arg7[%swap3A_2292, %swap3A_2293, %swap3A_2294] {strides = array<i32>} : memref<4x2x512xf32, #tpu.memory_space<vmem>>, vector<1x1x16xf32>,
    %swap3A_2296 = vector.shape_cast %swap3A_2295 : vector<1x1x16xf32> to vector<16xf32>
    %swap3A_2297 = vector.shape_cast %get3A_1855 : vector<16xf32> to vector<1x1x16xf32>
    tpu.vector_store %arg7[%swap3A_2292, %swap3A_2293, %swap3A_2294], %swap3A_2297 {strides = array<i32>} : memref<4x2x512xf32, #tpu.memory_space<vmem>>, vector<1x1x16xf32>,
    %swap3A_2298 = arith.constant 3 : i32
    %swap3A_2299 = arith.constant 0 : i32
    %swap3A_2300 = arith.index_cast %swap3A_2298 : i32 to index
    %swap3A_2301 = arith.index_cast %swap3A_2299 : i32 to index
    %swap3A_2302 = arith.constant 480 : index
    %swap3A_2303 = tpu.vector_load %arg7[%swap3A_2300, %swap3A_2301, %swap3A_2302] {strides = array<i32>} : memref<4x2x512xf32, #tpu.memory_space<vmem>>, vector<1x1x16xf32>,
    %swap3A_2304 = vector.shape_cast %swap3A_2303 : vector<1x1x16xf32> to vector<16xf32>
    %swap3A_2305 = vector.shape_cast %get3A_1860 : vector<16xf32> to vector<1x1x16xf32>
    tpu.vector_store %arg7[%swap3A_2300, %swap3A_2301, %swap3A_2302], %swap3A_2305 {strides = array<i32>} : memref<4x2x512xf32, #tpu.memory_space<vmem>>, vector<1x1x16xf32>,
    %swap3A_2306 = arith.constant 3 : i32
    %swap3A_2307 = arith.constant 0 : i32
    %swap3A_2308 = arith.index_cast %swap3A_2306 : i32 to index
    %swap3A_2309 = arith.index_cast %swap3A_2307 : i32 to index
    %swap3A_2310 = arith.constant 496 : index
    %swap3A_2311 = tpu.vector_load %arg7[%swap3A_2308, %swap3A_2309, %swap3A_2310] {strides = array<i32>} : memref<4x2x512xf32, #tpu.memory_space<vmem>>, vector<1x1x16xf32>,
    %swap3A_2312 = vector.shape_cast %swap3A_2311 : vector<1x1x16xf32> to vector<16xf32>
    %swap3A_2313 = vector.shape_cast %get3A_1865 : vector<16xf32> to vector<1x1x16xf32>
    tpu.vector_store %arg7[%swap3A_2308, %swap3A_2309, %swap3A_2310], %swap3A_2313 {strides = array<i32>} : memref<4x2x512xf32, #tpu.memory_space<vmem>>, vector<1x1x16xf32>,
    %swap3A_2314 = arith.constant 3 : i32
    %swap3A_2315 = arith.constant 1 : i32
    %swap3A_2316 = arith.index_cast %swap3A_2314 : i32 to index
    %swap3A_2317 = arith.index_cast %swap3A_2315 : i32 to index
    %swap3A_2318 = arith.constant 384 : index
    %swap3A_2319 = tpu.vector_load %arg7[%swap3A_2316, %swap3A_2317, %swap3A_2318] {strides = array<i32>} : memref<4x2x512xf32, #tpu.memory_space<vmem>>, vector<1x1x16xf32>,
    %swap3A_2320 = vector.shape_cast %swap3A_2319 : vector<1x1x16xf32> to vector<16xf32>
    %swap3A_2321 = vector.shape_cast %get3A_1830 : vector<16xf32> to vector<1x1x16xf32>
    tpu.vector_store %arg7[%swap3A_2316, %swap3A_2317, %swap3A_2318], %swap3A_2321 {strides = array<i32>} : memref<4x2x512xf32, #tpu.memory_space<vmem>>, vector<1x1x16xf32>,
    %swap3A_2322 = arith.constant 3 : i32
    %swap3A_2323 = arith.constant 1 : i32
    %swap3A_2324 = arith.index_cast %swap3A_2322 : i32 to index
    %swap3A_2325 = arith.index_cast %swap3A_2323 : i32 to index
    %swap3A_2326 = arith.constant 400 : index
    %swap3A_2327 = tpu.vector_load %arg7[%swap3A_2324, %swap3A_2325, %swap3A_2326] {strides = array<i32>} : memref<4x2x512xf32, #tpu.memory_space<vmem>>, vector<1x1x16xf32>,
    %swap3A_2328 = vector.shape_cast %swap3A_2327 : vector<1x1x16xf32> to vector<16xf32>
    %swap3A_2329 = vector.shape_cast %get3A_1835 : vector<16xf32> to vector<1x1x16xf32>
    tpu.vector_store %arg7[%swap3A_2324, %swap3A_2325, %swap3A_2326], %swap3A_2329 {strides = array<i32>} : memref<4x2x512xf32, #tpu.memory_space<vmem>>, vector<1x1x16xf32>,
    %swap3A_2330 = arith.constant 3 : i32
    %swap3A_2331 = arith.constant 1 : i32
    %swap3A_2332 = arith.index_cast %swap3A_2330 : i32 to index
    %swap3A_2333 = arith.index_cast %swap3A_2331 : i32 to index
    %swap3A_2334 = arith.constant 416 : index
    %swap3A_2335 = tpu.vector_load %arg7[%swap3A_2332, %swap3A_2333, %swap3A_2334] {strides = array<i32>} : memref<4x2x512xf32, #tpu.memory_space<vmem>>, vector<1x1x16xf32>,
    %swap3A_2336 = vector.shape_cast %swap3A_2335 : vector<1x1x16xf32> to vector<16xf32>
    %swap3A_2337 = vector.shape_cast %get3A_1840 : vector<16xf32> to vector<1x1x16xf32>
    tpu.vector_store %arg7[%swap3A_2332, %swap3A_2333, %swap3A_2334], %swap3A_2337 {strides = array<i32>} : memref<4x2x512xf32, #tpu.memory_space<vmem>>, vector<1x1x16xf32>,
    %swap3A_2338 = arith.constant 3 : i32
    %swap3A_2339 = arith.constant 1 : i32
    %swap3A_2340 = arith.index_cast %swap3A_2338 : i32 to index
    %swap3A_2341 = arith.index_cast %swap3A_2339 : i32 to index
    %swap3A_2342 = arith.constant 432 : index
    %swap3A_2343 = tpu.vector_load %arg7[%swap3A_2340, %swap3A_2341, %swap3A_2342] {strides = array<i32>} : memref<4x2x512xf32, #tpu.memory_space<vmem>>, vector<1x1x16xf32>,
    %swap3A_2344 = vector.shape_cast %swap3A_2343 : vector<1x1x16xf32> to vector<16xf32>
    %swap3A_2345 = vector.shape_cast %get3A_1845 : vector<16xf32> to vector<1x1x16xf32>
    tpu.vector_store %arg7[%swap3A_2340, %swap3A_2341, %swap3A_2342], %swap3A_2345 {strides = array<i32>} : memref<4x2x512xf32, #tpu.memory_space<vmem>>, vector<1x1x16xf32>,
    %swap3A_2346 = arith.constant 3 : i32
    %swap3A_2347 = arith.constant 1 : i32
    %swap3A_2348 = arith.index_cast %swap3A_2346 : i32 to index
    %swap3A_2349 = arith.index_cast %swap3A_2347 : i32 to index
    %swap3A_2350 = arith.constant 448 : index
    %swap3A_2351 = tpu.vector_load %arg7[%swap3A_2348, %swap3A_2349, %swap3A_2350] {strides = array<i32>} : memref<4x2x512xf32, #tpu.memory_space<vmem>>, vector<1x1x16xf32>,
    %swap3A_2352 = vector.shape_cast %swap3A_2351 : vector<1x1x16xf32> to vector<16xf32>
    %swap3A_2353 = vector.shape_cast %get3A_1850 : vector<16xf32> to vector<1x1x16xf32>
    tpu.vector_store %arg7[%swap3A_2348, %swap3A_2349, %swap3A_2350], %swap3A_2353 {strides = array<i32>} : memref<4x2x512xf32, #tpu.memory_space<vmem>>, vector<1x1x16xf32>,
    %swap3A_2354 = arith.constant 3 : i32
    %swap3A_2355 = arith.constant 1 : i32
    %swap3A_2356 = arith.index_cast %swap3A_2354 : i32 to index
    %swap3A_2357 = arith.index_cast %swap3A_2355 : i32 to index
    %swap3A_2358 = arith.constant 464 : index
    %swap3A_2359 = tpu.vector_load %arg7[%swap3A_2356, %swap3A_2357, %swap3A_2358] {strides = array<i32>} : memref<4x2x512xf32, #tpu.memory_space<vmem>>, vector<1x1x16xf32>,
    %swap3A_2360 = vector.shape_cast %swap3A_2359 : vector<1x1x16xf32> to vector<16xf32>
    %swap3A_2361 = vector.shape_cast %get3A_1855 : vector<16xf32> to vector<1x1x16xf32>
    tpu.vector_store %arg7[%swap3A_2356, %swap3A_2357, %swap3A_2358], %swap3A_2361 {strides = array<i32>} : memref<4x2x512xf32, #tpu.memory_space<vmem>>, vector<1x1x16xf32>,
    %swap3A_2362 = arith.constant 3 : i32
    %swap3A_2363 = arith.constant 1 : i32
    %swap3A_2364 = arith.index_cast %swap3A_2362 : i32 to index
    %swap3A_2365 = arith.index_cast %swap3A_2363 : i32 to index
    %swap3A_2366 = arith.constant 480 : index
    %swap3A_2367 = tpu.vector_load %arg7[%swap3A_2364, %swap3A_2365, %swap3A_2366] {strides = array<i32>} : memref<4x2x512xf32, #tpu.memory_space<vmem>>, vector<1x1x16xf32>,
    %swap3A_2368 = vector.shape_cast %swap3A_2367 : vector<1x1x16xf32> to vector<16xf32>
    %swap3A_2369 = vector.shape_cast %get3A_1860 : vector<16xf32> to vector<1x1x16xf32>
    tpu.vector_store %arg7[%swap3A_2364, %swap3A_2365, %swap3A_2366], %swap3A_2369 {strides = array<i32>} : memref<4x2x512xf32, #tpu.memory_space<vmem>>, vector<1x1x16xf32>,
    %swap3A_2370 = arith.constant 3 : i32
    %swap3A_2371 = arith.constant 1 : i32
    %swap3A_2372 = arith.index_cast %swap3A_2370 : i32 to index
    %swap3A_2373 = arith.index_cast %swap3A_2371 : i32 to index
    %swap3A_2374 = arith.constant 496 : index
    %swap3A_2375 = tpu.vector_load %arg7[%swap3A_2372, %swap3A_2373, %swap3A_2374] {strides = array<i32>} : memref<4x2x512xf32, #tpu.memory_space<vmem>>, vector<1x1x16xf32>,
    %swap3A_2376 = vector.shape_cast %swap3A_2375 : vector<1x1x16xf32> to vector<16xf32>
    %swap3A_2377 = vector.shape_cast %get3A_1865 : vector<16xf32> to vector<1x1x16xf32>
    tpu.vector_store %arg7[%swap3A_2372, %swap3A_2373, %swap3A_2374], %swap3A_2377 {strides = array<i32>} : memref<4x2x512xf32, #tpu.memory_space<vmem>>, vector<1x1x16xf32>,
    %dma_wait3A = arith.constant 0 : i32
    %dma_wait3A_2378 = tpu.memref_slice %arg3[%add3A, %dma_wait3A] : memref<32x512xi32, #tpu.memory_space<hbm>> -> memref<1x512xi32, #tpu.memory_space<hbm>>
    %dma_wait3A_2379 = tpu.memref_squeeze %dma_wait3A_2378 : memref<1x512xi32, #tpu.memory_space<hbm>> -> memref<512xi32, #tpu.memory_space<hbm>>
    %dma_wait3A_2380 = arith.constant 0 : i32
    %dma_wait3A_2381 = tpu.memref_slice %arg3[%add3A, %dma_wait3A_2380] : memref<32x512xi32, #tpu.memory_space<hbm>> -> memref<1x512xi32, #tpu.memory_space<hbm>>
    %dma_wait3A_2382 = tpu.memref_squeeze %dma_wait3A_2381 : memref<1x512xi32, #tpu.memory_space<hbm>> -> memref<512xi32, #tpu.memory_space<hbm>>
    tpu.wait_dma2 semaphore(%arg9 : memref<!tpu.dma_semaphore, #tpu.memory_space<semaphore_mem>>) src(%dma_wait3A_2382 : memref<512xi32, #tpu.memory_space<hbm>>) dst(%arg5 : memref<512xi32, #tpu.memory_space<vmem>>)
    %scan3A = arith.constant 0 : i32
    %scan3A_2383 = arith.constant 0 : i32
    %scan3A_2384 = arith.constant 32 : i32
    %scan3A_2385 = arith.addi %scan3A_2383, %scan3A_2384 : i32
    %scan3A_2386 = arith.constant 1 : i32
    %scan3A_2387 = scf.for %scan3A_2396 = %scan3A_2383 to %scan3A_2385 step %scan3A_2386 iter_args(%scan3A_2397 = %scan3A) -> (i32)  : i32 {
      %mul3A_2398 = arith.constant 16 : i32
      %mul3A_2399 = arith.muli %scan3A_2396, %mul3A_2398 : i32
      %get3A_2400 = arith.index_cast %mul3A_2399 : i32 to index
      %get3A_2401 = tpu.vector_load %arg5[%get3A_2400] {strides = array<i32>} : memref<512xi32, #tpu.memory_space<vmem>>, vector<16xi32>,
      %get3A_2402 = vector.shape_cast %get3A_2401 : vector<16xi32> to vector<16xi32>
      %mul3A_2403 = arith.muli %get3A_2402, %shift_right_arithmetic3A_11 : vector<16xi32>
      %xor3A = arith.constant 1 : i32
      %xor3A_2404 = vector.broadcast %xor3A : i32 to vector<16xi32>
      %xor3A_2405 = arith.xori %iota3A, %xor3A_2404 : vector<16xi32>
      %reshape3A = vector.shape_cast %xor3A_2405 : vector<16xi32> to vector<16x1xi32>
      %gather3A = vector.shape_cast %reshape3A : vector<16x1xi32> to vector<16xi32>
      %gather3A_2406 = tpu.dynamic_gather %mul3A_2403[%gather3A] in [0] : vector<16xi32>, vector<16xi32> -> vector<16xi32>
      %add3A_2407 = arith.addi %mul3A_2403, %gather3A_2406 : vector<16xi32>
      %mul3A_2408 = arith.constant 16 : i32
      %mul3A_2409 = arith.muli %scan3A_2396, %mul3A_2408 : i32
      %add3A_2410 = arith.addi %mul3A_2, %mul3A_2409 : i32
      %slice3A = vector.extract_strided_slice %add3A_2407 {offsets = [0], sizes = [1], strides = [1]} : vector<16xi32> to vector<1xi32>
      %squeeze3A = vector.extract %slice3A[0] : i32 from vector<1xi32>
      %add3A_2411 = arith.constant 0 : i32
      %add3A_2412 = arith.addi %add3A_2410, %add3A_2411 : i32
      %dma_start3A_2413 = arith.constant 0 : i32
      %dma_start3A_2414 = arith.constant 0 : i32
      %dma_start3A_2415 = tpu.memref_slice %arg7[%squeeze3A, %dma_start3A_2413, %dma_start3A_2414] : memref<4x2x512xf32, #tpu.memory_space<vmem>> -> memref<1x2x512xf32, #tpu.memory_space<vmem>>
      %dma_start3A_2416 = tpu.memref_squeeze %dma_start3A_2415 : memref<1x2x512xf32, #tpu.memory_space<vmem>> -> memref<2x512xf32, #tpu.memory_space<vmem>>
      %dma_start3A_2417 = arith.constant 0 : i32
      %dma_start3A_2418 = tpu.memref_slice %arg4[%add3A_2412, %dma_start3A_2417] : memref<16384x512xf32, #tpu.memory_space<hbm>> -> memref<2x512xf32, #tpu.memory_space<hbm>>
      %dma_start3A_2419 = arith.constant 0 : i32
      %dma_start3A_2420 = tpu.memref_slice %arg4[%add3A_2412, %dma_start3A_2419] : memref<16384x512xf32, #tpu.memory_space<hbm>> -> memref<2x512xf32, #tpu.memory_space<hbm>>
      %dma_start3A_2421 = arith.constant 0 : i32
      %dma_start3A_2422 = arith.constant 0 : i32
      %dma_start3A_2423 = tpu.memref_slice %arg7[%squeeze3A, %dma_start3A_2421, %dma_start3A_2422] : memref<4x2x512xf32, #tpu.memory_space<vmem>> -> memref<1x2x512xf32, #tpu.memory_space<vmem>>
      %dma_start3A_2424 = tpu.memref_squeeze %dma_start3A_2423 : memref<1x2x512xf32, #tpu.memory_space<vmem>> -> memref<2x512xf32, #tpu.memory_space<vmem>>
      tpu.enqueue_dma source(%dma_start3A_2424 : memref<2x512xf32, #tpu.memory_space<vmem>>) target(%dma_start3A_2420 : memref<2x512xf32, #tpu.memory_space<hbm>>) target_semaphore(%arg8 : memref<!tpu.dma_semaphore, #tpu.memory_space<semaphore_mem>>)
      %slice3A_2425 = vector.extract_strided_slice %add3A_2407 {offsets = [2], sizes = [1], strides = [1]} : vector<16xi32> to vector<1xi32>
      %squeeze3A_2426 = vector.extract %slice3A_2425[0] : i32 from vector<1xi32>
      %add3A_2427 = arith.constant 2 : i32
      %add3A_2428 = arith.addi %add3A_2410, %add3A_2427 : i32
      %dma_start3A_2429 = arith.constant 0 : i32
      %dma_start3A_2430 = arith.constant 0 : i32
      %dma_start3A_2431 = tpu.memref_slice %arg7[%squeeze3A_2426, %dma_start3A_2429, %dma_start3A_2430] : memref<4x2x512xf32, #tpu.memory_space<vmem>> -> memref<1x2x512xf32, #tpu.memory_space<vmem>>
      %dma_start3A_2432 = tpu.memref_squeeze %dma_start3A_2431 : memref<1x2x512xf32, #tpu.memory_space<vmem>> -> memref<2x512xf32, #tpu.memory_space<vmem>>
      %dma_start3A_2433 = arith.constant 0 : i32
      %dma_start3A_2434 = tpu.memref_slice %arg4[%add3A_2428, %dma_start3A_2433] : memref<16384x512xf32, #tpu.memory_space<hbm>> -> memref<2x512xf32, #tpu.memory_space<hbm>>
      %dma_start3A_2435 = arith.constant 0 : i32
      %dma_start3A_2436 = tpu.memref_slice %arg4[%add3A_2428, %dma_start3A_2435] : memref<16384x512xf32, #tpu.memory_space<hbm>> -> memref<2x512xf32, #tpu.memory_space<hbm>>
      %dma_start3A_2437 = arith.constant 0 : i32
      %dma_start3A_2438 = arith.constant 0 : i32
      %dma_start3A_2439 = tpu.memref_slice %arg7[%squeeze3A_2426, %dma_start3A_2437, %dma_start3A_2438] : memref<4x2x512xf32, #tpu.memory_space<vmem>> -> memref<1x2x512xf32, #tpu.memory_space<vmem>>
      %dma_start3A_2440 = tpu.memref_squeeze %dma_start3A_2439 : memref<1x2x512xf32, #tpu.memory_space<vmem>> -> memref<2x512xf32, #tpu.memory_space<vmem>>
      tpu.enqueue_dma source(%dma_start3A_2440 : memref<2x512xf32, #tpu.memory_space<vmem>>) target(%dma_start3A_2436 : memref<2x512xf32, #tpu.memory_space<hbm>>) target_semaphore(%arg8 : memref<!tpu.dma_semaphore, #tpu.memory_space<semaphore_mem>>)
      %slice3A_2441 = vector.extract_strided_slice %add3A_2407 {offsets = [4], sizes = [1], strides = [1]} : vector<16xi32> to vector<1xi32>
      %squeeze3A_2442 = vector.extract %slice3A_2441[0] : i32 from vector<1xi32>
      %add3A_2443 = arith.constant 4 : i32
      %add3A_2444 = arith.addi %add3A_2410, %add3A_2443 : i32
      %dma_start3A_2445 = arith.constant 0 : i32
      %dma_start3A_2446 = arith.constant 0 : i32
      %dma_start3A_2447 = tpu.memref_slice %arg7[%squeeze3A_2442, %dma_start3A_2445, %dma_start3A_2446] : memref<4x2x512xf32, #tpu.memory_space<vmem>> -> memref<1x2x512xf32, #tpu.memory_space<vmem>>
      %dma_start3A_2448 = tpu.memref_squeeze %dma_start3A_2447 : memref<1x2x512xf32, #tpu.memory_space<vmem>> -> memref<2x512xf32, #tpu.memory_space<vmem>>
      %dma_start3A_2449 = arith.constant 0 : i32
      %dma_start3A_2450 = tpu.memref_slice %arg4[%add3A_2444, %dma_start3A_2449] : memref<16384x512xf32, #tpu.memory_space<hbm>> -> memref<2x512xf32, #tpu.memory_space<hbm>>
      %dma_start3A_2451 = arith.constant 0 : i32
      %dma_start3A_2452 = tpu.memref_slice %arg4[%add3A_2444, %dma_start3A_2451] : memref<16384x512xf32, #tpu.memory_space<hbm>> -> memref<2x512xf32, #tpu.memory_space<hbm>>
      %dma_start3A_2453 = arith.constant 0 : i32
      %dma_start3A_2454 = arith.constant 0 : i32
      %dma_start3A_2455 = tpu.memref_slice %arg7[%squeeze3A_2442, %dma_start3A_2453, %dma_start3A_2454] : memref<4x2x512xf32, #tpu.memory_space<vmem>> -> memref<1x2x512xf32, #tpu.memory_space<vmem>>
      %dma_start3A_2456 = tpu.memref_squeeze %dma_start3A_2455 : memref<1x2x512xf32, #tpu.memory_space<vmem>> -> memref<2x512xf32, #tpu.memory_space<vmem>>
      tpu.enqueue_dma source(%dma_start3A_2456 : memref<2x512xf32, #tpu.memory_space<vmem>>) target(%dma_start3A_2452 : memref<2x512xf32, #tpu.memory_space<hbm>>) target_semaphore(%arg8 : memref<!tpu.dma_semaphore, #tpu.memory_space<semaphore_mem>>)
      %slice3A_2457 = vector.extract_strided_slice %add3A_2407 {offsets = [6], sizes = [1], strides = [1]} : vector<16xi32> to vector<1xi32>
      %squeeze3A_2458 = vector.extract %slice3A_2457[0] : i32 from vector<1xi32>
      %add3A_2459 = arith.constant 6 : i32
      %add3A_2460 = arith.addi %add3A_2410, %add3A_2459 : i32
      %dma_start3A_2461 = arith.constant 0 : i32
      %dma_start3A_2462 = arith.constant 0 : i32
      %dma_start3A_2463 = tpu.memref_slice %arg7[%squeeze3A_2458, %dma_start3A_2461, %dma_start3A_2462] : memref<4x2x512xf32, #tpu.memory_space<vmem>> -> memref<1x2x512xf32, #tpu.memory_space<vmem>>
      %dma_start3A_2464 = tpu.memref_squeeze %dma_start3A_2463 : memref<1x2x512xf32, #tpu.memory_space<vmem>> -> memref<2x512xf32, #tpu.memory_space<vmem>>
      %dma_start3A_2465 = arith.constant 0 : i32
      %dma_start3A_2466 = tpu.memref_slice %arg4[%add3A_2460, %dma_start3A_2465] : memref<16384x512xf32, #tpu.memory_space<hbm>> -> memref<2x512xf32, #tpu.memory_space<hbm>>
      %dma_start3A_2467 = arith.constant 0 : i32
      %dma_start3A_2468 = tpu.memref_slice %arg4[%add3A_2460, %dma_start3A_2467] : memref<16384x512xf32, #tpu.memory_space<hbm>> -> memref<2x512xf32, #tpu.memory_space<hbm>>
      %dma_start3A_2469 = arith.constant 0 : i32
      %dma_start3A_2470 = arith.constant 0 : i32
      %dma_start3A_2471 = tpu.memref_slice %arg7[%squeeze3A_2458, %dma_start3A_2469, %dma_start3A_2470] : memref<4x2x512xf32, #tpu.memory_space<vmem>> -> memref<1x2x512xf32, #tpu.memory_space<vmem>>
      %dma_start3A_2472 = tpu.memref_squeeze %dma_start3A_2471 : memref<1x2x512xf32, #tpu.memory_space<vmem>> -> memref<2x512xf32, #tpu.memory_space<vmem>>
      tpu.enqueue_dma source(%dma_start3A_2472 : memref<2x512xf32, #tpu.memory_space<vmem>>) target(%dma_start3A_2468 : memref<2x512xf32, #tpu.memory_space<hbm>>) target_semaphore(%arg8 : memref<!tpu.dma_semaphore, #tpu.memory_space<semaphore_mem>>)
      %slice3A_2473 = vector.extract_strided_slice %add3A_2407 {offsets = [8], sizes = [1], strides = [1]} : vector<16xi32> to vector<1xi32>
      %squeeze3A_2474 = vector.extract %slice3A_2473[0] : i32 from vector<1xi32>
      %add3A_2475 = arith.constant 8 : i32
      %add3A_2476 = arith.addi %add3A_2410, %add3A_2475 : i32
      %dma_start3A_2477 = arith.constant 0 : i32
      %dma_start3A_2478 = arith.constant 0 : i32
      %dma_start3A_2479 = tpu.memref_slice %arg7[%squeeze3A_2474, %dma_start3A_2477, %dma_start3A_2478] : memref<4x2x512xf32, #tpu.memory_space<vmem>> -> memref<1x2x512xf32, #tpu.memory_space<vmem>>
      %dma_start3A_2480 = tpu.memref_squeeze %dma_start3A_2479 : memref<1x2x512xf32, #tpu.memory_space<vmem>> -> memref<2x512xf32, #tpu.memory_space<vmem>>
      %dma_start3A_2481 = arith.constant 0 : i32
      %dma_start3A_2482 = tpu.memref_slice %arg4[%add3A_2476, %dma_start3A_2481] : memref<16384x512xf32, #tpu.memory_space<hbm>> -> memref<2x512xf32, #tpu.memory_space<hbm>>
      %dma_start3A_2483 = arith.constant 0 : i32
      %dma_start3A_2484 = tpu.memref_slice %arg4[%add3A_2476, %dma_start3A_2483] : memref<16384x512xf32, #tpu.memory_space<hbm>> -> memref<2x512xf32, #tpu.memory_space<hbm>>
      %dma_start3A_2485 = arith.constant 0 : i32
      %dma_start3A_2486 = arith.constant 0 : i32
      %dma_start3A_2487 = tpu.memref_slice %arg7[%squeeze3A_2474, %dma_start3A_2485, %dma_start3A_2486] : memref<4x2x512xf32, #tpu.memory_space<vmem>> -> memref<1x2x512xf32, #tpu.memory_space<vmem>>
      %dma_start3A_2488 = tpu.memref_squeeze %dma_start3A_2487 : memref<1x2x512xf32, #tpu.memory_space<vmem>> -> memref<2x512xf32, #tpu.memory_space<vmem>>
      tpu.enqueue_dma source(%dma_start3A_2488 : memref<2x512xf32, #tpu.memory_space<vmem>>) target(%dma_start3A_2484 : memref<2x512xf32, #tpu.memory_space<hbm>>) target_semaphore(%arg8 : memref<!tpu.dma_semaphore, #tpu.memory_space<semaphore_mem>>)
      %slice3A_2489 = vector.extract_strided_slice %add3A_2407 {offsets = [10], sizes = [1], strides = [1]} : vector<16xi32> to vector<1xi32>
      %squeeze3A_2490 = vector.extract %slice3A_2489[0] : i32 from vector<1xi32>
      %add3A_2491 = arith.constant 10 : i32
      %add3A_2492 = arith.addi %add3A_2410, %add3A_2491 : i32
      %dma_start3A_2493 = arith.constant 0 : i32
      %dma_start3A_2494 = arith.constant 0 : i32
      %dma_start3A_2495 = tpu.memref_slice %arg7[%squeeze3A_2490, %dma_start3A_2493, %dma_start3A_2494] : memref<4x2x512xf32, #tpu.memory_space<vmem>> -> memref<1x2x512xf32, #tpu.memory_space<vmem>>
      %dma_start3A_2496 = tpu.memref_squeeze %dma_start3A_2495 : memref<1x2x512xf32, #tpu.memory_space<vmem>> -> memref<2x512xf32, #tpu.memory_space<vmem>>
      %dma_start3A_2497 = arith.constant 0 : i32
      %dma_start3A_2498 = tpu.memref_slice %arg4[%add3A_2492, %dma_start3A_2497] : memref<16384x512xf32, #tpu.memory_space<hbm>> -> memref<2x512xf32, #tpu.memory_space<hbm>>
      %dma_start3A_2499 = arith.constant 0 : i32
      %dma_start3A_2500 = tpu.memref_slice %arg4[%add3A_2492, %dma_start3A_2499] : memref<16384x512xf32, #tpu.memory_space<hbm>> -> memref<2x512xf32, #tpu.memory_space<hbm>>
      %dma_start3A_2501 = arith.constant 0 : i32
      %dma_start3A_2502 = arith.constant 0 : i32
      %dma_start3A_2503 = tpu.memref_slice %arg7[%squeeze3A_2490, %dma_start3A_2501, %dma_start3A_2502] : memref<4x2x512xf32, #tpu.memory_space<vmem>> -> memref<1x2x512xf32, #tpu.memory_space<vmem>>
      %dma_start3A_2504 = tpu.memref_squeeze %dma_start3A_2503 : memref<1x2x512xf32, #tpu.memory_space<vmem>> -> memref<2x512xf32, #tpu.memory_space<vmem>>
      tpu.enqueue_dma source(%dma_start3A_2504 : memref<2x512xf32, #tpu.memory_space<vmem>>) target(%dma_start3A_2500 : memref<2x512xf32, #tpu.memory_space<hbm>>) target_semaphore(%arg8 : memref<!tpu.dma_semaphore, #tpu.memory_space<semaphore_mem>>)
      %slice3A_2505 = vector.extract_strided_slice %add3A_2407 {offsets = [12], sizes = [1], strides = [1]} : vector<16xi32> to vector<1xi32>
      %squeeze3A_2506 = vector.extract %slice3A_2505[0] : i32 from vector<1xi32>
      %add3A_2507 = arith.constant 12 : i32
      %add3A_2508 = arith.addi %add3A_2410, %add3A_2507 : i32
      %dma_start3A_2509 = arith.constant 0 : i32
      %dma_start3A_2510 = arith.constant 0 : i32
      %dma_start3A_2511 = tpu.memref_slice %arg7[%squeeze3A_2506, %dma_start3A_2509, %dma_start3A_2510] : memref<4x2x512xf32, #tpu.memory_space<vmem>> -> memref<1x2x512xf32, #tpu.memory_space<vmem>>
      %dma_start3A_2512 = tpu.memref_squeeze %dma_start3A_2511 : memref<1x2x512xf32, #tpu.memory_space<vmem>> -> memref<2x512xf32, #tpu.memory_space<vmem>>
      %dma_start3A_2513 = arith.constant 0 : i32
      %dma_start3A_2514 = tpu.memref_slice %arg4[%add3A_2508, %dma_start3A_2513] : memref<16384x512xf32, #tpu.memory_space<hbm>> -> memref<2x512xf32, #tpu.memory_space<hbm>>
      %dma_start3A_2515 = arith.constant 0 : i32
      %dma_start3A_2516 = tpu.memref_slice %arg4[%add3A_2508, %dma_start3A_2515] : memref<16384x512xf32, #tpu.memory_space<hbm>> -> memref<2x512xf32, #tpu.memory_space<hbm>>
      %dma_start3A_2517 = arith.constant 0 : i32
      %dma_start3A_2518 = arith.constant 0 : i32
      %dma_start3A_2519 = tpu.memref_slice %arg7[%squeeze3A_2506, %dma_start3A_2517, %dma_start3A_2518] : memref<4x2x512xf32, #tpu.memory_space<vmem>> -> memref<1x2x512xf32, #tpu.memory_space<vmem>>
      %dma_start3A_2520 = tpu.memref_squeeze %dma_start3A_2519 : memref<1x2x512xf32, #tpu.memory_space<vmem>> -> memref<2x512xf32, #tpu.memory_space<vmem>>
      tpu.enqueue_dma source(%dma_start3A_2520 : memref<2x512xf32, #tpu.memory_space<vmem>>) target(%dma_start3A_2516 : memref<2x512xf32, #tpu.memory_space<hbm>>) target_semaphore(%arg8 : memref<!tpu.dma_semaphore, #tpu.memory_space<semaphore_mem>>)
      %slice3A_2521 = vector.extract_strided_slice %add3A_2407 {offsets = [14], sizes = [1], strides = [1]} : vector<16xi32> to vector<1xi32>
      %squeeze3A_2522 = vector.extract %slice3A_2521[0] : i32 from vector<1xi32>
      %add3A_2523 = arith.constant 14 : i32
      %add3A_2524 = arith.addi %add3A_2410, %add3A_2523 : i32
      %dma_start3A_2525 = arith.constant 0 : i32
      %dma_start3A_2526 = arith.constant 0 : i32
      %dma_start3A_2527 = tpu.memref_slice %arg7[%squeeze3A_2522, %dma_start3A_2525, %dma_start3A_2526] : memref<4x2x512xf32, #tpu.memory_space<vmem>> -> memref<1x2x512xf32, #tpu.memory_space<vmem>>
      %dma_start3A_2528 = tpu.memref_squeeze %dma_start3A_2527 : memref<1x2x512xf32, #tpu.memory_space<vmem>> -> memref<2x512xf32, #tpu.memory_space<vmem>>
      %dma_start3A_2529 = arith.constant 0 : i32
      %dma_start3A_2530 = tpu.memref_slice %arg4[%add3A_2524, %dma_start3A_2529] : memref<16384x512xf32, #tpu.memory_space<hbm>> -> memref<2x512xf32, #tpu.memory_space<hbm>>
      %dma_start3A_2531 = arith.constant 0 : i32
      %dma_start3A_2532 = tpu.memref_slice %arg4[%add3A_2524, %dma_start3A_2531] : memref<16384x512xf32, #tpu.memory_space<hbm>> -> memref<2x512xf32, #tpu.memory_space<hbm>>
      %dma_start3A_2533 = arith.constant 0 : i32
      %dma_start3A_2534 = arith.constant 0 : i32
      %dma_start3A_2535 = tpu.memref_slice %arg7[%squeeze3A_2522, %dma_start3A_2533, %dma_start3A_2534] : memref<4x2x512xf32, #tpu.memory_space<vmem>> -> memref<1x2x512xf32, #tpu.memory_space<vmem>>
      %dma_start3A_2536 = tpu.memref_squeeze %dma_start3A_2535 : memref<1x2x512xf32, #tpu.memory_space<vmem>> -> memref<2x512xf32, #tpu.memory_space<vmem>>
      tpu.enqueue_dma source(%dma_start3A_2536 : memref<2x512xf32, #tpu.memory_space<vmem>>) target(%dma_start3A_2532 : memref<2x512xf32, #tpu.memory_space<hbm>>) target_semaphore(%arg8 : memref<!tpu.dma_semaphore, #tpu.memory_space<semaphore_mem>>)
      %scan3A_2537 = arith.constant 0 : i32
      scf.yield %scan3A_2537 : i32
    }
    %scan3A_2388 = arith.constant 32 : i32
    %scan3A_2389 = arith.constant 0 : i32
    %scan3A_2390 = arith.constant 0 : i32
    %scan3A_2391 = arith.constant 256 : i32
    %scan3A_2392 = arith.addi %scan3A_2390, %scan3A_2391 : i32
    %scan3A_2393 = arith.constant 1 : i32
    %scan3A_2394 = scf.for %scan3A_2396 = %scan3A_2390 to %scan3A_2392 step %scan3A_2393 iter_args(%scan3A_2397 = %scan3A_2389) -> (i32)  : i32 {
      %dma_wait3A_2398 = arith.constant 0 : i32
      %dma_wait3A_2399 = arith.constant 0 : i32
      %dma_wait3A_2400 = arith.constant 0 : i32
      %dma_wait3A_2401 = tpu.memref_slice %arg7[%dma_wait3A_2398, %dma_wait3A_2399, %dma_wait3A_2400] : memref<4x2x512xf32, #tpu.memory_space<vmem>> -> memref<1x2x512xf32, #tpu.memory_space<vmem>>
      %dma_wait3A_2402 = tpu.memref_squeeze %dma_wait3A_2401 : memref<1x2x512xf32, #tpu.memory_space<vmem>> -> memref<2x512xf32, #tpu.memory_space<vmem>>
      %dma_wait3A_2403 = arith.constant 0 : i32
      %dma_wait3A_2404 = tpu.memref_slice %arg4[%mul3A_2, %dma_wait3A_2403] : memref<16384x512xf32, #tpu.memory_space<hbm>> -> memref<2x512xf32, #tpu.memory_space<hbm>>
      %dma_wait3A_2405 = arith.constant 0 : i32
      %dma_wait3A_2406 = tpu.memref_slice %arg4[%mul3A_2, %dma_wait3A_2405] : memref<16384x512xf32, #tpu.memory_space<hbm>> -> memref<2x512xf32, #tpu.memory_space<hbm>>
      %dma_wait3A_2407 = arith.constant 0 : i32
      %dma_wait3A_2408 = arith.constant 0 : i32
      %dma_wait3A_2409 = tpu.memref_slice %arg7[%dma_wait3A_2398, %dma_wait3A_2407, %dma_wait3A_2408] : memref<4x2x512xf32, #tpu.memory_space<vmem>> -> memref<1x2x512xf32, #tpu.memory_space<vmem>>
      %dma_wait3A_2410 = tpu.memref_squeeze %dma_wait3A_2409 : memref<1x2x512xf32, #tpu.memory_space<vmem>> -> memref<2x512xf32, #tpu.memory_space<vmem>>
      tpu.wait_dma2 semaphore(%arg8 : memref<!tpu.dma_semaphore, #tpu.memory_space<semaphore_mem>>) src(%dma_wait3A_2410 : memref<2x512xf32, #tpu.memory_space<vmem>>) dst(%dma_wait3A_2406 : memref<2x512xf32, #tpu.memory_space<hbm>>)
      %scan3A_2411 = arith.constant 0 : i32
      scf.yield %scan3A_2411 : i32
    }
    %scan3A_2395 = arith.constant 256 : i32
    return
  }
}

</mosaic_0001>

<sc_bundles>
// kernel: kernel.3.cloned.1.call-start
scs
__scs_entry_jumppad:
0x0: {  	(pc) =	sbr.rel $0x88, $3  }
0x1: {  	(tag) =	ssettag $0x0;
	lr =	simm.s32 $0x1  }
0x2: {  	[smem:$0x3F9F] =	sst lr;
	_ =	strace $0xD0000000  }
0x3: {  	_ = 	snop  }
0x4: {  	_ = 	snop  }
0x5: {  	_ = 	snop  }
0x6: {  	_ = 	snop  }
0x7: {  	_ = 	snop  }
__scs_overlays_trampoline_lowered:
0x8: {  	[smem:$0x3FAE] =	sst s0  }
0x9: {  	[smem:$0x3FAF] =	sst s1  }
0xa: {  	[smem:$0x3FB0] =	sst s2  }
0xb: {  	[smem:$0x3FB1] =	sst s3  }
0xc: {  	[smem:$0x3FB2] =	sst s4  }
0xd: {  	[smem:$0x3FB3] =	sst s5  }
0xe: {  	[smem:$0x3FB4] =	sst s6  }
0xf: {  	[smem:$0x3FB5] =	sst s7  }
0x10: {  	[smem:$0x3FB6] =	sst s8  }
0x11: {  	[smem:$0x3FB7] =	sst s9;
	s0 =	simm.s32 @!p0 $0x0  }
0x12: {  	s1 =	sld [smem:$0x3F9D];
	s0 =	simm.s32 @p0 $0x1  }
0x13: {  	[smem:$0x3FB8] =	sst s0;
	s0 =	simm.s32 @!p1 $0x0  }
0x14: {  	s2 =	sld [smem:$0x3F9C];
	s0 =	simm.s32 @p1 $0x1  }
0x15: {  	[smem:$0x3FB9] =	sst s0;
	s0 =	simm.s32 @!p2 $0x0  }
0x16: {  	s3 =	sld [smem:$0x3FDB];
	s0 =	simm.s32 @p2 $0x1  }
0x17: {  	s4 =	simm.s32 $0x1BF5;
	[smem:$0x3FBB] =	sst s0  }
0x18: {  	s0 =	sld [smem:$0x3F9E];
	_ =	swait.ge [sflag:s4], $0x0  }
0x19: {  	s7 =	sld [smem:$0x3F9F]  }
0x1a: {  	s8 =	sadd.s32 $0xFFFFE003, lr  }
0x1b: {  	s9 =	sadd.s32 $0xFFFFFEF7, lr;
	s5 =	simm.s32 $0xFFFFFFFF;
	p2 =	slt.u32 s8, $0xFFFFF086  }
0x1c: {  	p1 =	slt.u32 s9, $0xF7A;
	s5 =	simm.s32 @!p2 $0x0  }
0x1d: {  	s5 =	simm.s32 @p1 $0x1;
	p0 =	seq.s32 s7, s2  }
0x1e: {  	s7 =	smul.u32 @!p0 $0xF7A, s2;
	p2 =	seq.s32 @!p0 s5, $0x0  }
0x1f: {  	s9 =	smul.u32 $0xF7A, s1;
	s8 =	simm.s32 @!p0 $0x1BF5;
	p2 =	por !p2, p0  }
0x20: {  	[sflag:s8] =	ssyncset.s32 @!p0 $0xFFFFF086;
	s6 =	sadd.s32 @!p0 s3, s7;
	s7 =	simm.s32 @!p0 $0x108  }
0x21: {  	s3 =	sadd.s32 s3, s9;
	s6 =	sadd.s32 @!p0 $0x88, s6;
	s7 =	simm.s32 @p2 $0x1082  }
0x22: {  	[simem:s7], [sflag:s8] =	dma.local @!p0 [hbm:s6], $0xF7A  }
0x23: {  	s9 =	sor.u32 $0xD0000000, s2;
	s6 =	simm.s32 $0x108;
	_ =	swait.ge @!p0 [sflag:s8], $0x0  }
0x24: {  	s3 =	sadd.s32 $0x88, s3;
	s6 =	simm.s32 @!p1 $0x1082;
	[sflag:s4] =	ssyncset.s32 $0xFFFFF086  }
0x25: {  	[simem:s6], [sflag:s4] =	dma.local [hbm:s3], $0xF7A  }
0x26: {  	[smem:$0x3F9F] =	sst s1;
	(tag) =	ssettag s2;
	_ =	strace s9  }
0x27: {  	s1 =	sld [smem:$0x3FAF]  }
0x28: {  	s2 =	sld [smem:$0x3FB0]  }
0x29: {  	s4 =	sld [smem:$0x3FB2]  }
0x2a: {  	p0 =	seq.s32 s5, $0x0;
	s5 =	sld [smem:$0x3FB3]  }
0x2b: {  	s6 =	sld [smem:$0x3FB4]  }
0x2c: {  	s7 =	sld [smem:$0x3FB5]  }
0x2d: {  	s3 =	simm.s32 $0x108;
	s8 =	sld [smem:$0x3FB6]  }
0x2e: {  	s3 =	simm.s32 @!p0 $0x1082;
	s9 =	sld [smem:$0x3FB7]  }
0x2f: {  	lr =	sadd.s32 s0, s3;
	s0 =	sld [smem:$0x3FAE]  }
0x30: {  	s3 =	sld [smem:$0x3FB1]  }
0x31: {  	[smem:$0x3FBA] =	sst s10  }
0x32: {  	s10 =	sld [smem:$0x3FB8];
	_ =	sdelay $0x3  }
0x33: {  	p0 =	seq.s32 s10, $0x1;
	s10 =	sld [smem:$0x3FBA];
	_ =	sdelay $0x3  }
0x34: {  	[smem:$0x3FBA] =	sst s10  }
0x35: {  	s10 =	sld [smem:$0x3FB9];
	_ =	sdelay $0x3  }
0x36: {  	p1 =	seq.s32 s10, $0x1;
	s10 =	sld [smem:$0x3FBA];
	_ =	sdelay $0x3  }
0x37: {  	[smem:$0x3FBA] =	sst s10  }
0x38: {  	s10 =	sld [smem:$0x3FBB]  }
0x39: {  	_ = 	snop;
	(pc) =	sbr.ind lr, $3  }
0x3a: {  	_ = 	snop  }
0x3b: {  	_ = 	snop  }
0x3c: {  	p2 =	seq.s32 s10, $0x1;
	s10 =	sld [smem:$0x3FBA]  }
0x3d: {  	_ =	shalt  }
0x3e: {  	_ =	shalt  }
0x3f: {  	_ =	shalt  }
0x40: {  	_ =	shalt  }
0x41: {  	_ =	shalt  }
0x42: {  	_ =	shalt  }
0x43: {  	_ =	shalt  }
0x44: {  	_ =	shalt  }
0x45: {  	_ =	shalt  }
0x46: {  	_ =	shalt  }
0x47: {  	_ =	shalt  }
0x48: {  	_ =	shalt  }
0x49: {  	_ =	shalt  }
0x4a: {  	_ =	shalt  }
0x4b: {  	_ =	shalt  }
0x4c: {  	_ =	shalt  }
0x4d: {  	_ =	shalt  }
0x4e: {  	_ =	shalt  }
0x4f: {  	_ =	shalt  }
0x50: {  	_ =	shalt  }
0x51: {  	_ =	shalt  }
0x52: {  	_ =	shalt  }
0x53: {  	_ =	shalt  }
0x54: {  	_ =	shalt  }
0x55: {  	_ =	shalt  }
0x56: {  	_ =	shalt  }
0x57: {  	_ =	shalt  }
0x58: {  	_ =	shalt  }
0x59: {  	_ =	shalt  }
0x5a: {  	_ =	shalt  }
0x5b: {  	_ =	shalt  }
0x5c: {  	_ =	shalt  }
0x5d: {  	_ =	shalt  }
0x5e: {  	_ =	shalt  }
0x5f: {  	_ =	shalt  }
0x60: {  	_ =	shalt  }
0x61: {  	_ =	shalt  }
0x62: {  	_ =	shalt  }
0x63: {  	_ =	shalt  }
0x64: {  	_ =	shalt  }
0x65: {  	_ =	shalt  }
0x66: {  	_ =	shalt  }
0x67: {  	_ =	shalt  }
0x68: {  	_ =	shalt  }
0x69: {  	_ =	shalt  }
0x6a: {  	_ =	shalt  }
0x6b: {  	_ =	shalt  }
0x6c: {  	_ =	shalt  }
0x6d: {  	_ =	shalt  }
0x6e: {  	_ =	shalt  }
0x6f: {  	_ =	shalt  }
0x70: {  	_ =	shalt  }
0x71: {  	_ =	shalt  }
0x72: {  	_ =	shalt  }
0x73: {  	_ =	shalt  }
0x74: {  	_ =	shalt  }
0x75: {  	_ =	shalt  }
0x76: {  	_ =	shalt  }
0x77: {  	_ =	shalt  }
0x78: {  	_ =	shalt  }
0x79: {  	_ =	shalt  }
0x7a: {  	_ =	shalt  }
0x7b: {  	_ =	shalt  }
0x7c: {  	_ =	shalt  }
0x7d: {  	_ =	shalt  }
0x7e: {  	_ =	shalt  }
0x7f: {  	_ =	shalt  }
0x80: {  	_ =	shalt  }
0x81: {  	_ =	shalt  }
0x82: {  	_ =	shalt  }
0x83: {  	_ =	shalt  }
0x84: {  	_ =	shalt  }
0x85: {  	_ =	shalt  }
0x86: {  	_ =	shalt  }
0x87: {  	_ =	shalt  }
.Lfunc_end0:
.L_simem_size_0:
called_computation_lowered:
.L_overlay_start_0:
0x88: {  	s2 =	sld [smem:$0x3FD9]  }
0x89: {  	s3 =	sld [smem:$0x3FFE];
	_ =	sdelay $0x1  }
0x8a: {  	s1 =	srdreg.scid  }
0x8b: {  	s0 =	sand.u32 $0x1, s1  }
0x8c: {  	s17 =	sshll.u32 s0, $0xA;
	s2 =	sadd.s32 s3, s2  }
0x8d: {  	s2 =	sadd.s32 s2, s17  }
0x8e: {  	[smem:$0x3FC6] =	sst s2  }
0x8f: {  	_ = 	snop  }
0x90: {  	s2 =	sld [smem:$0x3FC8]  }
0x91: {  	s18 =	sld [smem:$0x3FD0];
	(tm) =	ssettm $0x1  }
0x92: {  	s4 =	sld [smem:$0x3FFB];
	_ =	sdelay $0x3  }
0x93: {  	_ =	strace s4  }
0x94: {  	s4 =	sld [smem:$0x3FFC];
	_ =	sdelay $0x3  }
0x95: {  	_ =	strace s4  }
0x96: {  	s4 =	sld [smem:$0x3FFD];
	_ =	sdelay $0x3  }
0x97: {  	_ =	strace s4  }
0x98: {  	_ =	strace $0x8FFFFFFF  }
0x99: {  	s19 =	sld [smem:$0x3FDB];
	_ =	sdelay $0x1  }
0x9a: {  	s5 =	simm.s32 $_scs_section_size  }
0x9b: {  	s6 =	simm.s32 $_size__tile_overlayer_lowered;
	s7 =	simm.s32 $_tile_overlayer_lowered  }
0x9c: {  	s22 =	simm.s32 $0x1BFF;
	s21 =	sshll.u32 s7, $0x1;
	s4 =	sadd.s32 s5, s19  }
0x9d: {  	s8 =	simm.s32 $0x0;
	s20 =	sshll.u32 s6, $0x1;
	s6 =	sadd.s32 s21, s4  }
0x9e: {  	[timem:s8], [sflag:s22] =	dma.local [hbm:s6], s20  }
0x9f: {  	_ =	swait.ge [sflag:s22], s20  }
0xa0: {  	s5 =	ssub.s32 $0x0, s20;
	[sflag:s22] =	ssyncset.done $0x0  }
0xa1: {  	[sflag:s22] =	ssyncadd.s32 s5;
	_ =	sdelay $0x1  }
0xa2: {  	s23 =	simm.s32 $0x1B8B  }
0xa3: {  	_ =	swait.ge [sflag:s23], $0x1  }
0xa4: {  	[sflag:s23] =	ssyncset.done $0x0  }
0xa5: {  	s25 =	simm.s32 $0x1B8E;
	s24 =	sld [smem:$0x3FFE];
	[sflag:s23] =	ssyncadd.s32 $0xFFFFFFFF  }
0xa6: {  	s26 =	simm.s32 $execute0_lowered;
	[smem:$0x3FD2] =	sst s25  }
0xa7: {  	s6 =	sshll.u32 s26, $0x1;
	_ =	strace $0x80000046;
	[dreg:$0x1] =	wrdreg $0xFFFFFFFF  }
0xa8: {  	s28 =	simm.s32 $_size_execute0_lowered;
	s4 =	sadd.s32 s4, s6;
	[dreg:$0x0] =	wrdreg $0x0  }
0xa9: {  	s6 =	sshll.u32 s28, $0x1;
	[dreg:$0x2] =	wrdreg s4  }
0xaa: {  	[dreg:$0x3] =	wrdreg s6  }
0xab: {  	[dreg:$0x4] =	wrdreg $0xC0  }
0xac: {  	_ =	task [dreg:s8], $0x5FFFF  }
0xad: {  	[dreg:$0x1] =	wrdreg $0xFFFFFFFF  }
0xae: {  	[dreg:$0x0] =	wrdreg $0x60  }
0xaf: {  	[dreg:$0x2] =	wrdreg s2  }
0xb0: {  	[dreg:$0x3] =	wrdreg s24  }
0xb1: {  	[dreg:$0x4] =	wrdreg s18  }
0xb2: {  	[dreg:$0x5] =	wrdreg $0x9  }
0xb3: {  	_ =	task.clear_ibuf [dreg:s8], $0x6FFFF;
	_ =	strace $0x90000046  }
0xb4: {  	s29 =	simm.s32 $0x9;
	_ =	strace $0x80000048  }
0xb5: {  	_ =	swait.ge [sflag:s29], $0x1  }
0xb6: {  	[sflag:s29] =	ssyncadd.s32 $0xFFFFFFFF  }
0xb7: {  	_ =	strace $0x90000048  }
0xb8: {  	_ =	sfence  }
0xb9: {  	s30 =	sld [smem:$0x0];
	_ =	sdelay $0x2  }
0xba: {  	s31 =	sshll.u32 s1, $0xD;
	s1 =	sshrl.u32 s1, $0x2  }
0xbb: {  	s3 =	sand.u32 $0x4000, s31;
	s1 =	sadd.s32 s1, s30  }
0xbc: {  	s0 =	sor.u32 s3, s0;
	s1 =	sshll.u32 s1, $0x11  }
0xbd: {  	s0 =	sor.u32 s1, s0  }
0xbe: {  	s0 =	sadd.s32 $0x8F2B, s0  }
0xbf: {  	[sflag:s0] =	ssyncadd.remote.s32 $0x1  }
0xc0: {  	_ =	sfence.sel $0xFFFF  }
0xc1: {  	[dreg:$0x0] =	wrdreg $0xFFFFFFFF;
	(pc) =	sbr.abs _section_cstart, $3  }
0xc2: {  	[dreg:$0x1] =	wrdreg $0xFFFFFFFF  }
0xc3: {  	_ =	task.clear_ibuf [dreg:s8], $0x2FFFF;
	_ =	strace $0x9FFFFFFF  }
0xc4: {  	(tm) =	ssettm $0x7FFFFFFF  }
0xc5: {  	_ =	shalt  }
tec
execute0_lowered:
.L_overlay_start_1:
0x0: {  	(tag) =	ssettag $0x1  }
0x1: {  	s2 =	srdreg.scid;
	s1 =	rddreg [dreg:$0x0]  }
0x2: {  	s0 =	stileid.u32;
	s4 =	rddreg [dreg:$0x1]  }
0x3: {  	s6 =	rddreg [dreg:$0x2];
	s10 =	simm.s32 $0x3;
	s11 =	simm.s32 $0x2  }
0x4: {  	s12 =	simm.s32 $0x1;
	s13 =	simm.s32 $0x0;
	s5 =	sand.u32 $0x1, s2  }
0x5: {  	s26 =	sshll.u32 s0, $0x8;
	s7 =	sshll.u32 s0, $0xA;
	s2 =	rddreg [dreg:$0x3]  }
0x6: {  	s30 =	sshll.u32 s0, $0x10;
	s3 =	sshll.u32 s5, $0x7;
	s28 =	ssub.s32 $0x2, s5  }
0x7: {  	v0 =	vimm.s32 $0xEFCDAB89;
	v1 =	vimm.s32 $0x67452301;
	s6 =	sadd.s32 s30, s6;
	s31 =	sshll.u32 s5, $0xF;
	s8 =	sor.u32 s3, s26  }
0x8: {  	v2 =	vlaneseq.u32;
	v0 =	vunpack.c.l.s4.s8 v0;
	v1 =	vunpack.c.l.s4.s8 v1;
	s3 =	simm.s32 $0x0;
	s9 =	sshrl.u32 s28, $0x1;
	s7 =	sor.u32 s8, s7  }
0x9: {  	v2 =	vand.u32 $0x1, v2;
	s6 =	sadd.s32 s31, s6;
	[smem:$0x7FF] =	sst s3;
	s7 =	sand.u32 $0x3380, s7  }
0xa: {  	v2 =	vmul.u32 $0xFFFFFFFF, v2;
	v3 =	vunpack.c.0.s8.s32 v0;
	v1 =	vunpack.c.0.s8.s32 v1;
	s29 =	ssub.s32 s28, s9;
	s8 =	simm.s32 $0x400;
	s7 =	sshrl.u32 s7, $0x3  }
0xb: {  	s9 =	simm.s32 $0x200;
	_ =	strace $0x80000047;
	s4 =	sadd.s32 s7, s4  }
0xc: {  	v0 =	vadd.s32 $0x1, v2;
	s5 =	smax.u32 s29, $0x1;
	v1 =	vcombine.low v1, v3;
	s7 =	simm.s32 $0x80;
	s4 =	sadd.s32 $0x400, s4  }
.LBB2_1:
0xd: {  	[tilespmem:s3], [sflag:$0x2] =	stream.strided.gather [hbm4b:s4+s7], $0x200, s8, s7, $0x38;
	[tilespmem:$0x1600] =	vst v63  }
0xe: {  	_ = 	snop  }
0xf: {  	[tilespmem:s9], [sflag:$0x3] =	stream.linear.gather [hbm4b:s1+s3], $0x400, $0x38;
	[tilespmem:$0x1600] =	vst v63  }
0x10: {  	_ =	swait.ge [sflag:s10], $0x400  }
0x11: {  	[sflag:s10] =	ssyncset.done $0x0  }
0x12: {  	[sflag:s10] =	ssyncadd.s32 $0xFFFFFC00  }
0x13: {  	v2 =	vld [tilespmem:$0x200]  }
0x14: {  	v3 =	vld [tilespmem:$0x210]  }
0x15: {  	v4 =	vld [tilespmem:$0x220]  }
0x16: {  	v5 =	vld [tilespmem:$0x230]  }
0x17: {  	v6 =	vld [tilespmem:$0x240]  }
0x18: {  	v7 =	vld [tilespmem:$0x250];
	[tilespmem:$0x600] =	vst v2  }
0x19: {  	v8 =	vld [tilespmem:$0x260];
	[tilespmem:$0x610] =	vst v3  }
0x1a: {  	v9 =	vld [tilespmem:$0x270];
	[tilespmem:$0x620] =	vst v4  }
0x1b: {  	[tilespmem:$0x630] =	vst v5  }
0x1c: {  	[tilespmem:$0x640] =	vst v6  }
0x1d: {  	[tilespmem:$0x650] =	vst v7  }
0x1e: {  	[tilespmem:$0x660] =	vst v8  }
0x1f: {  	[tilespmem:$0x670] =	vst v9  }
0x20: {  	[tilespmem:$0x680] =	vst v2  }
0x21: {  	[tilespmem:$0x690] =	vst v3  }
0x22: {  	[tilespmem:$0x6A0] =	vst v4  }
0x23: {  	[tilespmem:$0x6B0] =	vst v5  }
0x24: {  	[tilespmem:$0x6C0] =	vst v6  }
0x25: {  	[tilespmem:$0x6D0] =	vst v7  }
0x26: {  	[tilespmem:$0x6E0] =	vst v8  }
0x27: {  	[tilespmem:$0x6F0] =	vst v9  }
0x28: {  	[tilespmem:$0xA00] =	vst v2  }
0x29: {  	[tilespmem:$0xA10] =	vst v3  }
0x2a: {  	[tilespmem:$0xA20] =	vst v4  }
0x2b: {  	v10 =	vld [tilespmem:$0x280];
	[tilespmem:$0xA30] =	vst v5  }
0x2c: {  	v11 =	vld [tilespmem:$0x290];
	[tilespmem:$0xA40] =	vst v6  }
0x2d: {  	v12 =	vld [tilespmem:$0x2A0];
	[tilespmem:$0xA50] =	vst v7  }
0x2e: {  	v13 =	vld [tilespmem:$0x2B0];
	[tilespmem:$0xA60] =	vst v8  }
0x2f: {  	v14 =	vld [tilespmem:$0x2C0];
	[tilespmem:$0xA70] =	vst v9  }
0x30: {  	v15 =	vld [tilespmem:$0x2D0];
	[tilespmem:$0xA80] =	vst v10  }
0x31: {  	v16 =	vld [tilespmem:$0x2E0];
	[tilespmem:$0xA90] =	vst v11  }
0x32: {  	v17 =	vld [tilespmem:$0x2F0];
	[tilespmem:$0xAA0] =	vst v12  }
0x33: {  	[tilespmem:$0xAB0] =	vst v13  }
0x34: {  	[tilespmem:$0xAC0] =	vst v14  }
0x35: {  	[tilespmem:$0xAD0] =	vst v15  }
0x36: {  	[tilespmem:$0xAE0] =	vst v16  }
0x37: {  	[tilespmem:$0xAF0] =	vst v17  }
0x38: {  	[tilespmem:$0xE00] =	vst v10  }
0x39: {  	[tilespmem:$0xE10] =	vst v11  }
0x3a: {  	[tilespmem:$0xE20] =	vst v12  }
0x3b: {  	[tilespmem:$0xE30] =	vst v13  }
0x3c: {  	[tilespmem:$0xE40] =	vst v14  }
0x3d: {  	[tilespmem:$0xE50] =	vst v15  }
0x3e: {  	[tilespmem:$0xE60] =	vst v16  }
0x3f: {  	[tilespmem:$0xE70] =	vst v17  }
0x40: {  	[tilespmem:$0xE80] =	vst v2  }
0x41: {  	[tilespmem:$0xE90] =	vst v3  }
0x42: {  	[tilespmem:$0xEA0] =	vst v4  }
0x43: {  	[tilespmem:$0xEB0] =	vst v5  }
0x44: {  	[tilespmem:$0xEC0] =	vst v6  }
0x45: {  	[tilespmem:$0xED0] =	vst v7  }
0x46: {  	[tilespmem:$0xEE0] =	vst v8  }
0x47: {  	[tilespmem:$0xEF0] =	vst v9  }
0x48: {  	[tilespmem:$0x1200] =	vst v10  }
0x49: {  	[tilespmem:$0x1210] =	vst v11  }
0x4a: {  	[tilespmem:$0x1220] =	vst v12  }
0x4b: {  	[tilespmem:$0x1230] =	vst v13  }
0x4c: {  	[tilespmem:$0x1240] =	vst v14  }
0x4d: {  	[tilespmem:$0x1250] =	vst v15  }
0x4e: {  	[tilespmem:$0x1260] =	vst v16  }
0x4f: {  	[tilespmem:$0x1270] =	vst v17  }
0x50: {  	[tilespmem:$0x1280] =	vst v10  }
0x51: {  	[tilespmem:$0x1290] =	vst v11  }
0x52: {  	[tilespmem:$0x12A0] =	vst v12  }
0x53: {  	v22 =	vld [tilespmem:$0x320];
	[tilespmem:$0x12B0] =	vst v13  }
0x54: {  	v23 =	vld [tilespmem:$0x330];
	[tilespmem:$0x12C0] =	vst v14  }
0x55: {  	v24 =	vld [tilespmem:$0x340];
	[tilespmem:$0x12D0] =	vst v15  }
0x56: {  	v25 =	vld [tilespmem:$0x350];
	[tilespmem:$0x12E0] =	vst v16  }
0x57: {  	v26 =	vld [tilespmem:$0x360];
	[tilespmem:$0x12F0] =	vst v17  }
0x58: {  	v27 =	vld [tilespmem:$0x370];
	[tilespmem:$0x720] =	vst v22  }
0x59: {  	[tilespmem:$0x730] =	vst v23  }
0x5a: {  	[tilespmem:$0x740] =	vst v24  }
0x5b: {  	[tilespmem:$0x750] =	vst v25  }
0x5c: {  	[tilespmem:$0x760] =	vst v26  }
0x5d: {  	[tilespmem:$0x770] =	vst v27  }
0x5e: {  	[tilespmem:$0x7A0] =	vst v22  }
0x5f: {  	[tilespmem:$0x7B0] =	vst v23  }
0x60: {  	[tilespmem:$0x7C0] =	vst v24  }
0x61: {  	[tilespmem:$0x7D0] =	vst v25  }
0x62: {  	[tilespmem:$0x7E0] =	vst v26  }
0x63: {  	[tilespmem:$0x7F0] =	vst v27  }
0x64: {  	[tilespmem:$0xB20] =	vst v22  }
0x65: {  	v28 =	vld [tilespmem:$0x380];
	[tilespmem:$0xB30] =	vst v23  }
0x66: {  	v29 =	vld [tilespmem:$0x390];
	[tilespmem:$0xB40] =	vst v24  }
0x67: {  	v30 =	vld [tilespmem:$0x3A0];
	[tilespmem:$0xB50] =	vst v25  }
0x68: {  	v31 =	vld [tilespmem:$0x3B0];
	[tilespmem:$0xB60] =	vst v26  }
0x69: {  	v32 =	vld [tilespmem:$0x3C0];
	[tilespmem:$0xB70] =	vst v27  }
0x6a: {  	v33 =	vld [tilespmem:$0x3D0];
	[tilespmem:$0xB80] =	vst v28  }
0x6b: {  	v34 =	vld [tilespmem:$0x3E0];
	[tilespmem:$0xB90] =	vst v29  }
0x6c: {  	v35 =	vld [tilespmem:$0x3F0];
	[tilespmem:$0xBA0] =	vst v30  }
0x6d: {  	[tilespmem:$0xBB0] =	vst v31  }
0x6e: {  	[tilespmem:$0xBC0] =	vst v32  }
0x6f: {  	[tilespmem:$0xBD0] =	vst v33  }
0x70: {  	[tilespmem:$0xBE0] =	vst v34  }
0x71: {  	[tilespmem:$0xBF0] =	vst v35  }
0x72: {  	[tilespmem:$0xF00] =	vst v28  }
0x73: {  	[tilespmem:$0xF10] =	vst v29  }
0x74: {  	[tilespmem:$0xF20] =	vst v30  }
0x75: {  	[tilespmem:$0xF30] =	vst v31  }
0x76: {  	[tilespmem:$0xF40] =	vst v32  }
0x77: {  	[tilespmem:$0xF50] =	vst v33  }
0x78: {  	[tilespmem:$0xF60] =	vst v34  }
0x79: {  	[tilespmem:$0xF70] =	vst v35  }
0x7a: {  	[tilespmem:$0xFA0] =	vst v22  }
0x7b: {  	[tilespmem:$0xFB0] =	vst v23  }
0x7c: {  	[tilespmem:$0xFC0] =	vst v24  }
0x7d: {  	[tilespmem:$0xFD0] =	vst v25  }
0x7e: {  	[tilespmem:$0xFE0] =	vst v26  }
0x7f: {  	[tilespmem:$0xFF0] =	vst v27  }
0x80: {  	[tilespmem:$0x1300] =	vst v28  }
0x81: {  	[tilespmem:$0x1310] =	vst v29  }
0x82: {  	[tilespmem:$0x1320] =	vst v30  }
0x83: {  	[tilespmem:$0x1330] =	vst v31  }
0x84: {  	[tilespmem:$0x1340] =	vst v32  }
0x85: {  	[tilespmem:$0x1350] =	vst v33  }
0x86: {  	[tilespmem:$0x1360] =	vst v34  }
0x87: {  	[tilespmem:$0x1370] =	vst v35  }
0x88: {  	[tilespmem:$0x1380] =	vst v28  }
0x89: {  	[tilespmem:$0x1390] =	vst v29  }
0x8a: {  	[tilespmem:$0x13A0] =	vst v30  }
0x8b: {  	v36 =	vld [tilespmem:$0x420];
	[tilespmem:$0x13B0] =	vst v31  }
0x8c: {  	v37 =	vld [tilespmem:$0x430];
	[tilespmem:$0x13C0] =	vst v32  }
0x8d: {  	v38 =	vld [tilespmem:$0x440];
	[tilespmem:$0x13D0] =	vst v33  }
0x8e: {  	v39 =	vld [tilespmem:$0x450];
	[tilespmem:$0x13E0] =	vst v34  }
0x8f: {  	v40 =	vld [tilespmem:$0x460];
	[tilespmem:$0x13F0] =	vst v35  }
0x90: {  	v41 =	vld [tilespmem:$0x470];
	[tilespmem:$0x820] =	vst v36  }
0x91: {  	[tilespmem:$0x830] =	vst v37  }
0x92: {  	[tilespmem:$0x840] =	vst v38  }
0x93: {  	[tilespmem:$0x850] =	vst v39  }
0x94: {  	[tilespmem:$0x860] =	vst v40  }
0x95: {  	[tilespmem:$0x870] =	vst v41  }
0x96: {  	[tilespmem:$0x8A0] =	vst v36  }
0x97: {  	[tilespmem:$0x8B0] =	vst v37  }
0x98: {  	[tilespmem:$0x8C0] =	vst v38  }
0x99: {  	[tilespmem:$0x8D0] =	vst v39  }
0x9a: {  	[tilespmem:$0x8E0] =	vst v40  }
0x9b: {  	[tilespmem:$0x8F0] =	vst v41  }
0x9c: {  	[tilespmem:$0xC20] =	vst v36  }
0x9d: {  	v42 =	vld [tilespmem:$0x480];
	[tilespmem:$0xC30] =	vst v37  }
0x9e: {  	v43 =	vld [tilespmem:$0x490];
	[tilespmem:$0xC40] =	vst v38  }
0x9f: {  	v44 =	vld [tilespmem:$0x4A0];
	[tilespmem:$0xC50] =	vst v39  }
0xa0: {  	v45 =	vld [tilespmem:$0x4B0];
	[tilespmem:$0xC60] =	vst v40  }
0xa1: {  	v46 =	vld [tilespmem:$0x4C0];
	[tilespmem:$0xC70] =	vst v41  }
0xa2: {  	v47 =	vld [tilespmem:$0x4D0];
	[tilespmem:$0xC80] =	vst v42  }
0xa3: {  	v48 =	vld [tilespmem:$0x4E0];
	[tilespmem:$0xC90] =	vst v43  }
0xa4: {  	v49 =	vld [tilespmem:$0x4F0];
	[tilespmem:$0xCA0] =	vst v44  }
0xa5: {  	[tilespmem:$0xCB0] =	vst v45  }
0xa6: {  	[tilespmem:$0xCC0] =	vst v46  }
0xa7: {  	[tilespmem:$0xCD0] =	vst v47  }
0xa8: {  	[tilespmem:$0xCE0] =	vst v48  }
0xa9: {  	[tilespmem:$0xCF0] =	vst v49  }
0xaa: {  	[tilespmem:$0x1000] =	vst v42  }
0xab: {  	[tilespmem:$0x1010] =	vst v43  }
0xac: {  	[tilespmem:$0x1020] =	vst v44  }
0xad: {  	[tilespmem:$0x1030] =	vst v45  }
0xae: {  	[tilespmem:$0x1040] =	vst v46  }
0xaf: {  	[tilespmem:$0x1050] =	vst v47  }
0xb0: {  	[tilespmem:$0x1060] =	vst v48  }
0xb1: {  	[tilespmem:$0x1070] =	vst v49  }
0xb2: {  	[tilespmem:$0x10A0] =	vst v36  }
0xb3: {  	[tilespmem:$0x10B0] =	vst v37  }
0xb4: {  	[tilespmem:$0x10C0] =	vst v38  }
0xb5: {  	[tilespmem:$0x10D0] =	vst v39  }
0xb6: {  	[tilespmem:$0x10E0] =	vst v40  }
0xb7: {  	[tilespmem:$0x10F0] =	vst v41  }
0xb8: {  	[tilespmem:$0x1400] =	vst v42  }
0xb9: {  	[tilespmem:$0x1410] =	vst v43  }
0xba: {  	[tilespmem:$0x1420] =	vst v44  }
0xbb: {  	[tilespmem:$0x1430] =	vst v45  }
0xbc: {  	[tilespmem:$0x1440] =	vst v46  }
0xbd: {  	[tilespmem:$0x1450] =	vst v47  }
0xbe: {  	[tilespmem:$0x1460] =	vst v48  }
0xbf: {  	[tilespmem:$0x1470] =	vst v49  }
0xc0: {  	[tilespmem:$0x1480] =	vst v42  }
0xc1: {  	[tilespmem:$0x1490] =	vst v43  }
0xc2: {  	[tilespmem:$0x14A0] =	vst v44  }
0xc3: {  	v50 =	vld [tilespmem:$0x520];
	[tilespmem:$0x14B0] =	vst v45  }
0xc4: {  	v51 =	vld [tilespmem:$0x530];
	[tilespmem:$0x14C0] =	vst v46  }
0xc5: {  	v52 =	vld [tilespmem:$0x540];
	[tilespmem:$0x14D0] =	vst v47  }
0xc6: {  	v53 =	vld [tilespmem:$0x550];
	[tilespmem:$0x14E0] =	vst v48  }
0xc7: {  	v54 =	vld [tilespmem:$0x560];
	[tilespmem:$0x14F0] =	vst v49  }
0xc8: {  	v55 =	vld [tilespmem:$0x570];
	[tilespmem:$0x920] =	vst v50  }
0xc9: {  	[tilespmem:$0x930] =	vst v51  }
0xca: {  	[tilespmem:$0x940] =	vst v52  }
0xcb: {  	[tilespmem:$0x950] =	vst v53  }
0xcc: {  	[tilespmem:$0x960] =	vst v54  }
0xcd: {  	[tilespmem:$0x970] =	vst v55  }
0xce: {  	[tilespmem:$0x9A0] =	vst v50  }
0xcf: {  	[tilespmem:$0x9B0] =	vst v51  }
0xd0: {  	[tilespmem:$0x9C0] =	vst v52  }
0xd1: {  	[tilespmem:$0x9D0] =	vst v53  }
0xd2: {  	[tilespmem:$0x9E0] =	vst v54  }
0xd3: {  	[tilespmem:$0x9F0] =	vst v55  }
0xd4: {  	[tilespmem:$0xD20] =	vst v50  }
0xd5: {  	v56 =	vld [tilespmem:$0x580];
	[tilespmem:$0xD30] =	vst v51  }
0xd6: {  	v57 =	vld [tilespmem:$0x590];
	[tilespmem:$0xD40] =	vst v52  }
0xd7: {  	v58 =	vld [tilespmem:$0x5A0];
	[tilespmem:$0xD50] =	vst v53  }
0xd8: {  	v59 =	vld [tilespmem:$0x5B0];
	[tilespmem:$0xD60] =	vst v54  }
0xd9: {  	v60 =	vld [tilespmem:$0x5C0];
	[tilespmem:$0xD70] =	vst v55  }
0xda: {  	v61 =	vld [tilespmem:$0x5D0];
	[tilespmem:$0xD80] =	vst v56  }
0xdb: {  	v62 =	vld [tilespmem:$0x5E0];
	[tilespmem:$0xD90] =	vst v57  }
0xdc: {  	v63 =	vld [tilespmem:$0x5F0];
	[tilespmem:$0xDA0] =	vst v58  }
0xdd: {  	[tilespmem:$0xDB0] =	vst v59  }
0xde: {  	[tilespmem:$0xDC0] =	vst v60  }
0xdf: {  	[tilespmem:$0xDD0] =	vst v61  }
0xe0: {  	[tilespmem:$0xDE0] =	vst v62  }
0xe1: {  	[tilespmem:$0xDF0] =	vst v63  }
0xe2: {  	[tilespmem:$0x1100] =	vst v56  }
0xe3: {  	[tilespmem:$0x1110] =	vst v57  }
0xe4: {  	[tilespmem:$0x1120] =	vst v58  }
0xe5: {  	[tilespmem:$0x1130] =	vst v59  }
0xe6: {  	[tilespmem:$0x1140] =	vst v60  }
0xe7: {  	[tilespmem:$0x1150] =	vst v61  }
0xe8: {  	[tilespmem:$0x1160] =	vst v62  }
0xe9: {  	[tilespmem:$0x1170] =	vst v63  }
0xea: {  	[tilespmem:$0x11A0] =	vst v50  }
0xeb: {  	[tilespmem:$0x11B0] =	vst v51  }
0xec: {  	[tilespmem:$0x11C0] =	vst v52  }
0xed: {  	[tilespmem:$0x11D0] =	vst v53  }
0xee: {  	[tilespmem:$0x11E0] =	vst v54  }
0xef: {  	[tilespmem:$0x11F0] =	vst v55  }
0xf0: {  	[tilespmem:$0x1500] =	vst v56  }
0xf1: {  	[tilespmem:$0x1510] =	vst v57  }
0xf2: {  	[tilespmem:$0x1520] =	vst v58  }
0xf3: {  	[tilespmem:$0x1530] =	vst v59  }
0xf4: {  	[tilespmem:$0x1540] =	vst v60  }
0xf5: {  	v2 =	vld [tilespmem:$0x300];
	[tilespmem:$0x1550] =	vst v61  }
0xf6: {  	v3 =	vld [tilespmem:$0x310];
	[tilespmem:$0x1560] =	vst v62  }
0xf7: {  	[tilespmem:$0x1570] =	vst v63  }
0xf8: {  	[tilespmem:$0x1580] =	vst v56  }
0xf9: {  	[tilespmem:$0x1590] =	vst v57  }
0xfa: {  	[tilespmem:$0x700] =	vst v2  }
0xfb: {  	[tilespmem:$0x710] =	vst v3  }
0xfc: {  	[tilespmem:$0x780] =	vst v2  }
0xfd: {  	[tilespmem:$0x790] =	vst v3  }
0xfe: {  	[tilespmem:$0xB00] =	vst v2  }
0xff: {  	[tilespmem:$0xB10] =	vst v3  }
0x100: {  	[tilespmem:$0xF80] =	vst v2;
	v2 =	vld [tilespmem:$0x400]  }
0x101: {  	[tilespmem:$0xF90] =	vst v3;
	v3 =	vld [tilespmem:$0x410]  }
0x102: {  	[tilespmem:$0x15A0] =	vst v58  }
0x103: {  	[tilespmem:$0x15B0] =	vst v59  }
0x104: {  	[tilespmem:$0x15C0] =	vst v60  }
0x105: {  	[tilespmem:$0x800] =	vst v2  }
0x106: {  	[tilespmem:$0x810] =	vst v3  }
0x107: {  	[tilespmem:$0x880] =	vst v2  }
0x108: {  	[tilespmem:$0x890] =	vst v3  }
0x109: {  	[tilespmem:$0xC00] =	vst v2  }
0x10a: {  	[tilespmem:$0xC10] =	vst v3  }
0x10b: {  	[tilespmem:$0x1080] =	vst v2;
	v2 =	vld [tilespmem:$0x500]  }
0x10c: {  	[tilespmem:$0x1090] =	vst v3;
	v3 =	vld [tilespmem:$0x510]  }
0x10d: {  	[tilespmem:$0x15D0] =	vst v61  }
0x10e: {  	[tilespmem:$0x15E0] =	vst v62  }
0x10f: {  	[tilespmem:$0x15F0] =	vst v63  }
0x110: {  	[tilespmem:$0x900] =	vst v2  }
0x111: {  	[tilespmem:$0x910] =	vst v3  }
0x112: {  	[tilespmem:$0x980] =	vst v2  }
0x113: {  	[tilespmem:$0x990] =	vst v3  }
0x114: {  	[tilespmem:$0xD00] =	vst v2  }
0x115: {  	[tilespmem:$0xD10] =	vst v3  }
0x116: {  	[tilespmem:$0x1180] =	vst v2  }
0x117: {  	[tilespmem:$0x1190] =	vst v3  }
0x118: {  	_ =	swait.ge [sflag:s11], $0x200  }
0x119: {  	[sflag:s11] =	ssyncset.done $0x0  }
0x11a: {  	[sflag:s11] =	ssyncadd.s32 $0xFFFFFE00  }
0x11b: {  	v2 =	vld [tilespmem:s3+$0x0];
	_ =	sdelay $0x4  }
0x11c: {  	v2 =	vshll.u32 v2, v0  }
0x11d: {  	v3 =	vperm.xlane v2, v1;
	_ =	sdelay $0x1  }
0x11e: {  	v2 =	vadd.s32 v3, v2  }
0x11f: {  	v2 =	vshll.u32 v2, $0xC  }
0x120: {  	v2 =	vshra.s32 v2, $0x2  }
0x121: {  	v2 =	vadd.s32 $0x600, v2  }
0x122: {  	(v2sf) =	vpush v2, $0x0;
	_ =	sdelay $0x1  }
0x123: {  	(v2sf) =	vpush v2, $0x2  }
0x124: {  	(v2sf) =	vpush v2, $0x4;
	_ =	sdelay $0x1  }
0x125: {  	(v2sf) =	vpush v2, $0x6;
	_ =	sdelay $0x1  }
0x126: {  	(v2sf) =	vpush v2, $0x8;
	_ =	sdelay $0x1  }
0x127: {  	(v2sf) =	vpush v2, $0xA;
	_ =	sdelay $0x1  }
0x128: {  	(v2sf) =	vpush v2, $0xC;
	_ =	sdelay $0x1  }
0x129: {  	(v2sf) =	vpush v2, $0xE;
	_ =	sdelay $0x1  }
0x12a: {  	s16 =	sadd.s32 $0x0, s6;
	s14 =	simm.s32 $0x100;
	s15 =	spop (v2sf)  }
0x12b: {  	[hbm4b:s16+s14] =	stream.strided.scatter [tilespmem:s15], [sflag:$0x1], $0x400, s8, s14, $0x38;
	[tilespmem:$0x1600] =	vst v63  }
0x12c: {  	s17 =	spop (v2sf)  }
0x12d: {  	s20 =	sadd.s32 $0x20, s16;
	s22 =	spop (v2sf)  }
0x12e: {  	[hbm4b:s20+s14] =	stream.strided.scatter [tilespmem:s17], [sflag:$0x1], $0x400, s8, s14, $0x38;
	[tilespmem:$0x1600] =	vst v63  }
0x12f: {  	s21 =	sadd.s32 $0x40, s16;
	s24 =	spop (v2sf)  }
0x130: {  	[hbm4b:s21+s14] =	stream.strided.scatter [tilespmem:s22], [sflag:$0x1], $0x400, s8, s14, $0x38;
	[tilespmem:$0x1600] =	vst v63  }
0x131: {  	s23 =	sadd.s32 $0x60, s16;
	s26 =	spop (v2sf)  }
0x132: {  	[hbm4b:s23+s14] =	stream.strided.scatter [tilespmem:s24], [sflag:$0x1], $0x400, s8, s14, $0x38;
	[tilespmem:$0x1600] =	vst v63  }
0x133: {  	s25 =	sadd.s32 $0x200, s16;
	s28 =	sadd.s32 $0x220, s16;
	s29 =	spop (v2sf)  }
0x134: {  	[hbm4b:s25+s14] =	stream.strided.scatter [tilespmem:s26], [sflag:$0x1], $0x400, s8, s14, $0x38;
	[tilespmem:$0x1600] =	vst v63  }
0x135: {  	s30 =	sadd.s32 $0x240, s16;
	s15 =	simm.s32 $0x400;
	s31 =	spop (v2sf)  }
0x136: {  	[hbm4b:s28+s14] =	stream.strided.scatter [tilespmem:s29], [sflag:$0x1], $0x400, s8, s14, $0x38;
	[tilespmem:$0x1600] =	vst v63  }
0x137: {  	s17 =	sadd.s32 $0x260, s16;
	s16 =	simm.s32 $0x10;
	s18 =	spop (v2sf)  }
0x138: {  	[hbm4b:s30+s14] =	stream.strided.scatter [tilespmem:s31], [sflag:$0x1], $0x400, s8, s14, $0x38;
	[tilespmem:$0x1600] =	vst v63  }
.LBB2_2:
0x139: {  	[hbm4b:s17+s14] =	stream.strided.scatter [tilespmem:s18], [sflag:$0x1], $0x400, s8, s14, $0x38;
	[tilespmem:$0x1600] =	vst v63  }
0x13a: {  	p0 =	sne.s32 s15, $0x7C00;
	s17 =	smov.u32 s15;
	s15 =	sadd.s32 $0x400, s15;
	v2 =	vld [tilespmem:s16+$0x0]  }
0x13b: {  	_ =	sdelay $0x3  }
0x13c: {  	v2 =	vshll.u32 v2, v0  }
0x13d: {  	v3 =	vperm.xlane v2, v1;
	_ =	sdelay $0x1  }
0x13e: {  	v2 =	vadd.s32 v3, v2  }
0x13f: {  	v2 =	vshll.u32 v2, $0xC  }
0x140: {  	v2 =	vshra.s32 v2, $0x2  }
0x141: {  	v2 =	vadd.s32 $0x600, v2  }
0x142: {  	(v2sf) =	vpush v2, $0x0;
	_ =	sdelay $0x1  }
0x143: {  	(v2sf) =	vpush v2, $0x2;
	_ =	sdelay $0x1  }
0x144: {  	(v2sf) =	vpush v2, $0x4;
	_ =	sdelay $0x1  }
0x145: {  	(v2sf) =	vpush v2, $0x6;
	_ =	sdelay $0x1  }
0x146: {  	(v2sf) =	vpush v2, $0x8;
	_ =	sdelay $0x1  }
0x147: {  	(v2sf) =	vpush v2, $0xA;
	_ =	sdelay $0x1  }
0x148: {  	(v2sf) =	vpush v2, $0xC;
	_ =	sdelay $0x1  }
0x149: {  	(v2sf) =	vpush v2, $0xE  }
0x14a: {  	s17 =	sadd.s32 s17, s6;
	s18 =	spop (v2sf)  }
0x14b: {  	[hbm4b:s17+s14] =	stream.strided.scatter [tilespmem:s18], [sflag:$0x1], $0x400, s8, s14, $0x38;
	[tilespmem:$0x1600] =	vst v63  }
0x14c: {  	s18 =	sadd.s32 $0x20, s17;
	s19 =	spop (v2sf)  }
0x14d: {  	[hbm4b:s18+s14] =	stream.strided.scatter [tilespmem:s19], [sflag:$0x1], $0x400, s8, s14, $0x38;
	[tilespmem:$0x1600] =	vst v63  }
0x14e: {  	s18 =	sadd.s32 $0x40, s17;
	s19 =	spop (v2sf)  }
0x14f: {  	[hbm4b:s18+s14] =	stream.strided.scatter [tilespmem:s19], [sflag:$0x1], $0x400, s8, s14, $0x38;
	[tilespmem:$0x1600] =	vst v63  }
0x150: {  	s18 =	sadd.s32 $0x60, s17;
	s19 =	spop (v2sf)  }
0x151: {  	[hbm4b:s18+s14] =	stream.strided.scatter [tilespmem:s19], [sflag:$0x1], $0x400, s8, s14, $0x38;
	[tilespmem:$0x1600] =	vst v63  }
0x152: {  	s18 =	sadd.s32 $0x200, s17;
	s19 =	spop (v2sf)  }
0x153: {  	[hbm4b:s18+s14] =	stream.strided.scatter [tilespmem:s19], [sflag:$0x1], $0x400, s8, s14, $0x38;
	[tilespmem:$0x1600] =	vst v63  }
.Ltmp0:
0x154: {  	s18 =	sadd.s32 $0x220, s17;
	s19 =	spop (v2sf);
	(pc) =	sbr.rel @p0 .LBB2_2-.Ltmp0, $4  }
0x155: {  	[hbm4b:s18+s14] =	stream.strided.scatter [tilespmem:s19], [sflag:$0x1], $0x400, s8, s14, $0x38;
	[tilespmem:$0x1600] =	vst v63  }
0x156: {  	s18 =	sadd.s32 $0x240, s17;
	s19 =	spop (v2sf)  }
0x157: {  	[hbm4b:s18+s14] =	stream.strided.scatter [tilespmem:s19], [sflag:$0x1], $0x400, s8, s14, $0x38;
	[tilespmem:$0x1600] =	vst v63  }
0x158: {  	s16 =	sadd.s32 $0x10, s16;
	s17 =	sadd.s32 $0x260, s17;
	s18 =	spop (v2sf)  }
0x159: {  	[hbm4b:s17+s14] =	stream.strided.scatter [tilespmem:s18], [sflag:$0x1], $0x400, s8, s14, $0x38;
	[tilespmem:$0x1600] =	vst v63  }
0x15a: {  	_ =	swait.ge [sflag:s12], $0x400  }
0x15b: {  	s14 =	simm.s32 $0xFF;
	[sflag:s12] =	ssyncset.done $0x0  }
.LBB2_4:
0x15c: {  	p0 =	sne.s32 s14, $0x1;
	s14 =	sadd.s32 $0xFFFFFFFF, s14;
	[sflag:s12] =	ssyncadd.s32 $0xFFFFFC00  }
.Ltmp1:
0x15d: {  	(pc) =	sbr.rel @p0 .LBB2_4-.Ltmp1, $3  }
0x15e: {  	_ =	sdelay $0x1  }
0x15f: {  	_ =	swait.ge [sflag:s12], $0x400  }
0x160: {  	[sflag:s12] =	ssyncset.done $0x0  }
0x161: {  	s13 =	sadd.s32 $0x1, s13  }
0x162: {  	p0 =	sne.s32 s13, s5  }
.Ltmp2:
0x163: {  	_ = 	snop;
	(pc) =	sbr.rel @p0 .LBB2_1-.Ltmp2, $2  }
0x164: {  	_ =	sdelay $0x2  }
0x165: {  	[sflag:s12] =	ssyncadd.s32 $0xFFFFFC00  }
0x166: {  	_ =	sfence.sel $0x180000  }
0x167: {  	[bflag:$0x0] =	sbarrier.arrive $0xFFFF  }
0x168: {  	p0 =	sne.s32 s0, $0x0;
	_ =	strace $0x90000047  }
0x169: {  	s0 =	sadd.s32 @!p0 $0x100000, s2;
	[bflag:$0x2] =	sbarrier.arrive $0xFFFF  }
0x16a: {  	[sflag:s0] =	ssyncadd.tile.s32 @!p0 $0x1;
	_ =	shalt  }
.Lfunc_end2:
_tile_overlayer_lowered:
.L_overlay_start_2:
0x16b: {  	(tag) =	ssettag $0x2  }
0x16c: {  	s0 =	rddreg [dreg:$0x0];
	s2 =	stileid.u32  }
0x16d: {  	s1 =	rddreg [dreg:$0x1];
	p0 =	sne.s32 s2, $0x0  }
0x16e: {  	s3 =	rddreg [dreg:$0x2];
	[bflag:$0x3] =	sbarrier.arrive $0xFFFF;
	s2 =	simm.s32 @!p0 $0x1C04  }
0x16f: {  	[timem:s3], [sflag:s2] =	dma.local @!p0 [hbm:s0], s1  }
0x170: {  	s0 =	simm.s32 @!p0 $0x4  }
0x171: {  	_ =	swait.ge @!p0 [sflag:s0], s1  }
0x172: {  	s1 =	ssub.s32 @!p0 $0x0, s1;
	[sflag:s0] =	ssyncset.done @!p0 $0x0  }
0x173: {  	[sflag:s0] =	ssyncadd.s32 @!p0 s1  }
0x174: {  	[bflag:$0x3] =	sbarrier.arrive $0xFFFF  }
0x175: {  	_ =	shalt  }

</sc_bundles>
